<compile_context>
chip_gen: v7x
topology: tpu7x:2x2x1
jax: 0.10.2.dev20260603
libtpu: 0.0.44.dev20260713+nightly
codegen_flags: <defaults>
</compile_context>

<pallas_src>
import functools

import jax
import jax.numpy as jnp
from jax import lax
from jax.experimental import pallas as pl
from jax.experimental.pallas import tpu as pltpu
from jax.experimental.pallas import tpu_sc as plsc

N = 10000
E = 320000
NFEAT = 128
NHID = 128
NCLASS = 16
EPS = 1e-5

NC = 2
NS = 16
NW = NC * NS
EW = E // NW
B16 = 125
KS16 = EW // B16
B50 = 40
KS50 = EW // B50
RPT = 640
NP = RPT * NS

R = 1000
GRID = N // R



def _sc_agg(feat, b, ks, nbuf):
    assert ks % nbuf == 0
    mesh = plsc.VectorSubcoreMesh(core_axis_name="c", subcore_axis_name="s")

    @functools.partial(
        pl.kernel,
        out_type=jax.ShapeDtypeStruct((NC, NP, feat), jnp.float32),
        mesh=mesh,
        scratch_types=[
            pltpu.VMEM((ks, b), jnp.int32),
            pltpu.VMEM((ks, b), jnp.int32),
            [pltpu.VMEM((b, feat), jnp.float32)] * nbuf,
            pltpu.VMEM_SHARED((NP, feat), jnp.float32),
            [pltpu.SemaphoreType.DMA] * nbuf,
            [pltpu.SemaphoreType.DMA] * nbuf,
        ],
        compiler_params=pltpu.CompilerParams(use_tc_tiling_on_sc=False),
    )
    def agg(g_hbm, src_hbm, dst_hbm, zrow_hbm, out_hbm,
            sidx, didx, rows, acc, gsem, ssem):
        c = lax.axis_index("c")
        s = lax.axis_index("s")
        wid = s * NC + c
        pltpu.sync_copy(src_hbm.at[wid], sidx)
        pltpu.sync_copy(dst_hbm.at[wid], didx)
        for j in range(nbuf - 1):
            pltpu.async_copy(g_hbm.at[sidx.at[j]], rows[j], gsem[j])
        pltpu.sync_copy(zrow_hbm, acc.at[pl.ds(s * RPT, RPT)])
        plsc.subcore_barrier()

        def outer(i, carry):
            for bb in range(nbuf):
                j = i * nbuf + bb
                jn = j + nbuf - 1
                bn = (bb + nbuf - 1) % nbuf

                @pl.when(jn < ks)
                def _issue():
                    def drain_then_gather():
                        pltpu.make_async_copy(
                            rows[bn], acc.at[didx.at[jn - nbuf]], ssem[bn]).wait()

                    if bb > 0:
                        drain_then_gather()
                    else:
                        pl.when(i >= 1)(drain_then_gather)
                    pltpu.async_copy(g_hbm.at[sidx.at[jn]], rows[bn], gsem[bn])

                pltpu.make_async_copy(g_hbm.at[sidx.at[j]], rows[bb], gsem[bb]).wait()
                pltpu.async_copy(rows[bb], acc.at[didx.at[j]], ssem[bb], add=True)
            return carry

        lax.fori_loop(0, ks // nbuf, outer, 0)
        for bb in range(nbuf):
            pltpu.make_async_copy(
                rows[bb], acc.at[didx.at[ks - nbuf + bb]], ssem[bb]).wait()
        plsc.subcore_barrier()
        pltpu.sync_copy(acc.at[pl.ds(s * RPT, RPT)],
                        out_hbm.at[c, pl.ds(s * RPT, RPT)])

    return agg


def _sc_deg():
    mesh = plsc.VectorSubcoreMesh(core_axis_name="c", subcore_axis_name="s")

    @functools.partial(
        pl.kernel,
        out_type=jax.ShapeDtypeStruct((NC, NP, NCLASS), jnp.float32),
        mesh=mesh,
        scratch_types=[
            pltpu.VMEM((KS16, B16), jnp.int32),
            pltpu.VMEM((B16, NCLASS), jnp.float32),
            pltpu.VMEM_SHARED((NP, NCLASS), jnp.float32),
        ],
        compiler_params=pltpu.CompilerParams(use_tc_tiling_on_sc=False),
    )
    def deg(ones_hbm, dst_hbm, zrow_hbm, out_hbm, didx, ones_v, acc):
        c = lax.axis_index("c")
        s = lax.axis_index("s")
        wid = s * NC + c
        pltpu.sync_copy(zrow_hbm, acc.at[pl.ds(s * RPT, RPT)])
        pltpu.sync_copy(dst_hbm.at[wid], didx)
        pltpu.sync_copy(ones_hbm, ones_v)
        plsc.subcore_barrier()

        def step(j, carry):
            pltpu.sync_copy(ones_v, acc.at[didx.at[j]], add=True)
            return carry

        lax.fori_loop(0, KS16, step, 0)
        plsc.subcore_barrier()
        pltpu.sync_copy(acc.at[pl.ds(s * RPT, RPT)],
                        out_hbm.at[c, pl.ds(s * RPT, RPT)])

    return deg



def _t_first(degp, x, w1):
    def body(degp_ref, x_ref, w_ref, dinv_ref, g_ref):
        deg = degp_ref[0, :, 0:1] + degp_ref[1, :, 0:1] + 1.0
        dinv = lax.rsqrt(deg)
        dinv_ref[...] = dinv
        g_ref[...] = jnp.dot(x_ref[...], w_ref[...],
                             preferred_element_type=jnp.float32) * dinv

    return pl.pallas_call(
        body,
        grid=(GRID,),
        in_specs=[
            pl.BlockSpec((NC, R, NCLASS), lambda i: (0, i, 0)),
            pl.BlockSpec((R, NFEAT), lambda i: (i, 0)),
            pl.BlockSpec((NFEAT, NHID), lambda i: (0, 0)),
        ],
        out_specs=[
            pl.BlockSpec((R, 1), lambda i: (i, 0)),
            pl.BlockSpec((R, NHID), lambda i: (i, 0)),
        ],
        out_shape=[
            jax.ShapeDtypeStruct((N, 1), jnp.float32),
            jax.ShapeDtypeStruct((N, NHID), jnp.float32),
        ],
    )(degp, x, w1)


def _t_mid(parts, g, dinv, b, lng, lnb, w):
    fout = w.shape[1]

    def body(p_ref, g_ref, dinv_ref, b_ref, lng_ref, lnb_ref, w_ref, out_ref):
        dinv = dinv_ref[...]
        agg = (p_ref[0] + p_ref[1] + g_ref[...]) * dinv + b_ref[...]
        mean = jnp.mean(agg, axis=-1, keepdims=True)
        cen = agg - mean
        var = jnp.mean(cen * cen, axis=-1, keepdims=True)
        xn = cen * lax.rsqrt(var + EPS) * lng_ref[...] + lnb_ref[...]
        xr = jnp.maximum(xn, 0.0)
        out_ref[...] = jnp.dot(xr, w_ref[...],
                               preferred_element_type=jnp.float32) * dinv

    return pl.pallas_call(
        body,
        grid=(GRID,),
        in_specs=[
            pl.BlockSpec((NC, R, NHID), lambda i: (0, i, 0)),
            pl.BlockSpec((R, NHID), lambda i: (i, 0)),
            pl.BlockSpec((R, 1), lambda i: (i, 0)),
            pl.BlockSpec((1, NHID), lambda i: (0, 0)),
            pl.BlockSpec((1, NHID), lambda i: (0, 0)),
            pl.BlockSpec((1, NHID), lambda i: (0, 0)),
            pl.BlockSpec((NHID, fout), lambda i: (0, 0)),
        ],
        out_specs=pl.BlockSpec((R, fout), lambda i: (i, 0)),
        out_shape=jax.ShapeDtypeStruct((N, fout), jnp.float32),
    )(parts, g, dinv, b, lng, lnb, w)


def _t_last(parts, g, dinv, b):
    def body(p_ref, g_ref, dinv_ref, b_ref, out_ref):
        logits = (p_ref[0] + p_ref[1] + g_ref[...]) * dinv_ref[...] + b_ref[...]
        m = jnp.max(logits, axis=-1, keepdims=True)
        z = logits - m
        lse = jnp.log(jnp.sum(jnp.exp(z), axis=-1, keepdims=True))
        out_ref[...] = z - lse

    return pl.pallas_call(
        body,
        grid=(GRID,),
        in_specs=[
            pl.BlockSpec((NC, R, NCLASS), lambda i: (0, i, 0)),
            pl.BlockSpec((R, NCLASS), lambda i: (i, 0)),
            pl.BlockSpec((R, 1), lambda i: (i, 0)),
            pl.BlockSpec((1, NCLASS), lambda i: (0, 0)),
        ],
        out_specs=pl.BlockSpec((R, NCLASS), lambda i: (i, 0)),
        out_shape=jax.ShapeDtypeStruct((N, NCLASS), jnp.float32),
    )(parts, g, dinv, b)



def kernel(x, edge_index, W1, b1, W2, b2, W3, b3, ln1_g, ln1_b, ln2_g, ln2_b):
    src3d16 = edge_index[0].reshape(NW, KS16, B16)
    dst3d16 = edge_index[1].reshape(NW, KS16, B16)
    src50 = edge_index[0].reshape(NW, KS50, B50)
    dst50 = edge_index[1].reshape(NW, KS50, B50)
    ones16 = jnp.ones((B16, NCLASS), jnp.float32)
    z16 = jnp.zeros((RPT, NCLASS), jnp.float32)
    z128 = jnp.zeros((RPT, NHID), jnp.float32)
    b1r, b2r = b1.reshape(1, NHID), b2.reshape(1, NHID)
    b3r = b3.reshape(1, NCLASS)
    ln1gr, ln1br = ln1_g.reshape(1, NHID), ln1_b.reshape(1, NHID)
    ln2gr, ln2br = ln2_g.reshape(1, NHID), ln2_b.reshape(1, NHID)

    degp = _sc_deg()(ones16, dst3d16, z16)
    dinv, g1 = _t_first(degp, x, W1)
    p1 = _sc_agg(NHID, B50, KS50, 5)(g1, src50, dst50, z128)
    g2 = _t_mid(p1, g1, dinv, b1r, ln1gr, ln1br, W2)
    p2 = _sc_agg(NHID, B50, KS50, 5)(g2, src50, dst50, z128)
    g3 = _t_mid(p2, g2, dinv, b2r, ln2gr, ln2br, W3)
    p3 = _sc_agg(NCLASS, B16, KS16, 8)(g3, src3d16, dst3d16, z16)
    return _t_last(p3, g3, dinv, b3r)

# --- scband reference (transcript-rebuilt; emitter-appended) ---
"""Pipeline reference for scband-gcn-16415365005351 (READ-ONLY COPY).

The authoritative reference and input builder live on the scoring server;
editing this copy changes nothing except your own understanding.
"""

import jax, jax.numpy as jnp
import numpy as np

N = 10000
E = 320000
NFEAT = 128
NHID = 128
NCLASS = 16
EPS = 1e-5


def setup_inputs(seed: int = 0) -> dict:
    key = jax.random.key(seed)
    ks = jax.random.split(key, 12)
    x = jax.random.normal(ks[0], (N, NFEAT), dtype=jnp.float32)
    edge_index = jax.random.randint(ks[1], (2, E), 0, N, dtype=jnp.int32)
    def glorot(k, shape):
        limit = np.sqrt(6.0 / (shape[0] + shape[1]))
        return jax.random.uniform(k, shape, jnp.float32, -limit, limit)
    W1 = glorot(ks[2], (NFEAT, NHID))
    b1 = jnp.zeros((NHID,), jnp.float32)
    W2 = glorot(ks[3], (NHID, NHID))
    b2 = jnp.zeros((NHID,), jnp.float32)
    W3 = glorot(ks[4], (NHID, NCLASS))
    b3 = jnp.zeros((NCLASS,), jnp.float32)
    ln1_g = jnp.ones((NHID,), jnp.float32)
    ln1_b = jnp.zeros((NHID,), jnp.float32)
    ln2_g = jnp.ones((NHID,), jnp.float32)
    ln2_b = jnp.zeros((NHID,), jnp.float32)
    return {"x": x, "edge_index": edge_index, "W1": W1, "b1": b1, "W2": W2, "b2": b2, "W3": W3, "b3": b3, "ln1_g": ln1_g, "ln1_b": ln1_b, "ln2_g": ln2_g, "ln2_b": ln2_b}


def layer_norm(x, g, b):
    mean = jnp.mean(x, axis=-1, keepdims=True)
    var = jnp.mean(jnp.square(x - mean), axis=-1, keepdims=True)
    return (x - mean) * jax.lax.rsqrt(var + EPS) * g + b


def gcn_conv(x, edge_index, W, b):
    # x' = x @ W; then symmetric-normalized aggregation with self-loops (PyG GCNConv)
    h = x @ W
    ar = jnp.arange(N, dtype=edge_index.dtype)
    src = jnp.concatenate([edge_index[0], ar])
    dst = jnp.concatenate([edge_index[1], ar])
    ew = jnp.ones(src.shape[0], dtype=h.dtype)
    deg = jax.ops.segment_sum(ew, dst, num_segments=N)
    dinv = jnp.where(deg > 0, jax.lax.rsqrt(deg), 0.0)
    norm = dinv[src] * dinv[dst]
    msg = h[src] * norm[:, None]
    out = jax.ops.segment_sum(msg, dst, num_segments=N)
    return out + b


def reference(x, edge_index, W1, b1, W2, b2, W3, b3, ln1_g, ln1_b, ln2_g, ln2_b):
    # layer 1
    h = gcn_conv(x, edge_index, W1, b1)
    h = layer_norm(h, ln1_g, ln1_b)
    h = jax.nn.relu(h)  # dropout is identity in eval mode
    # layer 2
    h = gcn_conv(h, edge_index, W2, b2)
    h = layer_norm(h, ln2_g, ln2_b)
    h = jax.nn.relu(h)
    # output layer
    h = gcn_conv(h, edge_index, W3, b3)
    return jax.nn.log_softmax(h, axis=-1)

if __name__ == "__main__":
    import jax
    _d = setup_inputs()
    print(jax.jit(kernel)(*tuple(_d.values())))

</pallas_src>

<mosaic_0001>
#map = affine_map<(d0, d1) -> (0, 0)>
#map1 = affine_map<(d0, d1) -> (0, 0, 0)>
module attributes {stable_mosaic.version = 14 : i64} {
  func.func @agg(%arg0: i32, %arg1: i32, %arg2: memref<10000x16xf32, #tpu.memory_space<hbm>>, %arg3: memref<32x80x125xi32, #tpu.memory_space<hbm>>, %arg4: memref<32x80x125xi32, #tpu.memory_space<hbm>>, %arg5: memref<640x16xf32, #tpu.memory_space<hbm>>, %arg6: memref<2x10240x16xf32, #tpu.memory_space<hbm>>, %arg7: memref<80x125xi32, #tpu.memory_space<vmem>>, %arg8: memref<80x125xi32, #tpu.memory_space<vmem>>, %arg9: memref<125x16xf32, #tpu.memory_space<vmem>>, %arg10: memref<125x16xf32, #tpu.memory_space<vmem>>, %arg11: memref<125x16xf32, #tpu.memory_space<vmem>>, %arg12: memref<125x16xf32, #tpu.memory_space<vmem>>, %arg13: memref<125x16xf32, #tpu.memory_space<vmem>>, %arg14: memref<125x16xf32, #tpu.memory_space<vmem>>, %arg15: memref<125x16xf32, #tpu.memory_space<vmem>>, %arg16: memref<125x16xf32, #tpu.memory_space<vmem>>, %arg17: memref<10240x16xf32, #tpu.memory_space<vmem_shared>>, %arg18: memref<!tpu.dma_semaphore, #tpu.memory_space<semaphore_mem>>, %arg19: memref<!tpu.dma_semaphore, #tpu.memory_space<semaphore_mem>>, %arg20: memref<!tpu.dma_semaphore, #tpu.memory_space<semaphore_mem>>, %arg21: memref<!tpu.dma_semaphore, #tpu.memory_space<semaphore_mem>>, %arg22: memref<!tpu.dma_semaphore, #tpu.memory_space<semaphore_mem>>, %arg23: memref<!tpu.dma_semaphore, #tpu.memory_space<semaphore_mem>>, %arg24: memref<!tpu.dma_semaphore, #tpu.memory_space<semaphore_mem>>, %arg25: memref<!tpu.dma_semaphore, #tpu.memory_space<semaphore_mem>>, %arg26: memref<!tpu.dma_semaphore, #tpu.memory_space<semaphore_mem>>, %arg27: memref<!tpu.dma_semaphore, #tpu.memory_space<semaphore_mem>>, %arg28: memref<!tpu.dma_semaphore, #tpu.memory_space<semaphore_mem>>, %arg29: memref<!tpu.dma_semaphore, #tpu.memory_space<semaphore_mem>>, %arg30: memref<!tpu.dma_semaphore, #tpu.memory_space<semaphore_mem>>, %arg31: memref<!tpu.dma_semaphore, #tpu.memory_space<semaphore_mem>>, %arg32: memref<!tpu.dma_semaphore, #tpu.memory_space<semaphore_mem>>, %arg33: memref<!tpu.dma_semaphore, #tpu.memory_space<semaphore_mem>>) attributes {dimension_semantics = [#tpu.dimension_semantics<core_parallel>, #tpu.dimension_semantics<subcore_parallel>], iteration_bounds = array<i64: 2, 16>, scalar_prefetch = 0 : i64, scratch_operands = 27 : i64, tpu.core_type = #tpu.core_type<sc_vector_subcore>, window_params = [{transform_indices = #map}, {transform_indices = #map1}, {transform_indices = #map1}, {transform_indices = #map}, {transform_indices = #map1}]} {
    %mul3A = arith.constant 2 : i32
    %mul3A_0 = arith.muli %arg1, %mul3A : i32
    %add3A = arith.addi %mul3A_0, %arg0 : i32
    "tpu.region"() ({
      %run_scoped3A = tpu.sem_alloc : memref<!tpu.dma_semaphore, #tpu.memory_space<semaphore_mem>>
      %dma_start3A_116 = arith.constant 0 : i32
      %dma_start3A_117 = arith.constant 0 : i32
      %dma_start3A_118 = tpu.memref_slice %arg3[%add3A, %dma_start3A_116, %dma_start3A_117] : memref<32x80x125xi32, #tpu.memory_space<hbm>> -> memref<1x80x125xi32, #tpu.memory_space<hbm>>
      %dma_start3A_119 = tpu.memref_squeeze %dma_start3A_118 : memref<1x80x125xi32, #tpu.memory_space<hbm>> -> memref<80x125xi32, #tpu.memory_space<hbm>>
      %dma_start3A_120 = arith.constant 0 : i32
      %dma_start3A_121 = arith.constant 0 : i32
      %dma_start3A_122 = tpu.memref_slice %arg3[%add3A, %dma_start3A_120, %dma_start3A_121] : memref<32x80x125xi32, #tpu.memory_space<hbm>> -> memref<1x80x125xi32, #tpu.memory_space<hbm>>
      %dma_start3A_123 = tpu.memref_squeeze %dma_start3A_122 : memref<1x80x125xi32, #tpu.memory_space<hbm>> -> memref<80x125xi32, #tpu.memory_space<hbm>>
      tpu.enqueue_dma source(%dma_start3A_123 : memref<80x125xi32, #tpu.memory_space<hbm>>) target(%arg7 : memref<80x125xi32, #tpu.memory_space<vmem>>) target_semaphore(%run_scoped3A : memref<!tpu.dma_semaphore, #tpu.memory_space<semaphore_mem>>)
      %dma_wait3A_124 = arith.constant 0 : i32
      %dma_wait3A_125 = arith.constant 0 : i32
      %dma_wait3A_126 = tpu.memref_slice %arg3[%add3A, %dma_wait3A_124, %dma_wait3A_125] : memref<32x80x125xi32, #tpu.memory_space<hbm>> -> memref<1x80x125xi32, #tpu.memory_space<hbm>>
      %dma_wait3A_127 = tpu.memref_squeeze %dma_wait3A_126 : memref<1x80x125xi32, #tpu.memory_space<hbm>> -> memref<80x125xi32, #tpu.memory_space<hbm>>
      %dma_wait3A_128 = arith.constant 0 : i32
      %dma_wait3A_129 = arith.constant 0 : i32
      %dma_wait3A_130 = tpu.memref_slice %arg3[%add3A, %dma_wait3A_128, %dma_wait3A_129] : memref<32x80x125xi32, #tpu.memory_space<hbm>> -> memref<1x80x125xi32, #tpu.memory_space<hbm>>
      %dma_wait3A_131 = tpu.memref_squeeze %dma_wait3A_130 : memref<1x80x125xi32, #tpu.memory_space<hbm>> -> memref<80x125xi32, #tpu.memory_space<hbm>>
      tpu.wait_dma2 semaphore(%run_scoped3A : memref<!tpu.dma_semaphore, #tpu.memory_space<semaphore_mem>>) src(%dma_wait3A_131 : memref<80x125xi32, #tpu.memory_space<hbm>>) dst(%arg7 : memref<80x125xi32, #tpu.memory_space<vmem>>)
      tpu.yield
    }) : () -> ()
    "tpu.region"() ({
      %run_scoped3A = tpu.sem_alloc : memref<!tpu.dma_semaphore, #tpu.memory_space<semaphore_mem>>
      %dma_start3A_116 = arith.constant 0 : i32
      %dma_start3A_117 = arith.constant 0 : i32
      %dma_start3A_118 = tpu.memref_slice %arg4[%add3A, %dma_start3A_116, %dma_start3A_117] : memref<32x80x125xi32, #tpu.memory_space<hbm>> -> memref<1x80x125xi32, #tpu.memory_space<hbm>>
      %dma_start3A_119 = tpu.memref_squeeze %dma_start3A_118 : memref<1x80x125xi32, #tpu.memory_space<hbm>> -> memref<80x125xi32, #tpu.memory_space<hbm>>
      %dma_start3A_120 = arith.constant 0 : i32
      %dma_start3A_121 = arith.constant 0 : i32
      %dma_start3A_122 = tpu.memref_slice %arg4[%add3A, %dma_start3A_120, %dma_start3A_121] : memref<32x80x125xi32, #tpu.memory_space<hbm>> -> memref<1x80x125xi32, #tpu.memory_space<hbm>>
      %dma_start3A_123 = tpu.memref_squeeze %dma_start3A_122 : memref<1x80x125xi32, #tpu.memory_space<hbm>> -> memref<80x125xi32, #tpu.memory_space<hbm>>
      tpu.enqueue_dma source(%dma_start3A_123 : memref<80x125xi32, #tpu.memory_space<hbm>>) target(%arg8 : memref<80x125xi32, #tpu.memory_space<vmem>>) target_semaphore(%run_scoped3A : memref<!tpu.dma_semaphore, #tpu.memory_space<semaphore_mem>>)
      %dma_wait3A_124 = arith.constant 0 : i32
      %dma_wait3A_125 = arith.constant 0 : i32
      %dma_wait3A_126 = tpu.memref_slice %arg4[%add3A, %dma_wait3A_124, %dma_wait3A_125] : memref<32x80x125xi32, #tpu.memory_space<hbm>> -> memref<1x80x125xi32, #tpu.memory_space<hbm>>
      %dma_wait3A_127 = tpu.memref_squeeze %dma_wait3A_126 : memref<1x80x125xi32, #tpu.memory_space<hbm>> -> memref<80x125xi32, #tpu.memory_space<hbm>>
      %dma_wait3A_128 = arith.constant 0 : i32
      %dma_wait3A_129 = arith.constant 0 : i32
      %dma_wait3A_130 = tpu.memref_slice %arg4[%add3A, %dma_wait3A_128, %dma_wait3A_129] : memref<32x80x125xi32, #tpu.memory_space<hbm>> -> memref<1x80x125xi32, #tpu.memory_space<hbm>>
      %dma_wait3A_131 = tpu.memref_squeeze %dma_wait3A_130 : memref<1x80x125xi32, #tpu.memory_space<hbm>> -> memref<80x125xi32, #tpu.memory_space<hbm>>
      tpu.wait_dma2 semaphore(%run_scoped3A : memref<!tpu.dma_semaphore, #tpu.memory_space<semaphore_mem>>) src(%dma_wait3A_131 : memref<80x125xi32, #tpu.memory_space<hbm>>) dst(%arg8 : memref<80x125xi32, #tpu.memory_space<vmem>>)
      tpu.yield
    }) : () -> ()
    %dma_start3A = arith.constant 0 : i32
    %dma_start3A_1 = arith.constant 0 : i32
    %dma_start3A_2 = tpu.memref_slice %arg7[%dma_start3A, %dma_start3A_1] : memref<80x125xi32, #tpu.memory_space<vmem>> -> memref<1x125xi32, #tpu.memory_space<vmem>>
    %dma_start3A_3 = tpu.memref_squeeze %dma_start3A_2 : memref<1x125xi32, #tpu.memory_space<vmem>> -> memref<125xi32, #tpu.memory_space<vmem>>
    %dma_start3A_4 = arith.constant 0 : i32
    %dma_start3A_5 = arith.constant 0 : i32
    %dma_start3A_6 = tpu.memref_slice %arg2[%dma_start3A_4, %dma_start3A_5] : memref<10000x16xf32, #tpu.memory_space<hbm>> -> memref<10000x16xf32, #tpu.memory_space<hbm>>
    tpu.enqueue_indirect_dma source(%dma_start3A_6 : memref<10000x16xf32, #tpu.memory_space<hbm>>) target(%arg9 : memref<125x16xf32, #tpu.memory_space<vmem>>) offsets(%dma_start3A_3 : memref<125xi32, #tpu.memory_space<vmem>>) semaphore(%arg18 : memref<!tpu.dma_semaphore, #tpu.memory_space<semaphore_mem>>)
    %dma_start3A_7 = arith.constant 1 : i32
    %dma_start3A_8 = arith.constant 0 : i32
    %dma_start3A_9 = tpu.memref_slice %arg7[%dma_start3A_7, %dma_start3A_8] : memref<80x125xi32, #tpu.memory_space<vmem>> -> memref<1x125xi32, #tpu.memory_space<vmem>>
    %dma_start3A_10 = tpu.memref_squeeze %dma_start3A_9 : memref<1x125xi32, #tpu.memory_space<vmem>> -> memref<125xi32, #tpu.memory_space<vmem>>
    %dma_start3A_11 = arith.constant 0 : i32
    %dma_start3A_12 = arith.constant 0 : i32
    %dma_start3A_13 = tpu.memref_slice %arg2[%dma_start3A_11, %dma_start3A_12] : memref<10000x16xf32, #tpu.memory_space<hbm>> -> memref<10000x16xf32, #tpu.memory_space<hbm>>
    tpu.enqueue_indirect_dma source(%dma_start3A_13 : memref<10000x16xf32, #tpu.memory_space<hbm>>) target(%arg10 : memref<125x16xf32, #tpu.memory_space<vmem>>) offsets(%dma_start3A_10 : memref<125xi32, #tpu.memory_space<vmem>>) semaphore(%arg19 : memref<!tpu.dma_semaphore, #tpu.memory_space<semaphore_mem>>)
    %dma_start3A_14 = arith.constant 2 : i32
    %dma_start3A_15 = arith.constant 0 : i32
    %dma_start3A_16 = tpu.memref_slice %arg7[%dma_start3A_14, %dma_start3A_15] : memref<80x125xi32, #tpu.memory_space<vmem>> -> memref<1x125xi32, #tpu.memory_space<vmem>>
    %dma_start3A_17 = tpu.memref_squeeze %dma_start3A_16 : memref<1x125xi32, #tpu.memory_space<vmem>> -> memref<125xi32, #tpu.memory_space<vmem>>
    %dma_start3A_18 = arith.constant 0 : i32
    %dma_start3A_19 = arith.constant 0 : i32
    %dma_start3A_20 = tpu.memref_slice %arg2[%dma_start3A_18, %dma_start3A_19] : memref<10000x16xf32, #tpu.memory_space<hbm>> -> memref<10000x16xf32, #tpu.memory_space<hbm>>
    tpu.enqueue_indirect_dma source(%dma_start3A_20 : memref<10000x16xf32, #tpu.memory_space<hbm>>) target(%arg11 : memref<125x16xf32, #tpu.memory_space<vmem>>) offsets(%dma_start3A_17 : memref<125xi32, #tpu.memory_space<vmem>>) semaphore(%arg20 : memref<!tpu.dma_semaphore, #tpu.memory_space<semaphore_mem>>)
    %dma_start3A_21 = arith.constant 3 : i32
    %dma_start3A_22 = arith.constant 0 : i32
    %dma_start3A_23 = tpu.memref_slice %arg7[%dma_start3A_21, %dma_start3A_22] : memref<80x125xi32, #tpu.memory_space<vmem>> -> memref<1x125xi32, #tpu.memory_space<vmem>>
    %dma_start3A_24 = tpu.memref_squeeze %dma_start3A_23 : memref<1x125xi32, #tpu.memory_space<vmem>> -> memref<125xi32, #tpu.memory_space<vmem>>
    %dma_start3A_25 = arith.constant 0 : i32
    %dma_start3A_26 = arith.constant 0 : i32
    %dma_start3A_27 = tpu.memref_slice %arg2[%dma_start3A_25, %dma_start3A_26] : memref<10000x16xf32, #tpu.memory_space<hbm>> -> memref<10000x16xf32, #tpu.memory_space<hbm>>
    tpu.enqueue_indirect_dma source(%dma_start3A_27 : memref<10000x16xf32, #tpu.memory_space<hbm>>) target(%arg12 : memref<125x16xf32, #tpu.memory_space<vmem>>) offsets(%dma_start3A_24 : memref<125xi32, #tpu.memory_space<vmem>>) semaphore(%arg21 : memref<!tpu.dma_semaphore, #tpu.memory_space<semaphore_mem>>)
    %dma_start3A_28 = arith.constant 4 : i32
    %dma_start3A_29 = arith.constant 0 : i32
    %dma_start3A_30 = tpu.memref_slice %arg7[%dma_start3A_28, %dma_start3A_29] : memref<80x125xi32, #tpu.memory_space<vmem>> -> memref<1x125xi32, #tpu.memory_space<vmem>>
    %dma_start3A_31 = tpu.memref_squeeze %dma_start3A_30 : memref<1x125xi32, #tpu.memory_space<vmem>> -> memref<125xi32, #tpu.memory_space<vmem>>
    %dma_start3A_32 = arith.constant 0 : i32
    %dma_start3A_33 = arith.constant 0 : i32
    %dma_start3A_34 = tpu.memref_slice %arg2[%dma_start3A_32, %dma_start3A_33] : memref<10000x16xf32, #tpu.memory_space<hbm>> -> memref<10000x16xf32, #tpu.memory_space<hbm>>
    tpu.enqueue_indirect_dma source(%dma_start3A_34 : memref<10000x16xf32, #tpu.memory_space<hbm>>) target(%arg13 : memref<125x16xf32, #tpu.memory_space<vmem>>) offsets(%dma_start3A_31 : memref<125xi32, #tpu.memory_space<vmem>>) semaphore(%arg22 : memref<!tpu.dma_semaphore, #tpu.memory_space<semaphore_mem>>)
    %dma_start3A_35 = arith.constant 5 : i32
    %dma_start3A_36 = arith.constant 0 : i32
    %dma_start3A_37 = tpu.memref_slice %arg7[%dma_start3A_35, %dma_start3A_36] : memref<80x125xi32, #tpu.memory_space<vmem>> -> memref<1x125xi32, #tpu.memory_space<vmem>>
    %dma_start3A_38 = tpu.memref_squeeze %dma_start3A_37 : memref<1x125xi32, #tpu.memory_space<vmem>> -> memref<125xi32, #tpu.memory_space<vmem>>
    %dma_start3A_39 = arith.constant 0 : i32
    %dma_start3A_40 = arith.constant 0 : i32
    %dma_start3A_41 = tpu.memref_slice %arg2[%dma_start3A_39, %dma_start3A_40] : memref<10000x16xf32, #tpu.memory_space<hbm>> -> memref<10000x16xf32, #tpu.memory_space<hbm>>
    tpu.enqueue_indirect_dma source(%dma_start3A_41 : memref<10000x16xf32, #tpu.memory_space<hbm>>) target(%arg14 : memref<125x16xf32, #tpu.memory_space<vmem>>) offsets(%dma_start3A_38 : memref<125xi32, #tpu.memory_space<vmem>>) semaphore(%arg23 : memref<!tpu.dma_semaphore, #tpu.memory_space<semaphore_mem>>)
    %dma_start3A_42 = arith.constant 6 : i32
    %dma_start3A_43 = arith.constant 0 : i32
    %dma_start3A_44 = tpu.memref_slice %arg7[%dma_start3A_42, %dma_start3A_43] : memref<80x125xi32, #tpu.memory_space<vmem>> -> memref<1x125xi32, #tpu.memory_space<vmem>>
    %dma_start3A_45 = tpu.memref_squeeze %dma_start3A_44 : memref<1x125xi32, #tpu.memory_space<vmem>> -> memref<125xi32, #tpu.memory_space<vmem>>
    %dma_start3A_46 = arith.constant 0 : i32
    %dma_start3A_47 = arith.constant 0 : i32
    %dma_start3A_48 = tpu.memref_slice %arg2[%dma_start3A_46, %dma_start3A_47] : memref<10000x16xf32, #tpu.memory_space<hbm>> -> memref<10000x16xf32, #tpu.memory_space<hbm>>
    tpu.enqueue_indirect_dma source(%dma_start3A_48 : memref<10000x16xf32, #tpu.memory_space<hbm>>) target(%arg15 : memref<125x16xf32, #tpu.memory_space<vmem>>) offsets(%dma_start3A_45 : memref<125xi32, #tpu.memory_space<vmem>>) semaphore(%arg24 : memref<!tpu.dma_semaphore, #tpu.memory_space<semaphore_mem>>)
    %mul3A_49 = arith.constant 640 : i32
    %mul3A_50 = arith.muli %arg1, %mul3A_49 : i32
    "tpu.region"() ({
      %run_scoped3A = tpu.sem_alloc : memref<!tpu.dma_semaphore, #tpu.memory_space<semaphore_mem>>
      %dma_start3A_116 = arith.constant 0 : i32
      %dma_start3A_117 = tpu.memref_slice %arg17[%mul3A_50, %dma_start3A_116] : memref<10240x16xf32, #tpu.memory_space<vmem_shared>> -> memref<640x16xf32, #tpu.memory_space<vmem_shared>>
      tpu.enqueue_dma source(%arg5 : memref<640x16xf32, #tpu.memory_space<hbm>>) target(%dma_start3A_117 : memref<640x16xf32, #tpu.memory_space<vmem_shared>>) target_semaphore(%run_scoped3A : memref<!tpu.dma_semaphore, #tpu.memory_space<semaphore_mem>>)
      %dma_wait3A_118 = arith.constant 0 : i32
      %dma_wait3A_119 = tpu.memref_slice %arg17[%mul3A_50, %dma_wait3A_118] : memref<10240x16xf32, #tpu.memory_space<vmem_shared>> -> memref<640x16xf32, #tpu.memory_space<vmem_shared>>
      tpu.wait_dma2 semaphore(%run_scoped3A : memref<!tpu.dma_semaphore, #tpu.memory_space<semaphore_mem>>) src(%arg5 : memref<640x16xf32, #tpu.memory_space<hbm>>) dst(%dma_wait3A_119 : memref<640x16xf32, #tpu.memory_space<vmem_shared>>)
      tpu.yield
    }) : () -> ()
    %barrier3A = arith.constant 0 : index
    tpu.barrier barrier_id(%barrier3A)
    %scan3A = arith.constant 0 : i32
    %scan3A_51 = arith.constant 0 : i32
    %scan3A_52 = arith.constant 10 : i32
    %scan3A_53 = arith.addi %scan3A_51, %scan3A_52 : i32
    %scan3A_54 = arith.constant 1 : i32
    scf.for %scan3A_116 = %scan3A_51 to %scan3A_53 step %scan3A_54  : i32 {
      %mul3A_117 = arith.constant 8 : i32
      %mul3A_118 = arith.muli %scan3A_116, %mul3A_117 : i32
      %add3A_119 = arith.constant 0 : i32
      %add3A_120 = arith.addi %mul3A_118, %add3A_119 : i32
      %add3A_121 = arith.constant 8 : i32
      %add3A_122 = arith.addi %add3A_120, %add3A_121 : i32
      %sub3A = arith.constant 1 : i32
      %sub3A_123 = arith.subi %add3A_122, %sub3A : i32
      %lt3A = arith.constant 80 : i32
      %lt3A_124 = arith.cmpi slt, %sub3A_123, %lt3A : i32
      %convert_element_type3A = arith.extui %lt3A_124 : i1 to i32
      %cond3A = arith.constant 0 : i32
      %cond3A_125 = arith.cmpi ne, %convert_element_type3A, %cond3A : i32
      scf.if %cond3A_125 {
        %ge3A = arith.constant 1 : i32
        %ge3A_313 = arith.cmpi sge, %scan3A_116, %ge3A : i32
        %convert_element_type3A_314 = arith.extui %ge3A_313 : i1 to i32
        %cond3A_315 = arith.constant 0 : i32
        %cond3A_316 = arith.cmpi ne, %convert_element_type3A_314, %cond3A_315 : i32
        scf.if %cond3A_316 {
          %sub3A_323 = arith.constant 8 : i32
          %sub3A_324 = arith.subi %sub3A_123, %sub3A_323 : i32
          %dma_wait3A_325 = arith.constant 0 : i32
          %dma_wait3A_326 = tpu.memref_slice %arg8[%sub3A_324, %dma_wait3A_325] : memref<80x125xi32, #tpu.memory_space<vmem>> -> memref<1x125xi32, #tpu.memory_space<vmem>>
          %dma_wait3A_327 = tpu.memref_squeeze %dma_wait3A_326 : memref<1x125xi32, #tpu.memory_space<vmem>> -> memref<125xi32, #tpu.memory_space<vmem>>
          %dma_wait3A_328 = arith.constant 0 : i32
          %dma_wait3A_329 = arith.constant 0 : i32
          %dma_wait3A_330 = tpu.memref_slice %arg17[%dma_wait3A_328, %dma_wait3A_329] : memref<10240x16xf32, #tpu.memory_space<vmem_shared>> -> memref<10240x16xf32, #tpu.memory_space<vmem_shared>>
          tpu.wait_indirect_dma semaphore(%arg33 : memref<!tpu.dma_semaphore, #tpu.memory_space<semaphore_mem>>) src(%arg16 : memref<125x16xf32, #tpu.memory_space<vmem>>) dst(%dma_wait3A_330 : memref<10240x16xf32, #tpu.memory_space<vmem_shared>>)
        } else {
        }
        %dma_start3A_317 = arith.constant 0 : i32
        %dma_start3A_318 = tpu.memref_slice %arg7[%sub3A_123, %dma_start3A_317] : memref<80x125xi32, #tpu.memory_space<vmem>> -> memref<1x125xi32, #tpu.memory_space<vmem>>
        %dma_start3A_319 = tpu.memref_squeeze %dma_start3A_318 : memref<1x125xi32, #tpu.memory_space<vmem>> -> memref<125xi32, #tpu.memory_space<vmem>>
        %dma_start3A_320 = arith.constant 0 : i32
        %dma_start3A_321 = arith.constant 0 : i32
        %dma_start3A_322 = tpu.memref_slice %arg2[%dma_start3A_320, %dma_start3A_321] : memref<10000x16xf32, #tpu.memory_space<hbm>> -> memref<10000x16xf32, #tpu.memory_space<hbm>>
        tpu.enqueue_indirect_dma source(%dma_start3A_322 : memref<10000x16xf32, #tpu.memory_space<hbm>>) target(%arg16 : memref<125x16xf32, #tpu.memory_space<vmem>>) offsets(%dma_start3A_319 : memref<125xi32, #tpu.memory_space<vmem>>) semaphore(%arg25 : memref<!tpu.dma_semaphore, #tpu.memory_space<semaphore_mem>>)
      } else {
      }
      %dma_wait3A_126 = arith.constant 0 : i32
      %dma_wait3A_127 = tpu.memref_slice %arg7[%add3A_120, %dma_wait3A_126] : memref<80x125xi32, #tpu.memory_space<vmem>> -> memref<1x125xi32, #tpu.memory_space<vmem>>
      %dma_wait3A_128 = tpu.memref_squeeze %dma_wait3A_127 : memref<1x125xi32, #tpu.memory_space<vmem>> -> memref<125xi32, #tpu.memory_space<vmem>>
      %dma_wait3A_129 = arith.constant 0 : i32
      %dma_wait3A_130 = arith.constant 0 : i32
      %dma_wait3A_131 = tpu.memref_slice %arg2[%dma_wait3A_129, %dma_wait3A_130] : memref<10000x16xf32, #tpu.memory_space<hbm>> -> memref<10000x16xf32, #tpu.memory_space<hbm>>
      tpu.wait_indirect_dma semaphore(%arg18 : memref<!tpu.dma_semaphore, #tpu.memory_space<semaphore_mem>>) src(%dma_wait3A_131 : memref<10000x16xf32, #tpu.memory_space<hbm>>) dst(%arg9 : memref<125x16xf32, #tpu.memory_space<vmem>>)
      %dma_start3A_132 = arith.constant 0 : i32
      %dma_start3A_133 = tpu.memref_slice %arg8[%add3A_120, %dma_start3A_132] : memref<80x125xi32, #tpu.memory_space<vmem>> -> memref<1x125xi32, #tpu.memory_space<vmem>>
      %dma_start3A_134 = tpu.memref_squeeze %dma_start3A_133 : memref<1x125xi32, #tpu.memory_space<vmem>> -> memref<125xi32, #tpu.memory_space<vmem>>
      %dma_start3A_135 = arith.constant 0 : i32
      %dma_start3A_136 = arith.constant 0 : i32
      %dma_start3A_137 = tpu.memref_slice %arg17[%dma_start3A_135, %dma_start3A_136] : memref<10240x16xf32, #tpu.memory_space<vmem_shared>> -> memref<10240x16xf32, #tpu.memory_space<vmem_shared>>
      tpu.enqueue_indirect_dma source(%arg9 : memref<125x16xf32, #tpu.memory_space<vmem>>) target(%dma_start3A_137 : memref<10240x16xf32, #tpu.memory_space<vmem_shared>>) offsets(%dma_start3A_134 : memref<125xi32, #tpu.memory_space<vmem>>) semaphore(%arg26 : memref<!tpu.dma_semaphore, #tpu.memory_space<semaphore_mem>>) {add = true}
      %mul3A_138 = arith.constant 8 : i32
      %mul3A_139 = arith.muli %scan3A_116, %mul3A_138 : i32
      %add3A_140 = arith.constant 1 : i32
      %add3A_141 = arith.addi %mul3A_139, %add3A_140 : i32
      %add3A_142 = arith.constant 8 : i32
      %add3A_143 = arith.addi %add3A_141, %add3A_142 : i32
      %sub3A_144 = arith.constant 1 : i32
      %sub3A_145 = arith.subi %add3A_143, %sub3A_144 : i32
      %lt3A_146 = arith.constant 80 : i32
      %lt3A_147 = arith.cmpi slt, %sub3A_145, %lt3A_146 : i32
      %convert_element_type3A_148 = arith.extui %lt3A_147 : i1 to i32
      %cond3A_149 = arith.constant 0 : i32
      %cond3A_150 = arith.cmpi ne, %convert_element_type3A_148, %cond3A_149 : i32
      scf.if %cond3A_150 {
        %sub3A_313 = arith.constant 8 : i32
        %sub3A_314 = arith.subi %sub3A_145, %sub3A_313 : i32
        %dma_wait3A_315 = arith.constant 0 : i32
        %dma_wait3A_316 = tpu.memref_slice %arg8[%sub3A_314, %dma_wait3A_315] : memref<80x125xi32, #tpu.memory_space<vmem>> -> memref<1x125xi32, #tpu.memory_space<vmem>>
        %dma_wait3A_317 = tpu.memref_squeeze %dma_wait3A_316 : memref<1x125xi32, #tpu.memory_space<vmem>> -> memref<125xi32, #tpu.memory_space<vmem>>
        %dma_wait3A_318 = arith.constant 0 : i32
        %dma_wait3A_319 = arith.constant 0 : i32
        %dma_wait3A_320 = tpu.memref_slice %arg17[%dma_wait3A_318, %dma_wait3A_319] : memref<10240x16xf32, #tpu.memory_space<vmem_shared>> -> memref<10240x16xf32, #tpu.memory_space<vmem_shared>>
        tpu.wait_indirect_dma semaphore(%arg26 : memref<!tpu.dma_semaphore, #tpu.memory_space<semaphore_mem>>) src(%arg9 : memref<125x16xf32, #tpu.memory_space<vmem>>) dst(%dma_wait3A_320 : memref<10240x16xf32, #tpu.memory_space<vmem_shared>>)
        %dma_start3A_321 = arith.constant 0 : i32
        %dma_start3A_322 = tpu.memref_slice %arg7[%sub3A_145, %dma_start3A_321] : memref<80x125xi32, #tpu.memory_space<vmem>> -> memref<1x125xi32, #tpu.memory_space<vmem>>
        %dma_start3A_323 = tpu.memref_squeeze %dma_start3A_322 : memref<1x125xi32, #tpu.memory_space<vmem>> -> memref<125xi32, #tpu.memory_space<vmem>>
        %dma_start3A_324 = arith.constant 0 : i32
        %dma_start3A_325 = arith.constant 0 : i32
        %dma_start3A_326 = tpu.memref_slice %arg2[%dma_start3A_324, %dma_start3A_325] : memref<10000x16xf32, #tpu.memory_space<hbm>> -> memref<10000x16xf32, #tpu.memory_space<hbm>>
        tpu.enqueue_indirect_dma source(%dma_start3A_326 : memref<10000x16xf32, #tpu.memory_space<hbm>>) target(%arg9 : memref<125x16xf32, #tpu.memory_space<vmem>>) offsets(%dma_start3A_323 : memref<125xi32, #tpu.memory_space<vmem>>) semaphore(%arg18 : memref<!tpu.dma_semaphore, #tpu.memory_space<semaphore_mem>>)
      } else {
      }
      %dma_wait3A_151 = arith.constant 0 : i32
      %dma_wait3A_152 = tpu.memref_slice %arg7[%add3A_141, %dma_wait3A_151] : memref<80x125xi32, #tpu.memory_space<vmem>> -> memref<1x125xi32, #tpu.memory_space<vmem>>
      %dma_wait3A_153 = tpu.memref_squeeze %dma_wait3A_152 : memref<1x125xi32, #tpu.memory_space<vmem>> -> memref<125xi32, #tpu.memory_space<vmem>>
      %dma_wait3A_154 = arith.constant 0 : i32
      %dma_wait3A_155 = arith.constant 0 : i32
      %dma_wait3A_156 = tpu.memref_slice %arg2[%dma_wait3A_154, %dma_wait3A_155] : memref<10000x16xf32, #tpu.memory_space<hbm>> -> memref<10000x16xf32, #tpu.memory_space<hbm>>
      tpu.wait_indirect_dma semaphore(%arg19 : memref<!tpu.dma_semaphore, #tpu.memory_space<semaphore_mem>>) src(%dma_wait3A_156 : memref<10000x16xf32, #tpu.memory_space<hbm>>) dst(%arg10 : memref<125x16xf32, #tpu.memory_space<vmem>>)
      %dma_start3A_157 = arith.constant 0 : i32
      %dma_start3A_158 = tpu.memref_slice %arg8[%add3A_141, %dma_start3A_157] : memref<80x125xi32, #tpu.memory_space<vmem>> -> memref<1x125xi32, #tpu.memory_space<vmem>>
      %dma_start3A_159 = tpu.memref_squeeze %dma_start3A_158 : memref<1x125xi32, #tpu.memory_space<vmem>> -> memref<125xi32, #tpu.memory_space<vmem>>
      %dma_start3A_160 = arith.constant 0 : i32
      %dma_start3A_161 = arith.constant 0 : i32
      %dma_start3A_162 = tpu.memref_slice %arg17[%dma_start3A_160, %dma_start3A_161] : memref<10240x16xf32, #tpu.memory_space<vmem_shared>> -> memref<10240x16xf32, #tpu.memory_space<vmem_shared>>
      tpu.enqueue_indirect_dma source(%arg10 : memref<125x16xf32, #tpu.memory_space<vmem>>) target(%dma_start3A_162 : memref<10240x16xf32, #tpu.memory_space<vmem_shared>>) offsets(%dma_start3A_159 : memref<125xi32, #tpu.memory_space<vmem>>) semaphore(%arg27 : memref<!tpu.dma_semaphore, #tpu.memory_space<semaphore_mem>>) {add = true}
      %mul3A_163 = arith.constant 8 : i32
      %mul3A_164 = arith.muli %scan3A_116, %mul3A_163 : i32
      %add3A_165 = arith.constant 2 : i32
      %add3A_166 = arith.addi %mul3A_164, %add3A_165 : i32
      %add3A_167 = arith.constant 8 : i32
      %add3A_168 = arith.addi %add3A_166, %add3A_167 : i32
      %sub3A_169 = arith.constant 1 : i32
      %sub3A_170 = arith.subi %add3A_168, %sub3A_169 : i32
      %lt3A_171 = arith.constant 80 : i32
      %lt3A_172 = arith.cmpi slt, %sub3A_170, %lt3A_171 : i32
      %convert_element_type3A_173 = arith.extui %lt3A_172 : i1 to i32
      %cond3A_174 = arith.constant 0 : i32
      %cond3A_175 = arith.cmpi ne, %convert_element_type3A_173, %cond3A_174 : i32
      scf.if %cond3A_175 {
        %sub3A_313 = arith.constant 8 : i32
        %sub3A_314 = arith.subi %sub3A_170, %sub3A_313 : i32
        %dma_wait3A_315 = arith.constant 0 : i32
        %dma_wait3A_316 = tpu.memref_slice %arg8[%sub3A_314, %dma_wait3A_315] : memref<80x125xi32, #tpu.memory_space<vmem>> -> memref<1x125xi32, #tpu.memory_space<vmem>>
        %dma_wait3A_317 = tpu.memref_squeeze %dma_wait3A_316 : memref<1x125xi32, #tpu.memory_space<vmem>> -> memref<125xi32, #tpu.memory_space<vmem>>
        %dma_wait3A_318 = arith.constant 0 : i32
        %dma_wait3A_319 = arith.constant 0 : i32
        %dma_wait3A_320 = tpu.memref_slice %arg17[%dma_wait3A_318, %dma_wait3A_319] : memref<10240x16xf32, #tpu.memory_space<vmem_shared>> -> memref<10240x16xf32, #tpu.memory_space<vmem_shared>>
        tpu.wait_indirect_dma semaphore(%arg27 : memref<!tpu.dma_semaphore, #tpu.memory_space<semaphore_mem>>) src(%arg10 : memref<125x16xf32, #tpu.memory_space<vmem>>) dst(%dma_wait3A_320 : memref<10240x16xf32, #tpu.memory_space<vmem_shared>>)
        %dma_start3A_321 = arith.constant 0 : i32
        %dma_start3A_322 = tpu.memref_slice %arg7[%sub3A_170, %dma_start3A_321] : memref<80x125xi32, #tpu.memory_space<vmem>> -> memref<1x125xi32, #tpu.memory_space<vmem>>
        %dma_start3A_323 = tpu.memref_squeeze %dma_start3A_322 : memref<1x125xi32, #tpu.memory_space<vmem>> -> memref<125xi32, #tpu.memory_space<vmem>>
        %dma_start3A_324 = arith.constant 0 : i32
        %dma_start3A_325 = arith.constant 0 : i32
        %dma_start3A_326 = tpu.memref_slice %arg2[%dma_start3A_324, %dma_start3A_325] : memref<10000x16xf32, #tpu.memory_space<hbm>> -> memref<10000x16xf32, #tpu.memory_space<hbm>>
        tpu.enqueue_indirect_dma source(%dma_start3A_326 : memref<10000x16xf32, #tpu.memory_space<hbm>>) target(%arg10 : memref<125x16xf32, #tpu.memory_space<vmem>>) offsets(%dma_start3A_323 : memref<125xi32, #tpu.memory_space<vmem>>) semaphore(%arg19 : memref<!tpu.dma_semaphore, #tpu.memory_space<semaphore_mem>>)
      } else {
      }
      %dma_wait3A_176 = arith.constant 0 : i32
      %dma_wait3A_177 = tpu.memref_slice %arg7[%add3A_166, %dma_wait3A_176] : memref<80x125xi32, #tpu.memory_space<vmem>> -> memref<1x125xi32, #tpu.memory_space<vmem>>
      %dma_wait3A_178 = tpu.memref_squeeze %dma_wait3A_177 : memref<1x125xi32, #tpu.memory_space<vmem>> -> memref<125xi32, #tpu.memory_space<vmem>>
      %dma_wait3A_179 = arith.constant 0 : i32
      %dma_wait3A_180 = arith.constant 0 : i32
      %dma_wait3A_181 = tpu.memref_slice %arg2[%dma_wait3A_179, %dma_wait3A_180] : memref<10000x16xf32, #tpu.memory_space<hbm>> -> memref<10000x16xf32, #tpu.memory_space<hbm>>
      tpu.wait_indirect_dma semaphore(%arg20 : memref<!tpu.dma_semaphore, #tpu.memory_space<semaphore_mem>>) src(%dma_wait3A_181 : memref<10000x16xf32, #tpu.memory_space<hbm>>) dst(%arg11 : memref<125x16xf32, #tpu.memory_space<vmem>>)
      %dma_start3A_182 = arith.constant 0 : i32
      %dma_start3A_183 = tpu.memref_slice %arg8[%add3A_166, %dma_start3A_182] : memref<80x125xi32, #tpu.memory_space<vmem>> -> memref<1x125xi32, #tpu.memory_space<vmem>>
      %dma_start3A_184 = tpu.memref_squeeze %dma_start3A_183 : memref<1x125xi32, #tpu.memory_space<vmem>> -> memref<125xi32, #tpu.memory_space<vmem>>
      %dma_start3A_185 = arith.constant 0 : i32
      %dma_start3A_186 = arith.constant 0 : i32
      %dma_start3A_187 = tpu.memref_slice %arg17[%dma_start3A_185, %dma_start3A_186] : memref<10240x16xf32, #tpu.memory_space<vmem_shared>> -> memref<10240x16xf32, #tpu.memory_space<vmem_shared>>
      tpu.enqueue_indirect_dma source(%arg11 : memref<125x16xf32, #tpu.memory_space<vmem>>) target(%dma_start3A_187 : memref<10240x16xf32, #tpu.memory_space<vmem_shared>>) offsets(%dma_start3A_184 : memref<125xi32, #tpu.memory_space<vmem>>) semaphore(%arg28 : memref<!tpu.dma_semaphore, #tpu.memory_space<semaphore_mem>>) {add = true}
      %mul3A_188 = arith.constant 8 : i32
      %mul3A_189 = arith.muli %scan3A_116, %mul3A_188 : i32
      %add3A_190 = arith.constant 3 : i32
      %add3A_191 = arith.addi %mul3A_189, %add3A_190 : i32
      %add3A_192 = arith.constant 8 : i32
      %add3A_193 = arith.addi %add3A_191, %add3A_192 : i32
      %sub3A_194 = arith.constant 1 : i32
      %sub3A_195 = arith.subi %add3A_193, %sub3A_194 : i32
      %lt3A_196 = arith.constant 80 : i32
      %lt3A_197 = arith.cmpi slt, %sub3A_195, %lt3A_196 : i32
      %convert_element_type3A_198 = arith.extui %lt3A_197 : i1 to i32
      %cond3A_199 = arith.constant 0 : i32
      %cond3A_200 = arith.cmpi ne, %convert_element_type3A_198, %cond3A_199 : i32
      scf.if %cond3A_200 {
        %sub3A_313 = arith.constant 8 : i32
        %sub3A_314 = arith.subi %sub3A_195, %sub3A_313 : i32
        %dma_wait3A_315 = arith.constant 0 : i32
        %dma_wait3A_316 = tpu.memref_slice %arg8[%sub3A_314, %dma_wait3A_315] : memref<80x125xi32, #tpu.memory_space<vmem>> -> memref<1x125xi32, #tpu.memory_space<vmem>>
        %dma_wait3A_317 = tpu.memref_squeeze %dma_wait3A_316 : memref<1x125xi32, #tpu.memory_space<vmem>> -> memref<125xi32, #tpu.memory_space<vmem>>
        %dma_wait3A_318 = arith.constant 0 : i32
        %dma_wait3A_319 = arith.constant 0 : i32
        %dma_wait3A_320 = tpu.memref_slice %arg17[%dma_wait3A_318, %dma_wait3A_319] : memref<10240x16xf32, #tpu.memory_space<vmem_shared>> -> memref<10240x16xf32, #tpu.memory_space<vmem_shared>>
        tpu.wait_indirect_dma semaphore(%arg28 : memref<!tpu.dma_semaphore, #tpu.memory_space<semaphore_mem>>) src(%arg11 : memref<125x16xf32, #tpu.memory_space<vmem>>) dst(%dma_wait3A_320 : memref<10240x16xf32, #tpu.memory_space<vmem_shared>>)
        %dma_start3A_321 = arith.constant 0 : i32
        %dma_start3A_322 = tpu.memref_slice %arg7[%sub3A_195, %dma_start3A_321] : memref<80x125xi32, #tpu.memory_space<vmem>> -> memref<1x125xi32, #tpu.memory_space<vmem>>
        %dma_start3A_323 = tpu.memref_squeeze %dma_start3A_322 : memref<1x125xi32, #tpu.memory_space<vmem>> -> memref<125xi32, #tpu.memory_space<vmem>>
        %dma_start3A_324 = arith.constant 0 : i32
        %dma_start3A_325 = arith.constant 0 : i32
        %dma_start3A_326 = tpu.memref_slice %arg2[%dma_start3A_324, %dma_start3A_325] : memref<10000x16xf32, #tpu.memory_space<hbm>> -> memref<10000x16xf32, #tpu.memory_space<hbm>>
        tpu.enqueue_indirect_dma source(%dma_start3A_326 : memref<10000x16xf32, #tpu.memory_space<hbm>>) target(%arg11 : memref<125x16xf32, #tpu.memory_space<vmem>>) offsets(%dma_start3A_323 : memref<125xi32, #tpu.memory_space<vmem>>) semaphore(%arg20 : memref<!tpu.dma_semaphore, #tpu.memory_space<semaphore_mem>>)
      } else {
      }
      %dma_wait3A_201 = arith.constant 0 : i32
      %dma_wait3A_202 = tpu.memref_slice %arg7[%add3A_191, %dma_wait3A_201] : memref<80x125xi32, #tpu.memory_space<vmem>> -> memref<1x125xi32, #tpu.memory_space<vmem>>
      %dma_wait3A_203 = tpu.memref_squeeze %dma_wait3A_202 : memref<1x125xi32, #tpu.memory_space<vmem>> -> memref<125xi32, #tpu.memory_space<vmem>>
      %dma_wait3A_204 = arith.constant 0 : i32
      %dma_wait3A_205 = arith.constant 0 : i32
      %dma_wait3A_206 = tpu.memref_slice %arg2[%dma_wait3A_204, %dma_wait3A_205] : memref<10000x16xf32, #tpu.memory_space<hbm>> -> memref<10000x16xf32, #tpu.memory_space<hbm>>
      tpu.wait_indirect_dma semaphore(%arg21 : memref<!tpu.dma_semaphore, #tpu.memory_space<semaphore_mem>>) src(%dma_wait3A_206 : memref<10000x16xf32, #tpu.memory_space<hbm>>) dst(%arg12 : memref<125x16xf32, #tpu.memory_space<vmem>>)
      %dma_start3A_207 = arith.constant 0 : i32
      %dma_start3A_208 = tpu.memref_slice %arg8[%add3A_191, %dma_start3A_207] : memref<80x125xi32, #tpu.memory_space<vmem>> -> memref<1x125xi32, #tpu.memory_space<vmem>>
      %dma_start3A_209 = tpu.memref_squeeze %dma_start3A_208 : memref<1x125xi32, #tpu.memory_space<vmem>> -> memref<125xi32, #tpu.memory_space<vmem>>
      %dma_start3A_210 = arith.constant 0 : i32
      %dma_start3A_211 = arith.constant 0 : i32
      %dma_start3A_212 = tpu.memref_slice %arg17[%dma_start3A_210, %dma_start3A_211] : memref<10240x16xf32, #tpu.memory_space<vmem_shared>> -> memref<10240x16xf32, #tpu.memory_space<vmem_shared>>
      tpu.enqueue_indirect_dma source(%arg12 : memref<125x16xf32, #tpu.memory_space<vmem>>) target(%dma_start3A_212 : memref<10240x16xf32, #tpu.memory_space<vmem_shared>>) offsets(%dma_start3A_209 : memref<125xi32, #tpu.memory_space<vmem>>) semaphore(%arg29 : memref<!tpu.dma_semaphore, #tpu.memory_space<semaphore_mem>>) {add = true}
      %mul3A_213 = arith.constant 8 : i32
      %mul3A_214 = arith.muli %scan3A_116, %mul3A_213 : i32
      %add3A_215 = arith.constant 4 : i32
      %add3A_216 = arith.addi %mul3A_214, %add3A_215 : i32
      %add3A_217 = arith.constant 8 : i32
      %add3A_218 = arith.addi %add3A_216, %add3A_217 : i32
      %sub3A_219 = arith.constant 1 : i32
      %sub3A_220 = arith.subi %add3A_218, %sub3A_219 : i32
      %lt3A_221 = arith.constant 80 : i32
      %lt3A_222 = arith.cmpi slt, %sub3A_220, %lt3A_221 : i32
      %convert_element_type3A_223 = arith.extui %lt3A_222 : i1 to i32
      %cond3A_224 = arith.constant 0 : i32
      %cond3A_225 = arith.cmpi ne, %convert_element_type3A_223, %cond3A_224 : i32
      scf.if %cond3A_225 {
        %sub3A_313 = arith.constant 8 : i32
        %sub3A_314 = arith.subi %sub3A_220, %sub3A_313 : i32
        %dma_wait3A_315 = arith.constant 0 : i32
        %dma_wait3A_316 = tpu.memref_slice %arg8[%sub3A_314, %dma_wait3A_315] : memref<80x125xi32, #tpu.memory_space<vmem>> -> memref<1x125xi32, #tpu.memory_space<vmem>>
        %dma_wait3A_317 = tpu.memref_squeeze %dma_wait3A_316 : memref<1x125xi32, #tpu.memory_space<vmem>> -> memref<125xi32, #tpu.memory_space<vmem>>
        %dma_wait3A_318 = arith.constant 0 : i32
        %dma_wait3A_319 = arith.constant 0 : i32
        %dma_wait3A_320 = tpu.memref_slice %arg17[%dma_wait3A_318, %dma_wait3A_319] : memref<10240x16xf32, #tpu.memory_space<vmem_shared>> -> memref<10240x16xf32, #tpu.memory_space<vmem_shared>>
        tpu.wait_indirect_dma semaphore(%arg29 : memref<!tpu.dma_semaphore, #tpu.memory_space<semaphore_mem>>) src(%arg12 : memref<125x16xf32, #tpu.memory_space<vmem>>) dst(%dma_wait3A_320 : memref<10240x16xf32, #tpu.memory_space<vmem_shared>>)
        %dma_start3A_321 = arith.constant 0 : i32
        %dma_start3A_322 = tpu.memref_slice %arg7[%sub3A_220, %dma_start3A_321] : memref<80x125xi32, #tpu.memory_space<vmem>> -> memref<1x125xi32, #tpu.memory_space<vmem>>
        %dma_start3A_323 = tpu.memref_squeeze %dma_start3A_322 : memref<1x125xi32, #tpu.memory_space<vmem>> -> memref<125xi32, #tpu.memory_space<vmem>>
        %dma_start3A_324 = arith.constant 0 : i32
        %dma_start3A_325 = arith.constant 0 : i32
        %dma_start3A_326 = tpu.memref_slice %arg2[%dma_start3A_324, %dma_start3A_325] : memref<10000x16xf32, #tpu.memory_space<hbm>> -> memref<10000x16xf32, #tpu.memory_space<hbm>>
        tpu.enqueue_indirect_dma source(%dma_start3A_326 : memref<10000x16xf32, #tpu.memory_space<hbm>>) target(%arg12 : memref<125x16xf32, #tpu.memory_space<vmem>>) offsets(%dma_start3A_323 : memref<125xi32, #tpu.memory_space<vmem>>) semaphore(%arg21 : memref<!tpu.dma_semaphore, #tpu.memory_space<semaphore_mem>>)
      } else {
      }
      %dma_wait3A_226 = arith.constant 0 : i32
      %dma_wait3A_227 = tpu.memref_slice %arg7[%add3A_216, %dma_wait3A_226] : memref<80x125xi32, #tpu.memory_space<vmem>> -> memref<1x125xi32, #tpu.memory_space<vmem>>
      %dma_wait3A_228 = tpu.memref_squeeze %dma_wait3A_227 : memref<1x125xi32, #tpu.memory_space<vmem>> -> memref<125xi32, #tpu.memory_space<vmem>>
      %dma_wait3A_229 = arith.constant 0 : i32
      %dma_wait3A_230 = arith.constant 0 : i32
      %dma_wait3A_231 = tpu.memref_slice %arg2[%dma_wait3A_229, %dma_wait3A_230] : memref<10000x16xf32, #tpu.memory_space<hbm>> -> memref<10000x16xf32, #tpu.memory_space<hbm>>
      tpu.wait_indirect_dma semaphore(%arg22 : memref<!tpu.dma_semaphore, #tpu.memory_space<semaphore_mem>>) src(%dma_wait3A_231 : memref<10000x16xf32, #tpu.memory_space<hbm>>) dst(%arg13 : memref<125x16xf32, #tpu.memory_space<vmem>>)
      %dma_start3A_232 = arith.constant 0 : i32
      %dma_start3A_233 = tpu.memref_slice %arg8[%add3A_216, %dma_start3A_232] : memref<80x125xi32, #tpu.memory_space<vmem>> -> memref<1x125xi32, #tpu.memory_space<vmem>>
      %dma_start3A_234 = tpu.memref_squeeze %dma_start3A_233 : memref<1x125xi32, #tpu.memory_space<vmem>> -> memref<125xi32, #tpu.memory_space<vmem>>
      %dma_start3A_235 = arith.constant 0 : i32
      %dma_start3A_236 = arith.constant 0 : i32
      %dma_start3A_237 = tpu.memref_slice %arg17[%dma_start3A_235, %dma_start3A_236] : memref<10240x16xf32, #tpu.memory_space<vmem_shared>> -> memref<10240x16xf32, #tpu.memory_space<vmem_shared>>
      tpu.enqueue_indirect_dma source(%arg13 : memref<125x16xf32, #tpu.memory_space<vmem>>) target(%dma_start3A_237 : memref<10240x16xf32, #tpu.memory_space<vmem_shared>>) offsets(%dma_start3A_234 : memref<125xi32, #tpu.memory_space<vmem>>) semaphore(%arg30 : memref<!tpu.dma_semaphore, #tpu.memory_space<semaphore_mem>>) {add = true}
      %mul3A_238 = arith.constant 8 : i32
      %mul3A_239 = arith.muli %scan3A_116, %mul3A_238 : i32
      %add3A_240 = arith.constant 5 : i32
      %add3A_241 = arith.addi %mul3A_239, %add3A_240 : i32
      %add3A_242 = arith.constant 8 : i32
      %add3A_243 = arith.addi %add3A_241, %add3A_242 : i32
      %sub3A_244 = arith.constant 1 : i32
      %sub3A_245 = arith.subi %add3A_243, %sub3A_244 : i32
      %lt3A_246 = arith.constant 80 : i32
      %lt3A_247 = arith.cmpi slt, %sub3A_245, %lt3A_246 : i32
      %convert_element_type3A_248 = arith.extui %lt3A_247 : i1 to i32
      %cond3A_249 = arith.constant 0 : i32
      %cond3A_250 = arith.cmpi ne, %convert_element_type3A_248, %cond3A_249 : i32
      scf.if %cond3A_250 {
        %sub3A_313 = arith.constant 8 : i32
        %sub3A_314 = arith.subi %sub3A_245, %sub3A_313 : i32
        %dma_wait3A_315 = arith.constant 0 : i32
        %dma_wait3A_316 = tpu.memref_slice %arg8[%sub3A_314, %dma_wait3A_315] : memref<80x125xi32, #tpu.memory_space<vmem>> -> memref<1x125xi32, #tpu.memory_space<vmem>>
        %dma_wait3A_317 = tpu.memref_squeeze %dma_wait3A_316 : memref<1x125xi32, #tpu.memory_space<vmem>> -> memref<125xi32, #tpu.memory_space<vmem>>
        %dma_wait3A_318 = arith.constant 0 : i32
        %dma_wait3A_319 = arith.constant 0 : i32
        %dma_wait3A_320 = tpu.memref_slice %arg17[%dma_wait3A_318, %dma_wait3A_319] : memref<10240x16xf32, #tpu.memory_space<vmem_shared>> -> memref<10240x16xf32, #tpu.memory_space<vmem_shared>>
        tpu.wait_indirect_dma semaphore(%arg30 : memref<!tpu.dma_semaphore, #tpu.memory_space<semaphore_mem>>) src(%arg13 : memref<125x16xf32, #tpu.memory_space<vmem>>) dst(%dma_wait3A_320 : memref<10240x16xf32, #tpu.memory_space<vmem_shared>>)
        %dma_start3A_321 = arith.constant 0 : i32
        %dma_start3A_322 = tpu.memref_slice %arg7[%sub3A_245, %dma_start3A_321] : memref<80x125xi32, #tpu.memory_space<vmem>> -> memref<1x125xi32, #tpu.memory_space<vmem>>
        %dma_start3A_323 = tpu.memref_squeeze %dma_start3A_322 : memref<1x125xi32, #tpu.memory_space<vmem>> -> memref<125xi32, #tpu.memory_space<vmem>>
        %dma_start3A_324 = arith.constant 0 : i32
        %dma_start3A_325 = arith.constant 0 : i32
        %dma_start3A_326 = tpu.memref_slice %arg2[%dma_start3A_324, %dma_start3A_325] : memref<10000x16xf32, #tpu.memory_space<hbm>> -> memref<10000x16xf32, #tpu.memory_space<hbm>>
        tpu.enqueue_indirect_dma source(%dma_start3A_326 : memref<10000x16xf32, #tpu.memory_space<hbm>>) target(%arg13 : memref<125x16xf32, #tpu.memory_space<vmem>>) offsets(%dma_start3A_323 : memref<125xi32, #tpu.memory_space<vmem>>) semaphore(%arg22 : memref<!tpu.dma_semaphore, #tpu.memory_space<semaphore_mem>>)
      } else {
      }
      %dma_wait3A_251 = arith.constant 0 : i32
      %dma_wait3A_252 = tpu.memref_slice %arg7[%add3A_241, %dma_wait3A_251] : memref<80x125xi32, #tpu.memory_space<vmem>> -> memref<1x125xi32, #tpu.memory_space<vmem>>
      %dma_wait3A_253 = tpu.memref_squeeze %dma_wait3A_252 : memref<1x125xi32, #tpu.memory_space<vmem>> -> memref<125xi32, #tpu.memory_space<vmem>>
      %dma_wait3A_254 = arith.constant 0 : i32
      %dma_wait3A_255 = arith.constant 0 : i32
      %dma_wait3A_256 = tpu.memref_slice %arg2[%dma_wait3A_254, %dma_wait3A_255] : memref<10000x16xf32, #tpu.memory_space<hbm>> -> memref<10000x16xf32, #tpu.memory_space<hbm>>
      tpu.wait_indirect_dma semaphore(%arg23 : memref<!tpu.dma_semaphore, #tpu.memory_space<semaphore_mem>>) src(%dma_wait3A_256 : memref<10000x16xf32, #tpu.memory_space<hbm>>) dst(%arg14 : memref<125x16xf32, #tpu.memory_space<vmem>>)
      %dma_start3A_257 = arith.constant 0 : i32
      %dma_start3A_258 = tpu.memref_slice %arg8[%add3A_241, %dma_start3A_257] : memref<80x125xi32, #tpu.memory_space<vmem>> -> memref<1x125xi32, #tpu.memory_space<vmem>>
      %dma_start3A_259 = tpu.memref_squeeze %dma_start3A_258 : memref<1x125xi32, #tpu.memory_space<vmem>> -> memref<125xi32, #tpu.memory_space<vmem>>
      %dma_start3A_260 = arith.constant 0 : i32
      %dma_start3A_261 = arith.constant 0 : i32
      %dma_start3A_262 = tpu.memref_slice %arg17[%dma_start3A_260, %dma_start3A_261] : memref<10240x16xf32, #tpu.memory_space<vmem_shared>> -> memref<10240x16xf32, #tpu.memory_space<vmem_shared>>
      tpu.enqueue_indirect_dma source(%arg14 : memref<125x16xf32, #tpu.memory_space<vmem>>) target(%dma_start3A_262 : memref<10240x16xf32, #tpu.memory_space<vmem_shared>>) offsets(%dma_start3A_259 : memref<125xi32, #tpu.memory_space<vmem>>) semaphore(%arg31 : memref<!tpu.dma_semaphore, #tpu.memory_space<semaphore_mem>>) {add = true}
      %mul3A_263 = arith.constant 8 : i32
      %mul3A_264 = arith.muli %scan3A_116, %mul3A_263 : i32
      %add3A_265 = arith.constant 6 : i32
      %add3A_266 = arith.addi %mul3A_264, %add3A_265 : i32
      %add3A_267 = arith.constant 8 : i32
      %add3A_268 = arith.addi %add3A_266, %add3A_267 : i32
      %sub3A_269 = arith.constant 1 : i32
      %sub3A_270 = arith.subi %add3A_268, %sub3A_269 : i32
      %lt3A_271 = arith.constant 80 : i32
      %lt3A_272 = arith.cmpi slt, %sub3A_270, %lt3A_271 : i32
      %convert_element_type3A_273 = arith.extui %lt3A_272 : i1 to i32
      %cond3A_274 = arith.constant 0 : i32
      %cond3A_275 = arith.cmpi ne, %convert_element_type3A_273, %cond3A_274 : i32
      scf.if %cond3A_275 {
        %sub3A_313 = arith.constant 8 : i32
        %sub3A_314 = arith.subi %sub3A_270, %sub3A_313 : i32
        %dma_wait3A_315 = arith.constant 0 : i32
        %dma_wait3A_316 = tpu.memref_slice %arg8[%sub3A_314, %dma_wait3A_315] : memref<80x125xi32, #tpu.memory_space<vmem>> -> memref<1x125xi32, #tpu.memory_space<vmem>>
        %dma_wait3A_317 = tpu.memref_squeeze %dma_wait3A_316 : memref<1x125xi32, #tpu.memory_space<vmem>> -> memref<125xi32, #tpu.memory_space<vmem>>
        %dma_wait3A_318 = arith.constant 0 : i32
        %dma_wait3A_319 = arith.constant 0 : i32
        %dma_wait3A_320 = tpu.memref_slice %arg17[%dma_wait3A_318, %dma_wait3A_319] : memref<10240x16xf32, #tpu.memory_space<vmem_shared>> -> memref<10240x16xf32, #tpu.memory_space<vmem_shared>>
        tpu.wait_indirect_dma semaphore(%arg31 : memref<!tpu.dma_semaphore, #tpu.memory_space<semaphore_mem>>) src(%arg14 : memref<125x16xf32, #tpu.memory_space<vmem>>) dst(%dma_wait3A_320 : memref<10240x16xf32, #tpu.memory_space<vmem_shared>>)
        %dma_start3A_321 = arith.constant 0 : i32
        %dma_start3A_322 = tpu.memref_slice %arg7[%sub3A_270, %dma_start3A_321] : memref<80x125xi32, #tpu.memory_space<vmem>> -> memref<1x125xi32, #tpu.memory_space<vmem>>
        %dma_start3A_323 = tpu.memref_squeeze %dma_start3A_322 : memref<1x125xi32, #tpu.memory_space<vmem>> -> memref<125xi32, #tpu.memory_space<vmem>>
        %dma_start3A_324 = arith.constant 0 : i32
        %dma_start3A_325 = arith.constant 0 : i32
        %dma_start3A_326 = tpu.memref_slice %arg2[%dma_start3A_324, %dma_start3A_325] : memref<10000x16xf32, #tpu.memory_space<hbm>> -> memref<10000x16xf32, #tpu.memory_space<hbm>>
        tpu.enqueue_indirect_dma source(%dma_start3A_326 : memref<10000x16xf32, #tpu.memory_space<hbm>>) target(%arg14 : memref<125x16xf32, #tpu.memory_space<vmem>>) offsets(%dma_start3A_323 : memref<125xi32, #tpu.memory_space<vmem>>) semaphore(%arg23 : memref<!tpu.dma_semaphore, #tpu.memory_space<semaphore_mem>>)
      } else {
      }
      %dma_wait3A_276 = arith.constant 0 : i32
      %dma_wait3A_277 = tpu.memref_slice %arg7[%add3A_266, %dma_wait3A_276] : memref<80x125xi32, #tpu.memory_space<vmem>> -> memref<1x125xi32, #tpu.memory_space<vmem>>
      %dma_wait3A_278 = tpu.memref_squeeze %dma_wait3A_277 : memref<1x125xi32, #tpu.memory_space<vmem>> -> memref<125xi32, #tpu.memory_space<vmem>>
      %dma_wait3A_279 = arith.constant 0 : i32
      %dma_wait3A_280 = arith.constant 0 : i32
      %dma_wait3A_281 = tpu.memref_slice %arg2[%dma_wait3A_279, %dma_wait3A_280] : memref<10000x16xf32, #tpu.memory_space<hbm>> -> memref<10000x16xf32, #tpu.memory_space<hbm>>
      tpu.wait_indirect_dma semaphore(%arg24 : memref<!tpu.dma_semaphore, #tpu.memory_space<semaphore_mem>>) src(%dma_wait3A_281 : memref<10000x16xf32, #tpu.memory_space<hbm>>) dst(%arg15 : memref<125x16xf32, #tpu.memory_space<vmem>>)
      %dma_start3A_282 = arith.constant 0 : i32
      %dma_start3A_283 = tpu.memref_slice %arg8[%add3A_266, %dma_start3A_282] : memref<80x125xi32, #tpu.memory_space<vmem>> -> memref<1x125xi32, #tpu.memory_space<vmem>>
      %dma_start3A_284 = tpu.memref_squeeze %dma_start3A_283 : memref<1x125xi32, #tpu.memory_space<vmem>> -> memref<125xi32, #tpu.memory_space<vmem>>
      %dma_start3A_285 = arith.constant 0 : i32
      %dma_start3A_286 = arith.constant 0 : i32
      %dma_start3A_287 = tpu.memref_slice %arg17[%dma_start3A_285, %dma_start3A_286] : memref<10240x16xf32, #tpu.memory_space<vmem_shared>> -> memref<10240x16xf32, #tpu.memory_space<vmem_shared>>
      tpu.enqueue_indirect_dma source(%arg15 : memref<125x16xf32, #tpu.memory_space<vmem>>) target(%dma_start3A_287 : memref<10240x16xf32, #tpu.memory_space<vmem_shared>>) offsets(%dma_start3A_284 : memref<125xi32, #tpu.memory_space<vmem>>) semaphore(%arg32 : memref<!tpu.dma_semaphore, #tpu.memory_space<semaphore_mem>>) {add = true}
      %mul3A_288 = arith.constant 8 : i32
      %mul3A_289 = arith.muli %scan3A_116, %mul3A_288 : i32
      %add3A_290 = arith.constant 7 : i32
      %add3A_291 = arith.addi %mul3A_289, %add3A_290 : i32
      %add3A_292 = arith.constant 8 : i32
      %add3A_293 = arith.addi %add3A_291, %add3A_292 : i32
      %sub3A_294 = arith.constant 1 : i32
      %sub3A_295 = arith.subi %add3A_293, %sub3A_294 : i32
      %lt3A_296 = arith.constant 80 : i32
      %lt3A_297 = arith.cmpi slt, %sub3A_295, %lt3A_296 : i32
      %convert_element_type3A_298 = arith.extui %lt3A_297 : i1 to i32
      %cond3A_299 = arith.constant 0 : i32
      %cond3A_300 = arith.cmpi ne, %convert_element_type3A_298, %cond3A_299 : i32
      scf.if %cond3A_300 {
        %sub3A_313 = arith.constant 8 : i32
        %sub3A_314 = arith.subi %sub3A_295, %sub3A_313 : i32
        %dma_wait3A_315 = arith.constant 0 : i32
        %dma_wait3A_316 = tpu.memref_slice %arg8[%sub3A_314, %dma_wait3A_315] : memref<80x125xi32, #tpu.memory_space<vmem>> -> memref<1x125xi32, #tpu.memory_space<vmem>>
        %dma_wait3A_317 = tpu.memref_squeeze %dma_wait3A_316 : memref<1x125xi32, #tpu.memory_space<vmem>> -> memref<125xi32, #tpu.memory_space<vmem>>
        %dma_wait3A_318 = arith.constant 0 : i32
        %dma_wait3A_319 = arith.constant 0 : i32
        %dma_wait3A_320 = tpu.memref_slice %arg17[%dma_wait3A_318, %dma_wait3A_319] : memref<10240x16xf32, #tpu.memory_space<vmem_shared>> -> memref<10240x16xf32, #tpu.memory_space<vmem_shared>>
        tpu.wait_indirect_dma semaphore(%arg32 : memref<!tpu.dma_semaphore, #tpu.memory_space<semaphore_mem>>) src(%arg15 : memref<125x16xf32, #tpu.memory_space<vmem>>) dst(%dma_wait3A_320 : memref<10240x16xf32, #tpu.memory_space<vmem_shared>>)
        %dma_start3A_321 = arith.constant 0 : i32
        %dma_start3A_322 = tpu.memref_slice %arg7[%sub3A_295, %dma_start3A_321] : memref<80x125xi32, #tpu.memory_space<vmem>> -> memref<1x125xi32, #tpu.memory_space<vmem>>
        %dma_start3A_323 = tpu.memref_squeeze %dma_start3A_322 : memref<1x125xi32, #tpu.memory_space<vmem>> -> memref<125xi32, #tpu.memory_space<vmem>>
        %dma_start3A_324 = arith.constant 0 : i32
        %dma_start3A_325 = arith.constant 0 : i32
        %dma_start3A_326 = tpu.memref_slice %arg2[%dma_start3A_324, %dma_start3A_325] : memref<10000x16xf32, #tpu.memory_space<hbm>> -> memref<10000x16xf32, #tpu.memory_space<hbm>>
        tpu.enqueue_indirect_dma source(%dma_start3A_326 : memref<10000x16xf32, #tpu.memory_space<hbm>>) target(%arg15 : memref<125x16xf32, #tpu.memory_space<vmem>>) offsets(%dma_start3A_323 : memref<125xi32, #tpu.memory_space<vmem>>) semaphore(%arg24 : memref<!tpu.dma_semaphore, #tpu.memory_space<semaphore_mem>>)
      } else {
      }
      %dma_wait3A_301 = arith.constant 0 : i32
      %dma_wait3A_302 = tpu.memref_slice %arg7[%add3A_291, %dma_wait3A_301] : memref<80x125xi32, #tpu.memory_space<vmem>> -> memref<1x125xi32, #tpu.memory_space<vmem>>
      %dma_wait3A_303 = tpu.memref_squeeze %dma_wait3A_302 : memref<1x125xi32, #tpu.memory_space<vmem>> -> memref<125xi32, #tpu.memory_space<vmem>>
      %dma_wait3A_304 = arith.constant 0 : i32
      %dma_wait3A_305 = arith.constant 0 : i32
      %dma_wait3A_306 = tpu.memref_slice %arg2[%dma_wait3A_304, %dma_wait3A_305] : memref<10000x16xf32, #tpu.memory_space<hbm>> -> memref<10000x16xf32, #tpu.memory_space<hbm>>
      tpu.wait_indirect_dma semaphore(%arg25 : memref<!tpu.dma_semaphore, #tpu.memory_space<semaphore_mem>>) src(%dma_wait3A_306 : memref<10000x16xf32, #tpu.memory_space<hbm>>) dst(%arg16 : memref<125x16xf32, #tpu.memory_space<vmem>>)
      %dma_start3A_307 = arith.constant 0 : i32
      %dma_start3A_308 = tpu.memref_slice %arg8[%add3A_291, %dma_start3A_307] : memref<80x125xi32, #tpu.memory_space<vmem>> -> memref<1x125xi32, #tpu.memory_space<vmem>>
      %dma_start3A_309 = tpu.memref_squeeze %dma_start3A_308 : memref<1x125xi32, #tpu.memory_space<vmem>> -> memref<125xi32, #tpu.memory_space<vmem>>
      %dma_start3A_310 = arith.constant 0 : i32
      %dma_start3A_311 = arith.constant 0 : i32
      %dma_start3A_312 = tpu.memref_slice %arg17[%dma_start3A_310, %dma_start3A_311] : memref<10240x16xf32, #tpu.memory_space<vmem_shared>> -> memref<10240x16xf32, #tpu.memory_space<vmem_shared>>
      tpu.enqueue_indirect_dma source(%arg16 : memref<125x16xf32, #tpu.memory_space<vmem>>) target(%dma_start3A_312 : memref<10240x16xf32, #tpu.memory_space<vmem_shared>>) offsets(%dma_start3A_309 : memref<125xi32, #tpu.memory_space<vmem>>) semaphore(%arg33 : memref<!tpu.dma_semaphore, #tpu.memory_space<semaphore_mem>>) {add = true}
    }
    %scan3A_55 = arith.constant 10 : i32
    %dma_wait3A = arith.constant 72 : i32
    %dma_wait3A_56 = arith.constant 0 : i32
    %dma_wait3A_57 = tpu.memref_slice %arg8[%dma_wait3A, %dma_wait3A_56] : memref<80x125xi32, #tpu.memory_space<vmem>> -> memref<1x125xi32, #tpu.memory_space<vmem>>
    %dma_wait3A_58 = tpu.memref_squeeze %dma_wait3A_57 : memref<1x125xi32, #tpu.memory_space<vmem>> -> memref<125xi32, #tpu.memory_space<vmem>>
    %dma_wait3A_59 = arith.constant 0 : i32
    %dma_wait3A_60 = arith.constant 0 : i32
    %dma_wait3A_61 = tpu.memref_slice %arg17[%dma_wait3A_59, %dma_wait3A_60] : memref<10240x16xf32, #tpu.memory_space<vmem_shared>> -> memref<10240x16xf32, #tpu.memory_space<vmem_shared>>
    tpu.wait_indirect_dma semaphore(%arg26 : memref<!tpu.dma_semaphore, #tpu.memory_space<semaphore_mem>>) src(%arg9 : memref<125x16xf32, #tpu.memory_space<vmem>>) dst(%dma_wait3A_61 : memref<10240x16xf32, #tpu.memory_space<vmem_shared>>)
    %dma_wait3A_62 = arith.constant 73 : i32
    %dma_wait3A_63 = arith.constant 0 : i32
    %dma_wait3A_64 = tpu.memref_slice %arg8[%dma_wait3A_62, %dma_wait3A_63] : memref<80x125xi32, #tpu.memory_space<vmem>> -> memref<1x125xi32, #tpu.memory_space<vmem>>
    %dma_wait3A_65 = tpu.memref_squeeze %dma_wait3A_64 : memref<1x125xi32, #tpu.memory_space<vmem>> -> memref<125xi32, #tpu.memory_space<vmem>>
    %dma_wait3A_66 = arith.constant 0 : i32
    %dma_wait3A_67 = arith.constant 0 : i32
    %dma_wait3A_68 = tpu.memref_slice %arg17[%dma_wait3A_66, %dma_wait3A_67] : memref<10240x16xf32, #tpu.memory_space<vmem_shared>> -> memref<10240x16xf32, #tpu.memory_space<vmem_shared>>
    tpu.wait_indirect_dma semaphore(%arg27 : memref<!tpu.dma_semaphore, #tpu.memory_space<semaphore_mem>>) src(%arg10 : memref<125x16xf32, #tpu.memory_space<vmem>>) dst(%dma_wait3A_68 : memref<10240x16xf32, #tpu.memory_space<vmem_shared>>)
    %dma_wait3A_69 = arith.constant 74 : i32
    %dma_wait3A_70 = arith.constant 0 : i32
    %dma_wait3A_71 = tpu.memref_slice %arg8[%dma_wait3A_69, %dma_wait3A_70] : memref<80x125xi32, #tpu.memory_space<vmem>> -> memref<1x125xi32, #tpu.memory_space<vmem>>
    %dma_wait3A_72 = tpu.memref_squeeze %dma_wait3A_71 : memref<1x125xi32, #tpu.memory_space<vmem>> -> memref<125xi32, #tpu.memory_space<vmem>>
    %dma_wait3A_73 = arith.constant 0 : i32
    %dma_wait3A_74 = arith.constant 0 : i32
    %dma_wait3A_75 = tpu.memref_slice %arg17[%dma_wait3A_73, %dma_wait3A_74] : memref<10240x16xf32, #tpu.memory_space<vmem_shared>> -> memref<10240x16xf32, #tpu.memory_space<vmem_shared>>
    tpu.wait_indirect_dma semaphore(%arg28 : memref<!tpu.dma_semaphore, #tpu.memory_space<semaphore_mem>>) src(%arg11 : memref<125x16xf32, #tpu.memory_space<vmem>>) dst(%dma_wait3A_75 : memref<10240x16xf32, #tpu.memory_space<vmem_shared>>)
    %dma_wait3A_76 = arith.constant 75 : i32
    %dma_wait3A_77 = arith.constant 0 : i32
    %dma_wait3A_78 = tpu.memref_slice %arg8[%dma_wait3A_76, %dma_wait3A_77] : memref<80x125xi32, #tpu.memory_space<vmem>> -> memref<1x125xi32, #tpu.memory_space<vmem>>
    %dma_wait3A_79 = tpu.memref_squeeze %dma_wait3A_78 : memref<1x125xi32, #tpu.memory_space<vmem>> -> memref<125xi32, #tpu.memory_space<vmem>>
    %dma_wait3A_80 = arith.constant 0 : i32
    %dma_wait3A_81 = arith.constant 0 : i32
    %dma_wait3A_82 = tpu.memref_slice %arg17[%dma_wait3A_80, %dma_wait3A_81] : memref<10240x16xf32, #tpu.memory_space<vmem_shared>> -> memref<10240x16xf32, #tpu.memory_space<vmem_shared>>
    tpu.wait_indirect_dma semaphore(%arg29 : memref<!tpu.dma_semaphore, #tpu.memory_space<semaphore_mem>>) src(%arg12 : memref<125x16xf32, #tpu.memory_space<vmem>>) dst(%dma_wait3A_82 : memref<10240x16xf32, #tpu.memory_space<vmem_shared>>)
    %dma_wait3A_83 = arith.constant 76 : i32
    %dma_wait3A_84 = arith.constant 0 : i32
    %dma_wait3A_85 = tpu.memref_slice %arg8[%dma_wait3A_83, %dma_wait3A_84] : memref<80x125xi32, #tpu.memory_space<vmem>> -> memref<1x125xi32, #tpu.memory_space<vmem>>
    %dma_wait3A_86 = tpu.memref_squeeze %dma_wait3A_85 : memref<1x125xi32, #tpu.memory_space<vmem>> -> memref<125xi32, #tpu.memory_space<vmem>>
    %dma_wait3A_87 = arith.constant 0 : i32
    %dma_wait3A_88 = arith.constant 0 : i32
    %dma_wait3A_89 = tpu.memref_slice %arg17[%dma_wait3A_87, %dma_wait3A_88] : memref<10240x16xf32, #tpu.memory_space<vmem_shared>> -> memref<10240x16xf32, #tpu.memory_space<vmem_shared>>
    tpu.wait_indirect_dma semaphore(%arg30 : memref<!tpu.dma_semaphore, #tpu.memory_space<semaphore_mem>>) src(%arg13 : memref<125x16xf32, #tpu.memory_space<vmem>>) dst(%dma_wait3A_89 : memref<10240x16xf32, #tpu.memory_space<vmem_shared>>)
    %dma_wait3A_90 = arith.constant 77 : i32
    %dma_wait3A_91 = arith.constant 0 : i32
    %dma_wait3A_92 = tpu.memref_slice %arg8[%dma_wait3A_90, %dma_wait3A_91] : memref<80x125xi32, #tpu.memory_space<vmem>> -> memref<1x125xi32, #tpu.memory_space<vmem>>
    %dma_wait3A_93 = tpu.memref_squeeze %dma_wait3A_92 : memref<1x125xi32, #tpu.memory_space<vmem>> -> memref<125xi32, #tpu.memory_space<vmem>>
    %dma_wait3A_94 = arith.constant 0 : i32
    %dma_wait3A_95 = arith.constant 0 : i32
    %dma_wait3A_96 = tpu.memref_slice %arg17[%dma_wait3A_94, %dma_wait3A_95] : memref<10240x16xf32, #tpu.memory_space<vmem_shared>> -> memref<10240x16xf32, #tpu.memory_space<vmem_shared>>
    tpu.wait_indirect_dma semaphore(%arg31 : memref<!tpu.dma_semaphore, #tpu.memory_space<semaphore_mem>>) src(%arg14 : memref<125x16xf32, #tpu.memory_space<vmem>>) dst(%dma_wait3A_96 : memref<10240x16xf32, #tpu.memory_space<vmem_shared>>)
    %dma_wait3A_97 = arith.constant 78 : i32
    %dma_wait3A_98 = arith.constant 0 : i32
    %dma_wait3A_99 = tpu.memref_slice %arg8[%dma_wait3A_97, %dma_wait3A_98] : memref<80x125xi32, #tpu.memory_space<vmem>> -> memref<1x125xi32, #tpu.memory_space<vmem>>
    %dma_wait3A_100 = tpu.memref_squeeze %dma_wait3A_99 : memref<1x125xi32, #tpu.memory_space<vmem>> -> memref<125xi32, #tpu.memory_space<vmem>>
    %dma_wait3A_101 = arith.constant 0 : i32
    %dma_wait3A_102 = arith.constant 0 : i32
    %dma_wait3A_103 = tpu.memref_slice %arg17[%dma_wait3A_101, %dma_wait3A_102] : memref<10240x16xf32, #tpu.memory_space<vmem_shared>> -> memref<10240x16xf32, #tpu.memory_space<vmem_shared>>
    tpu.wait_indirect_dma semaphore(%arg32 : memref<!tpu.dma_semaphore, #tpu.memory_space<semaphore_mem>>) src(%arg15 : memref<125x16xf32, #tpu.memory_space<vmem>>) dst(%dma_wait3A_103 : memref<10240x16xf32, #tpu.memory_space<vmem_shared>>)
    %dma_wait3A_104 = arith.constant 79 : i32
    %dma_wait3A_105 = arith.constant 0 : i32
    %dma_wait3A_106 = tpu.memref_slice %arg8[%dma_wait3A_104, %dma_wait3A_105] : memref<80x125xi32, #tpu.memory_space<vmem>> -> memref<1x125xi32, #tpu.memory_space<vmem>>
    %dma_wait3A_107 = tpu.memref_squeeze %dma_wait3A_106 : memref<1x125xi32, #tpu.memory_space<vmem>> -> memref<125xi32, #tpu.memory_space<vmem>>
    %dma_wait3A_108 = arith.constant 0 : i32
    %dma_wait3A_109 = arith.constant 0 : i32
    %dma_wait3A_110 = tpu.memref_slice %arg17[%dma_wait3A_108, %dma_wait3A_109] : memref<10240x16xf32, #tpu.memory_space<vmem_shared>> -> memref<10240x16xf32, #tpu.memory_space<vmem_shared>>
    tpu.wait_indirect_dma semaphore(%arg33 : memref<!tpu.dma_semaphore, #tpu.memory_space<semaphore_mem>>) src(%arg16 : memref<125x16xf32, #tpu.memory_space<vmem>>) dst(%dma_wait3A_110 : memref<10240x16xf32, #tpu.memory_space<vmem_shared>>)
    %barrier3A_111 = arith.constant 0 : index
    tpu.barrier barrier_id(%barrier3A_111)
    %mul3A_112 = arith.constant 640 : i32
    %mul3A_113 = arith.muli %arg1, %mul3A_112 : i32
    %mul3A_114 = arith.constant 640 : i32
    %mul3A_115 = arith.muli %arg1, %mul3A_114 : i32
    "tpu.region"() ({
      %run_scoped3A = tpu.sem_alloc : memref<!tpu.dma_semaphore, #tpu.memory_space<semaphore_mem>>
      %dma_start3A_116 = arith.constant 0 : i32
      %dma_start3A_117 = tpu.memref_slice %arg6[%arg0, %mul3A_115, %dma_start3A_116] : memref<2x10240x16xf32, #tpu.memory_space<hbm>> -> memref<1x640x16xf32, #tpu.memory_space<hbm>>
      %dma_start3A_118 = tpu.memref_squeeze %dma_start3A_117 : memref<1x640x16xf32, #tpu.memory_space<hbm>> -> memref<640x16xf32, #tpu.memory_space<hbm>>
      %dma_start3A_119 = arith.constant 0 : i32
      %dma_start3A_120 = tpu.memref_slice %arg17[%mul3A_113, %dma_start3A_119] : memref<10240x16xf32, #tpu.memory_space<vmem_shared>> -> memref<640x16xf32, #tpu.memory_space<vmem_shared>>
      tpu.enqueue_dma source(%dma_start3A_120 : memref<640x16xf32, #tpu.memory_space<vmem_shared>>) target(%dma_start3A_118 : memref<640x16xf32, #tpu.memory_space<hbm>>) target_semaphore(%run_scoped3A : memref<!tpu.dma_semaphore, #tpu.memory_space<semaphore_mem>>)
      %dma_wait3A_121 = arith.constant 0 : i32
      %dma_wait3A_122 = tpu.memref_slice %arg6[%arg0, %mul3A_115, %dma_wait3A_121] : memref<2x10240x16xf32, #tpu.memory_space<hbm>> -> memref<1x640x16xf32, #tpu.memory_space<hbm>>
      %dma_wait3A_123 = tpu.memref_squeeze %dma_wait3A_122 : memref<1x640x16xf32, #tpu.memory_space<hbm>> -> memref<640x16xf32, #tpu.memory_space<hbm>>
      %dma_wait3A_124 = arith.constant 0 : i32
      %dma_wait3A_125 = tpu.memref_slice %arg17[%mul3A_113, %dma_wait3A_124] : memref<10240x16xf32, #tpu.memory_space<vmem_shared>> -> memref<640x16xf32, #tpu.memory_space<vmem_shared>>
      tpu.wait_dma2 semaphore(%run_scoped3A : memref<!tpu.dma_semaphore, #tpu.memory_space<semaphore_mem>>) src(%dma_wait3A_125 : memref<640x16xf32, #tpu.memory_space<vmem_shared>>) dst(%dma_wait3A_123 : memref<640x16xf32, #tpu.memory_space<hbm>>)
      tpu.yield
    }) : () -> ()
    return
  }
}

#map = affine_map<(d0, d1) -> (0, 0)>
#map1 = affine_map<(d0, d1) -> (0, 0, 0)>
module attributes {stable_mosaic.version = 14 : i64} {
  func.func @deg(%arg0: i32, %arg1: i32, %arg2: memref<125x16xf32, #tpu.memory_space<hbm>>, %arg3: memref<32x80x125xi32, #tpu.memory_space<hbm>>, %arg4: memref<640x16xf32, #tpu.memory_space<hbm>>, %arg5: memref<2x10240x16xf32, #tpu.memory_space<hbm>>, %arg6: memref<80x125xi32, #tpu.memory_space<vmem>>, %arg7: memref<125x16xf32, #tpu.memory_space<vmem>>, %arg8: memref<10240x16xf32, #tpu.memory_space<vmem_shared>>) attributes {dimension_semantics = [#tpu.dimension_semantics<core_parallel>, #tpu.dimension_semantics<subcore_parallel>], iteration_bounds = array<i64: 2, 16>, scalar_prefetch = 0 : i64, scratch_operands = 3 : i64, tpu.core_type = #tpu.core_type<sc_vector_subcore>, window_params = [{transform_indices = #map}, {transform_indices = #map1}, {transform_indices = #map}, {transform_indices = #map1}]} {
    %mul3A = arith.constant 2 : i32
    %mul3A_0 = arith.muli %arg1, %mul3A : i32
    %add3A = arith.addi %mul3A_0, %arg0 : i32
    %mul3A_1 = arith.constant 640 : i32
    %mul3A_2 = arith.muli %arg1, %mul3A_1 : i32
    "tpu.region"() ({
      %run_scoped3A = tpu.sem_alloc : memref<!tpu.dma_semaphore, #tpu.memory_space<semaphore_mem>>
      %dma_start3A = arith.constant 0 : i32
      %dma_start3A_13 = tpu.memref_slice %arg8[%mul3A_2, %dma_start3A] : memref<10240x16xf32, #tpu.memory_space<vmem_shared>> -> memref<640x16xf32, #tpu.memory_space<vmem_shared>>
      tpu.enqueue_dma source(%arg4 : memref<640x16xf32, #tpu.memory_space<hbm>>) target(%dma_start3A_13 : memref<640x16xf32, #tpu.memory_space<vmem_shared>>) target_semaphore(%run_scoped3A : memref<!tpu.dma_semaphore, #tpu.memory_space<semaphore_mem>>)
      %dma_wait3A = arith.constant 0 : i32
      %dma_wait3A_14 = tpu.memref_slice %arg8[%mul3A_2, %dma_wait3A] : memref<10240x16xf32, #tpu.memory_space<vmem_shared>> -> memref<640x16xf32, #tpu.memory_space<vmem_shared>>
      tpu.wait_dma2 semaphore(%run_scoped3A : memref<!tpu.dma_semaphore, #tpu.memory_space<semaphore_mem>>) src(%arg4 : memref<640x16xf32, #tpu.memory_space<hbm>>) dst(%dma_wait3A_14 : memref<640x16xf32, #tpu.memory_space<vmem_shared>>)
      tpu.yield
    }) : () -> ()
    "tpu.region"() ({
      %run_scoped3A = tpu.sem_alloc : memref<!tpu.dma_semaphore, #tpu.memory_space<semaphore_mem>>
      %dma_start3A = arith.constant 0 : i32
      %dma_start3A_13 = arith.constant 0 : i32
      %dma_start3A_14 = tpu.memref_slice %arg3[%add3A, %dma_start3A, %dma_start3A_13] : memref<32x80x125xi32, #tpu.memory_space<hbm>> -> memref<1x80x125xi32, #tpu.memory_space<hbm>>
      %dma_start3A_15 = tpu.memref_squeeze %dma_start3A_14 : memref<1x80x125xi32, #tpu.memory_space<hbm>> -> memref<80x125xi32, #tpu.memory_space<hbm>>
      %dma_start3A_16 = arith.constant 0 : i32
      %dma_start3A_17 = arith.constant 0 : i32
      %dma_start3A_18 = tpu.memref_slice %arg3[%add3A, %dma_start3A_16, %dma_start3A_17] : memref<32x80x125xi32, #tpu.memory_space<hbm>> -> memref<1x80x125xi32, #tpu.memory_space<hbm>>
      %dma_start3A_19 = tpu.memref_squeeze %dma_start3A_18 : memref<1x80x125xi32, #tpu.memory_space<hbm>> -> memref<80x125xi32, #tpu.memory_space<hbm>>
      tpu.enqueue_dma source(%dma_start3A_19 : memref<80x125xi32, #tpu.memory_space<hbm>>) target(%arg6 : memref<80x125xi32, #tpu.memory_space<vmem>>) target_semaphore(%run_scoped3A : memref<!tpu.dma_semaphore, #tpu.memory_space<semaphore_mem>>)
      %dma_wait3A = arith.constant 0 : i32
      %dma_wait3A_20 = arith.constant 0 : i32
      %dma_wait3A_21 = tpu.memref_slice %arg3[%add3A, %dma_wait3A, %dma_wait3A_20] : memref<32x80x125xi32, #tpu.memory_space<hbm>> -> memref<1x80x125xi32, #tpu.memory_space<hbm>>
      %dma_wait3A_22 = tpu.memref_squeeze %dma_wait3A_21 : memref<1x80x125xi32, #tpu.memory_space<hbm>> -> memref<80x125xi32, #tpu.memory_space<hbm>>
      %dma_wait3A_23 = arith.constant 0 : i32
      %dma_wait3A_24 = arith.constant 0 : i32
      %dma_wait3A_25 = tpu.memref_slice %arg3[%add3A, %dma_wait3A_23, %dma_wait3A_24] : memref<32x80x125xi32, #tpu.memory_space<hbm>> -> memref<1x80x125xi32, #tpu.memory_space<hbm>>
      %dma_wait3A_26 = tpu.memref_squeeze %dma_wait3A_25 : memref<1x80x125xi32, #tpu.memory_space<hbm>> -> memref<80x125xi32, #tpu.memory_space<hbm>>
      tpu.wait_dma2 semaphore(%run_scoped3A : memref<!tpu.dma_semaphore, #tpu.memory_space<semaphore_mem>>) src(%dma_wait3A_26 : memref<80x125xi32, #tpu.memory_space<hbm>>) dst(%arg6 : memref<80x125xi32, #tpu.memory_space<vmem>>)
      tpu.yield
    }) : () -> ()
    "tpu.region"() ({
      %run_scoped3A = tpu.sem_alloc : memref<!tpu.dma_semaphore, #tpu.memory_space<semaphore_mem>>
      tpu.enqueue_dma source(%arg2 : memref<125x16xf32, #tpu.memory_space<hbm>>) target(%arg7 : memref<125x16xf32, #tpu.memory_space<vmem>>) target_semaphore(%run_scoped3A : memref<!tpu.dma_semaphore, #tpu.memory_space<semaphore_mem>>)
      tpu.wait_dma2 semaphore(%run_scoped3A : memref<!tpu.dma_semaphore, #tpu.memory_space<semaphore_mem>>) src(%arg2 : memref<125x16xf32, #tpu.memory_space<hbm>>) dst(%arg7 : memref<125x16xf32, #tpu.memory_space<vmem>>)
      tpu.yield
    }) : () -> ()
    %barrier3A = arith.constant 0 : index
    tpu.barrier barrier_id(%barrier3A)
    %scan3A = arith.constant 0 : i32
    %scan3A_3 = arith.constant 0 : i32
    %scan3A_4 = arith.constant 80 : i32
    %scan3A_5 = arith.addi %scan3A_3, %scan3A_4 : i32
    %scan3A_6 = arith.constant 1 : i32
    scf.for %scan3A_13 = %scan3A_3 to %scan3A_5 step %scan3A_6  : i32 {
      "tpu.region"() ({
        %run_scoped3A = tpu.sem_alloc : memref<!tpu.dma_semaphore, #tpu.memory_space<semaphore_mem>>
        %dma_start3A = arith.constant 0 : i32
        %dma_start3A_14 = tpu.memref_slice %arg6[%scan3A_13, %dma_start3A] : memref<80x125xi32, #tpu.memory_space<vmem>> -> memref<1x125xi32, #tpu.memory_space<vmem>>
        %dma_start3A_15 = tpu.memref_squeeze %dma_start3A_14 : memref<1x125xi32, #tpu.memory_space<vmem>> -> memref<125xi32, #tpu.memory_space<vmem>>
        %dma_start3A_16 = arith.constant 0 : i32
        %dma_start3A_17 = arith.constant 0 : i32
        %dma_start3A_18 = tpu.memref_slice %arg8[%dma_start3A_16, %dma_start3A_17] : memref<10240x16xf32, #tpu.memory_space<vmem_shared>> -> memref<10240x16xf32, #tpu.memory_space<vmem_shared>>
        tpu.enqueue_indirect_dma source(%arg7 : memref<125x16xf32, #tpu.memory_space<vmem>>) target(%dma_start3A_18 : memref<10240x16xf32, #tpu.memory_space<vmem_shared>>) offsets(%dma_start3A_15 : memref<125xi32, #tpu.memory_space<vmem>>) semaphore(%run_scoped3A : memref<!tpu.dma_semaphore, #tpu.memory_space<semaphore_mem>>) {add = true}
        %dma_wait3A = arith.constant 0 : i32
        %dma_wait3A_19 = tpu.memref_slice %arg6[%scan3A_13, %dma_wait3A] : memref<80x125xi32, #tpu.memory_space<vmem>> -> memref<1x125xi32, #tpu.memory_space<vmem>>
        %dma_wait3A_20 = tpu.memref_squeeze %dma_wait3A_19 : memref<1x125xi32, #tpu.memory_space<vmem>> -> memref<125xi32, #tpu.memory_space<vmem>>
        %dma_wait3A_21 = arith.constant 0 : i32
        %dma_wait3A_22 = arith.constant 0 : i32
        %dma_wait3A_23 = tpu.memref_slice %arg8[%dma_wait3A_21, %dma_wait3A_22] : memref<10240x16xf32, #tpu.memory_space<vmem_shared>> -> memref<10240x16xf32, #tpu.memory_space<vmem_shared>>
        tpu.wait_indirect_dma semaphore(%run_scoped3A : memref<!tpu.dma_semaphore, #tpu.memory_space<semaphore_mem>>) src(%arg7 : memref<125x16xf32, #tpu.memory_space<vmem>>) dst(%dma_wait3A_23 : memref<10240x16xf32, #tpu.memory_space<vmem_shared>>)
        tpu.yield
      }) : () -> ()
    }
    %scan3A_7 = arith.constant 80 : i32
    %barrier3A_8 = arith.constant 0 : index
    tpu.barrier barrier_id(%barrier3A_8)
    %mul3A_9 = arith.constant 640 : i32
    %mul3A_10 = arith.muli %arg1, %mul3A_9 : i32
    %mul3A_11 = arith.constant 640 : i32
    %mul3A_12 = arith.muli %arg1, %mul3A_11 : i32
    "tpu.region"() ({
      %run_scoped3A = tpu.sem_alloc : memref<!tpu.dma_semaphore, #tpu.memory_space<semaphore_mem>>
      %dma_start3A = arith.constant 0 : i32
      %dma_start3A_13 = tpu.memref_slice %arg5[%arg0, %mul3A_12, %dma_start3A] : memref<2x10240x16xf32, #tpu.memory_space<hbm>> -> memref<1x640x16xf32, #tpu.memory_space<hbm>>
      %dma_start3A_14 = tpu.memref_squeeze %dma_start3A_13 : memref<1x640x16xf32, #tpu.memory_space<hbm>> -> memref<640x16xf32, #tpu.memory_space<hbm>>
      %dma_start3A_15 = arith.constant 0 : i32
      %dma_start3A_16 = tpu.memref_slice %arg8[%mul3A_10, %dma_start3A_15] : memref<10240x16xf32, #tpu.memory_space<vmem_shared>> -> memref<640x16xf32, #tpu.memory_space<vmem_shared>>
      tpu.enqueue_dma source(%dma_start3A_16 : memref<640x16xf32, #tpu.memory_space<vmem_shared>>) target(%dma_start3A_14 : memref<640x16xf32, #tpu.memory_space<hbm>>) target_semaphore(%run_scoped3A : memref<!tpu.dma_semaphore, #tpu.memory_space<semaphore_mem>>)
      %dma_wait3A = arith.constant 0 : i32
      %dma_wait3A_17 = tpu.memref_slice %arg5[%arg0, %mul3A_12, %dma_wait3A] : memref<2x10240x16xf32, #tpu.memory_space<hbm>> -> memref<1x640x16xf32, #tpu.memory_space<hbm>>
      %dma_wait3A_18 = tpu.memref_squeeze %dma_wait3A_17 : memref<1x640x16xf32, #tpu.memory_space<hbm>> -> memref<640x16xf32, #tpu.memory_space<hbm>>
      %dma_wait3A_19 = arith.constant 0 : i32
      %dma_wait3A_20 = tpu.memref_slice %arg8[%mul3A_10, %dma_wait3A_19] : memref<10240x16xf32, #tpu.memory_space<vmem_shared>> -> memref<640x16xf32, #tpu.memory_space<vmem_shared>>
      tpu.wait_dma2 semaphore(%run_scoped3A : memref<!tpu.dma_semaphore, #tpu.memory_space<semaphore_mem>>) src(%dma_wait3A_20 : memref<640x16xf32, #tpu.memory_space<vmem_shared>>) dst(%dma_wait3A_18 : memref<640x16xf32, #tpu.memory_space<hbm>>)
      tpu.yield
    }) : () -> ()
    return
  }
}

#map = affine_map<(d0, d1) -> (0, 0)>
#map1 = affine_map<(d0, d1) -> (0, 0, 0)>
module attributes {stable_mosaic.version = 14 : i64} {
  func.func @agg(%arg0: i32, %arg1: i32, %arg2: memref<10000x128xf32, #tpu.memory_space<hbm>>, %arg3: memref<32x250x40xi32, #tpu.memory_space<hbm>>, %arg4: memref<32x250x40xi32, #tpu.memory_space<hbm>>, %arg5: memref<640x128xf32, #tpu.memory_space<hbm>>, %arg6: memref<2x10240x128xf32, #tpu.memory_space<hbm>>, %arg7: memref<250x40xi32, #tpu.memory_space<vmem>>, %arg8: memref<250x40xi32, #tpu.memory_space<vmem>>, %arg9: memref<40x128xf32, #tpu.memory_space<vmem>>, %arg10: memref<40x128xf32, #tpu.memory_space<vmem>>, %arg11: memref<40x128xf32, #tpu.memory_space<vmem>>, %arg12: memref<40x128xf32, #tpu.memory_space<vmem>>, %arg13: memref<40x128xf32, #tpu.memory_space<vmem>>, %arg14: memref<10240x128xf32, #tpu.memory_space<vmem_shared>>, %arg15: memref<!tpu.dma_semaphore, #tpu.memory_space<semaphore_mem>>, %arg16: memref<!tpu.dma_semaphore, #tpu.memory_space<semaphore_mem>>, %arg17: memref<!tpu.dma_semaphore, #tpu.memory_space<semaphore_mem>>, %arg18: memref<!tpu.dma_semaphore, #tpu.memory_space<semaphore_mem>>, %arg19: memref<!tpu.dma_semaphore, #tpu.memory_space<semaphore_mem>>, %arg20: memref<!tpu.dma_semaphore, #tpu.memory_space<semaphore_mem>>, %arg21: memref<!tpu.dma_semaphore, #tpu.memory_space<semaphore_mem>>, %arg22: memref<!tpu.dma_semaphore, #tpu.memory_space<semaphore_mem>>, %arg23: memref<!tpu.dma_semaphore, #tpu.memory_space<semaphore_mem>>, %arg24: memref<!tpu.dma_semaphore, #tpu.memory_space<semaphore_mem>>) attributes {dimension_semantics = [#tpu.dimension_semantics<core_parallel>, #tpu.dimension_semantics<subcore_parallel>], iteration_bounds = array<i64: 2, 16>, scalar_prefetch = 0 : i64, scratch_operands = 18 : i64, tpu.core_type = #tpu.core_type<sc_vector_subcore>, window_params = [{transform_indices = #map}, {transform_indices = #map1}, {transform_indices = #map1}, {transform_indices = #map}, {transform_indices = #map1}]} {
    %mul3A = arith.constant 2 : i32
    %mul3A_0 = arith.muli %arg1, %mul3A : i32
    %add3A = arith.addi %mul3A_0, %arg0 : i32
    "tpu.region"() ({
      %run_scoped3A = tpu.sem_alloc : memref<!tpu.dma_semaphore, #tpu.memory_space<semaphore_mem>>
      %dma_start3A_74 = arith.constant 0 : i32
      %dma_start3A_75 = arith.constant 0 : i32
      %dma_start3A_76 = tpu.memref_slice %arg3[%add3A, %dma_start3A_74, %dma_start3A_75] : memref<32x250x40xi32, #tpu.memory_space<hbm>> -> memref<1x250x40xi32, #tpu.memory_space<hbm>>
      %dma_start3A_77 = tpu.memref_squeeze %dma_start3A_76 : memref<1x250x40xi32, #tpu.memory_space<hbm>> -> memref<250x40xi32, #tpu.memory_space<hbm>>
      %dma_start3A_78 = arith.constant 0 : i32
      %dma_start3A_79 = arith.constant 0 : i32
      %dma_start3A_80 = tpu.memref_slice %arg3[%add3A, %dma_start3A_78, %dma_start3A_79] : memref<32x250x40xi32, #tpu.memory_space<hbm>> -> memref<1x250x40xi32, #tpu.memory_space<hbm>>
      %dma_start3A_81 = tpu.memref_squeeze %dma_start3A_80 : memref<1x250x40xi32, #tpu.memory_space<hbm>> -> memref<250x40xi32, #tpu.memory_space<hbm>>
      tpu.enqueue_dma source(%dma_start3A_81 : memref<250x40xi32, #tpu.memory_space<hbm>>) target(%arg7 : memref<250x40xi32, #tpu.memory_space<vmem>>) target_semaphore(%run_scoped3A : memref<!tpu.dma_semaphore, #tpu.memory_space<semaphore_mem>>)
      %dma_wait3A_82 = arith.constant 0 : i32
      %dma_wait3A_83 = arith.constant 0 : i32
      %dma_wait3A_84 = tpu.memref_slice %arg3[%add3A, %dma_wait3A_82, %dma_wait3A_83] : memref<32x250x40xi32, #tpu.memory_space<hbm>> -> memref<1x250x40xi32, #tpu.memory_space<hbm>>
      %dma_wait3A_85 = tpu.memref_squeeze %dma_wait3A_84 : memref<1x250x40xi32, #tpu.memory_space<hbm>> -> memref<250x40xi32, #tpu.memory_space<hbm>>
      %dma_wait3A_86 = arith.constant 0 : i32
      %dma_wait3A_87 = arith.constant 0 : i32
      %dma_wait3A_88 = tpu.memref_slice %arg3[%add3A, %dma_wait3A_86, %dma_wait3A_87] : memref<32x250x40xi32, #tpu.memory_space<hbm>> -> memref<1x250x40xi32, #tpu.memory_space<hbm>>
      %dma_wait3A_89 = tpu.memref_squeeze %dma_wait3A_88 : memref<1x250x40xi32, #tpu.memory_space<hbm>> -> memref<250x40xi32, #tpu.memory_space<hbm>>
      tpu.wait_dma2 semaphore(%run_scoped3A : memref<!tpu.dma_semaphore, #tpu.memory_space<semaphore_mem>>) src(%dma_wait3A_89 : memref<250x40xi32, #tpu.memory_space<hbm>>) dst(%arg7 : memref<250x40xi32, #tpu.memory_space<vmem>>)
      tpu.yield
    }) : () -> ()
    "tpu.region"() ({
      %run_scoped3A = tpu.sem_alloc : memref<!tpu.dma_semaphore, #tpu.memory_space<semaphore_mem>>
      %dma_start3A_74 = arith.constant 0 : i32
      %dma_start3A_75 = arith.constant 0 : i32
      %dma_start3A_76 = tpu.memref_slice %arg4[%add3A, %dma_start3A_74, %dma_start3A_75] : memref<32x250x40xi32, #tpu.memory_space<hbm>> -> memref<1x250x40xi32, #tpu.memory_space<hbm>>
      %dma_start3A_77 = tpu.memref_squeeze %dma_start3A_76 : memref<1x250x40xi32, #tpu.memory_space<hbm>> -> memref<250x40xi32, #tpu.memory_space<hbm>>
      %dma_start3A_78 = arith.constant 0 : i32
      %dma_start3A_79 = arith.constant 0 : i32
      %dma_start3A_80 = tpu.memref_slice %arg4[%add3A, %dma_start3A_78, %dma_start3A_79] : memref<32x250x40xi32, #tpu.memory_space<hbm>> -> memref<1x250x40xi32, #tpu.memory_space<hbm>>
      %dma_start3A_81 = tpu.memref_squeeze %dma_start3A_80 : memref<1x250x40xi32, #tpu.memory_space<hbm>> -> memref<250x40xi32, #tpu.memory_space<hbm>>
      tpu.enqueue_dma source(%dma_start3A_81 : memref<250x40xi32, #tpu.memory_space<hbm>>) target(%arg8 : memref<250x40xi32, #tpu.memory_space<vmem>>) target_semaphore(%run_scoped3A : memref<!tpu.dma_semaphore, #tpu.memory_space<semaphore_mem>>)
      %dma_wait3A_82 = arith.constant 0 : i32
      %dma_wait3A_83 = arith.constant 0 : i32
      %dma_wait3A_84 = tpu.memref_slice %arg4[%add3A, %dma_wait3A_82, %dma_wait3A_83] : memref<32x250x40xi32, #tpu.memory_space<hbm>> -> memref<1x250x40xi32, #tpu.memory_space<hbm>>
      %dma_wait3A_85 = tpu.memref_squeeze %dma_wait3A_84 : memref<1x250x40xi32, #tpu.memory_space<hbm>> -> memref<250x40xi32, #tpu.memory_space<hbm>>
      %dma_wait3A_86 = arith.constant 0 : i32
      %dma_wait3A_87 = arith.constant 0 : i32
      %dma_wait3A_88 = tpu.memref_slice %arg4[%add3A, %dma_wait3A_86, %dma_wait3A_87] : memref<32x250x40xi32, #tpu.memory_space<hbm>> -> memref<1x250x40xi32, #tpu.memory_space<hbm>>
      %dma_wait3A_89 = tpu.memref_squeeze %dma_wait3A_88 : memref<1x250x40xi32, #tpu.memory_space<hbm>> -> memref<250x40xi32, #tpu.memory_space<hbm>>
      tpu.wait_dma2 semaphore(%run_scoped3A : memref<!tpu.dma_semaphore, #tpu.memory_space<semaphore_mem>>) src(%dma_wait3A_89 : memref<250x40xi32, #tpu.memory_space<hbm>>) dst(%arg8 : memref<250x40xi32, #tpu.memory_space<vmem>>)
      tpu.yield
    }) : () -> ()
    %dma_start3A = arith.constant 0 : i32
    %dma_start3A_1 = arith.constant 0 : i32
    %dma_start3A_2 = tpu.memref_slice %arg7[%dma_start3A, %dma_start3A_1] : memref<250x40xi32, #tpu.memory_space<vmem>> -> memref<1x40xi32, #tpu.memory_space<vmem>>
    %dma_start3A_3 = tpu.memref_squeeze %dma_start3A_2 : memref<1x40xi32, #tpu.memory_space<vmem>> -> memref<40xi32, #tpu.memory_space<vmem>>
    %dma_start3A_4 = arith.constant 0 : i32
    %dma_start3A_5 = arith.constant 0 : i32
    %dma_start3A_6 = tpu.memref_slice %arg2[%dma_start3A_4, %dma_start3A_5] : memref<10000x128xf32, #tpu.memory_space<hbm>> -> memref<10000x128xf32, #tpu.memory_space<hbm>>
    tpu.enqueue_indirect_dma source(%dma_start3A_6 : memref<10000x128xf32, #tpu.memory_space<hbm>>) target(%arg9 : memref<40x128xf32, #tpu.memory_space<vmem>>) offsets(%dma_start3A_3 : memref<40xi32, #tpu.memory_space<vmem>>) semaphore(%arg15 : memref<!tpu.dma_semaphore, #tpu.memory_space<semaphore_mem>>)
    %dma_start3A_7 = arith.constant 1 : i32
    %dma_start3A_8 = arith.constant 0 : i32
    %dma_start3A_9 = tpu.memref_slice %arg7[%dma_start3A_7, %dma_start3A_8] : memref<250x40xi32, #tpu.memory_space<vmem>> -> memref<1x40xi32, #tpu.memory_space<vmem>>
    %dma_start3A_10 = tpu.memref_squeeze %dma_start3A_9 : memref<1x40xi32, #tpu.memory_space<vmem>> -> memref<40xi32, #tpu.memory_space<vmem>>
    %dma_start3A_11 = arith.constant 0 : i32
    %dma_start3A_12 = arith.constant 0 : i32
    %dma_start3A_13 = tpu.memref_slice %arg2[%dma_start3A_11, %dma_start3A_12] : memref<10000x128xf32, #tpu.memory_space<hbm>> -> memref<10000x128xf32, #tpu.memory_space<hbm>>
    tpu.enqueue_indirect_dma source(%dma_start3A_13 : memref<10000x128xf32, #tpu.memory_space<hbm>>) target(%arg10 : memref<40x128xf32, #tpu.memory_space<vmem>>) offsets(%dma_start3A_10 : memref<40xi32, #tpu.memory_space<vmem>>) semaphore(%arg16 : memref<!tpu.dma_semaphore, #tpu.memory_space<semaphore_mem>>)
    %dma_start3A_14 = arith.constant 2 : i32
    %dma_start3A_15 = arith.constant 0 : i32
    %dma_start3A_16 = tpu.memref_slice %arg7[%dma_start3A_14, %dma_start3A_15] : memref<250x40xi32, #tpu.memory_space<vmem>> -> memref<1x40xi32, #tpu.memory_space<vmem>>
    %dma_start3A_17 = tpu.memref_squeeze %dma_start3A_16 : memref<1x40xi32, #tpu.memory_space<vmem>> -> memref<40xi32, #tpu.memory_space<vmem>>
    %dma_start3A_18 = arith.constant 0 : i32
    %dma_start3A_19 = arith.constant 0 : i32
    %dma_start3A_20 = tpu.memref_slice %arg2[%dma_start3A_18, %dma_start3A_19] : memref<10000x128xf32, #tpu.memory_space<hbm>> -> memref<10000x128xf32, #tpu.memory_space<hbm>>
    tpu.enqueue_indirect_dma source(%dma_start3A_20 : memref<10000x128xf32, #tpu.memory_space<hbm>>) target(%arg11 : memref<40x128xf32, #tpu.memory_space<vmem>>) offsets(%dma_start3A_17 : memref<40xi32, #tpu.memory_space<vmem>>) semaphore(%arg17 : memref<!tpu.dma_semaphore, #tpu.memory_space<semaphore_mem>>)
    %dma_start3A_21 = arith.constant 3 : i32
    %dma_start3A_22 = arith.constant 0 : i32
    %dma_start3A_23 = tpu.memref_slice %arg7[%dma_start3A_21, %dma_start3A_22] : memref<250x40xi32, #tpu.memory_space<vmem>> -> memref<1x40xi32, #tpu.memory_space<vmem>>
    %dma_start3A_24 = tpu.memref_squeeze %dma_start3A_23 : memref<1x40xi32, #tpu.memory_space<vmem>> -> memref<40xi32, #tpu.memory_space<vmem>>
    %dma_start3A_25 = arith.constant 0 : i32
    %dma_start3A_26 = arith.constant 0 : i32
    %dma_start3A_27 = tpu.memref_slice %arg2[%dma_start3A_25, %dma_start3A_26] : memref<10000x128xf32, #tpu.memory_space<hbm>> -> memref<10000x128xf32, #tpu.memory_space<hbm>>
    tpu.enqueue_indirect_dma source(%dma_start3A_27 : memref<10000x128xf32, #tpu.memory_space<hbm>>) target(%arg12 : memref<40x128xf32, #tpu.memory_space<vmem>>) offsets(%dma_start3A_24 : memref<40xi32, #tpu.memory_space<vmem>>) semaphore(%arg18 : memref<!tpu.dma_semaphore, #tpu.memory_space<semaphore_mem>>)
    %mul3A_28 = arith.constant 640 : i32
    %mul3A_29 = arith.muli %arg1, %mul3A_28 : i32
    "tpu.region"() ({
      %run_scoped3A = tpu.sem_alloc : memref<!tpu.dma_semaphore, #tpu.memory_space<semaphore_mem>>
      %dma_start3A_74 = arith.constant 0 : i32
      %dma_start3A_75 = tpu.memref_slice %arg14[%mul3A_29, %dma_start3A_74] : memref<10240x128xf32, #tpu.memory_space<vmem_shared>> -> memref<640x128xf32, #tpu.memory_space<vmem_shared>>
      tpu.enqueue_dma source(%arg5 : memref<640x128xf32, #tpu.memory_space<hbm>>) target(%dma_start3A_75 : memref<640x128xf32, #tpu.memory_space<vmem_shared>>) target_semaphore(%run_scoped3A : memref<!tpu.dma_semaphore, #tpu.memory_space<semaphore_mem>>)
      %dma_wait3A_76 = arith.constant 0 : i32
      %dma_wait3A_77 = tpu.memref_slice %arg14[%mul3A_29, %dma_wait3A_76] : memref<10240x128xf32, #tpu.memory_space<vmem_shared>> -> memref<640x128xf32, #tpu.memory_space<vmem_shared>>
      tpu.wait_dma2 semaphore(%run_scoped3A : memref<!tpu.dma_semaphore, #tpu.memory_space<semaphore_mem>>) src(%arg5 : memref<640x128xf32, #tpu.memory_space<hbm>>) dst(%dma_wait3A_77 : memref<640x128xf32, #tpu.memory_space<vmem_shared>>)
      tpu.yield
    }) : () -> ()
    %barrier3A = arith.constant 0 : index
    tpu.barrier barrier_id(%barrier3A)
    %scan3A = arith.constant 0 : i32
    %scan3A_30 = arith.constant 0 : i32
    %scan3A_31 = arith.constant 50 : i32
    %scan3A_32 = arith.addi %scan3A_30, %scan3A_31 : i32
    %scan3A_33 = arith.constant 1 : i32
    scf.for %scan3A_74 = %scan3A_30 to %scan3A_32 step %scan3A_33  : i32 {
      %mul3A_75 = arith.constant 5 : i32
      %mul3A_76 = arith.muli %scan3A_74, %mul3A_75 : i32
      %add3A_77 = arith.constant 0 : i32
      %add3A_78 = arith.addi %mul3A_76, %add3A_77 : i32
      %add3A_79 = arith.constant 5 : i32
      %add3A_80 = arith.addi %add3A_78, %add3A_79 : i32
      %sub3A = arith.constant 1 : i32
      %sub3A_81 = arith.subi %add3A_80, %sub3A : i32
      %lt3A = arith.constant 250 : i32
      %lt3A_82 = arith.cmpi slt, %sub3A_81, %lt3A : i32
      %convert_element_type3A = arith.extui %lt3A_82 : i1 to i32
      %cond3A = arith.constant 0 : i32
      %cond3A_83 = arith.cmpi ne, %convert_element_type3A, %cond3A : i32
      scf.if %cond3A_83 {
        %ge3A = arith.constant 1 : i32
        %ge3A_196 = arith.cmpi sge, %scan3A_74, %ge3A : i32
        %convert_element_type3A_197 = arith.extui %ge3A_196 : i1 to i32
        %cond3A_198 = arith.constant 0 : i32
        %cond3A_199 = arith.cmpi ne, %convert_element_type3A_197, %cond3A_198 : i32
        scf.if %cond3A_199 {
          %sub3A_206 = arith.constant 5 : i32
          %sub3A_207 = arith.subi %sub3A_81, %sub3A_206 : i32
          %dma_wait3A_208 = arith.constant 0 : i32
          %dma_wait3A_209 = tpu.memref_slice %arg8[%sub3A_207, %dma_wait3A_208] : memref<250x40xi32, #tpu.memory_space<vmem>> -> memref<1x40xi32, #tpu.memory_space<vmem>>
          %dma_wait3A_210 = tpu.memref_squeeze %dma_wait3A_209 : memref<1x40xi32, #tpu.memory_space<vmem>> -> memref<40xi32, #tpu.memory_space<vmem>>
          %dma_wait3A_211 = arith.constant 0 : i32
          %dma_wait3A_212 = arith.constant 0 : i32
          %dma_wait3A_213 = tpu.memref_slice %arg14[%dma_wait3A_211, %dma_wait3A_212] : memref<10240x128xf32, #tpu.memory_space<vmem_shared>> -> memref<10240x128xf32, #tpu.memory_space<vmem_shared>>
          tpu.wait_indirect_dma semaphore(%arg24 : memref<!tpu.dma_semaphore, #tpu.memory_space<semaphore_mem>>) src(%arg13 : memref<40x128xf32, #tpu.memory_space<vmem>>) dst(%dma_wait3A_213 : memref<10240x128xf32, #tpu.memory_space<vmem_shared>>)
        } else {
        }
        %dma_start3A_200 = arith.constant 0 : i32
        %dma_start3A_201 = tpu.memref_slice %arg7[%sub3A_81, %dma_start3A_200] : memref<250x40xi32, #tpu.memory_space<vmem>> -> memref<1x40xi32, #tpu.memory_space<vmem>>
        %dma_start3A_202 = tpu.memref_squeeze %dma_start3A_201 : memref<1x40xi32, #tpu.memory_space<vmem>> -> memref<40xi32, #tpu.memory_space<vmem>>
        %dma_start3A_203 = arith.constant 0 : i32
        %dma_start3A_204 = arith.constant 0 : i32
        %dma_start3A_205 = tpu.memref_slice %arg2[%dma_start3A_203, %dma_start3A_204] : memref<10000x128xf32, #tpu.memory_space<hbm>> -> memref<10000x128xf32, #tpu.memory_space<hbm>>
        tpu.enqueue_indirect_dma source(%dma_start3A_205 : memref<10000x128xf32, #tpu.memory_space<hbm>>) target(%arg13 : memref<40x128xf32, #tpu.memory_space<vmem>>) offsets(%dma_start3A_202 : memref<40xi32, #tpu.memory_space<vmem>>) semaphore(%arg19 : memref<!tpu.dma_semaphore, #tpu.memory_space<semaphore_mem>>)
      } else {
      }
      %dma_wait3A_84 = arith.constant 0 : i32
      %dma_wait3A_85 = tpu.memref_slice %arg7[%add3A_78, %dma_wait3A_84] : memref<250x40xi32, #tpu.memory_space<vmem>> -> memref<1x40xi32, #tpu.memory_space<vmem>>
      %dma_wait3A_86 = tpu.memref_squeeze %dma_wait3A_85 : memref<1x40xi32, #tpu.memory_space<vmem>> -> memref<40xi32, #tpu.memory_space<vmem>>
      %dma_wait3A_87 = arith.constant 0 : i32
      %dma_wait3A_88 = arith.constant 0 : i32
      %dma_wait3A_89 = tpu.memref_slice %arg2[%dma_wait3A_87, %dma_wait3A_88] : memref<10000x128xf32, #tpu.memory_space<hbm>> -> memref<10000x128xf32, #tpu.memory_space<hbm>>
      tpu.wait_indirect_dma semaphore(%arg15 : memref<!tpu.dma_semaphore, #tpu.memory_space<semaphore_mem>>) src(%dma_wait3A_89 : memref<10000x128xf32, #tpu.memory_space<hbm>>) dst(%arg9 : memref<40x128xf32, #tpu.memory_space<vmem>>)
      %dma_start3A_90 = arith.constant 0 : i32
      %dma_start3A_91 = tpu.memref_slice %arg8[%add3A_78, %dma_start3A_90] : memref<250x40xi32, #tpu.memory_space<vmem>> -> memref<1x40xi32, #tpu.memory_space<vmem>>
      %dma_start3A_92 = tpu.memref_squeeze %dma_start3A_91 : memref<1x40xi32, #tpu.memory_space<vmem>> -> memref<40xi32, #tpu.memory_space<vmem>>
      %dma_start3A_93 = arith.constant 0 : i32
      %dma_start3A_94 = arith.constant 0 : i32
      %dma_start3A_95 = tpu.memref_slice %arg14[%dma_start3A_93, %dma_start3A_94] : memref<10240x128xf32, #tpu.memory_space<vmem_shared>> -> memref<10240x128xf32, #tpu.memory_space<vmem_shared>>
      tpu.enqueue_indirect_dma source(%arg9 : memref<40x128xf32, #tpu.memory_space<vmem>>) target(%dma_start3A_95 : memref<10240x128xf32, #tpu.memory_space<vmem_shared>>) offsets(%dma_start3A_92 : memref<40xi32, #tpu.memory_space<vmem>>) semaphore(%arg20 : memref<!tpu.dma_semaphore, #tpu.memory_space<semaphore_mem>>) {add = true}
      %mul3A_96 = arith.constant 5 : i32
      %mul3A_97 = arith.muli %scan3A_74, %mul3A_96 : i32
      %add3A_98 = arith.constant 1 : i32
      %add3A_99 = arith.addi %mul3A_97, %add3A_98 : i32
      %add3A_100 = arith.constant 5 : i32
      %add3A_101 = arith.addi %add3A_99, %add3A_100 : i32
      %sub3A_102 = arith.constant 1 : i32
      %sub3A_103 = arith.subi %add3A_101, %sub3A_102 : i32
      %lt3A_104 = arith.constant 250 : i32
      %lt3A_105 = arith.cmpi slt, %sub3A_103, %lt3A_104 : i32
      %convert_element_type3A_106 = arith.extui %lt3A_105 : i1 to i32
      %cond3A_107 = arith.constant 0 : i32
      %cond3A_108 = arith.cmpi ne, %convert_element_type3A_106, %cond3A_107 : i32
      scf.if %cond3A_108 {
        %sub3A_196 = arith.constant 5 : i32
        %sub3A_197 = arith.subi %sub3A_103, %sub3A_196 : i32
        %dma_wait3A_198 = arith.constant 0 : i32
        %dma_wait3A_199 = tpu.memref_slice %arg8[%sub3A_197, %dma_wait3A_198] : memref<250x40xi32, #tpu.memory_space<vmem>> -> memref<1x40xi32, #tpu.memory_space<vmem>>
        %dma_wait3A_200 = tpu.memref_squeeze %dma_wait3A_199 : memref<1x40xi32, #tpu.memory_space<vmem>> -> memref<40xi32, #tpu.memory_space<vmem>>
        %dma_wait3A_201 = arith.constant 0 : i32
        %dma_wait3A_202 = arith.constant 0 : i32
        %dma_wait3A_203 = tpu.memref_slice %arg14[%dma_wait3A_201, %dma_wait3A_202] : memref<10240x128xf32, #tpu.memory_space<vmem_shared>> -> memref<10240x128xf32, #tpu.memory_space<vmem_shared>>
        tpu.wait_indirect_dma semaphore(%arg20 : memref<!tpu.dma_semaphore, #tpu.memory_space<semaphore_mem>>) src(%arg9 : memref<40x128xf32, #tpu.memory_space<vmem>>) dst(%dma_wait3A_203 : memref<10240x128xf32, #tpu.memory_space<vmem_shared>>)
        %dma_start3A_204 = arith.constant 0 : i32
        %dma_start3A_205 = tpu.memref_slice %arg7[%sub3A_103, %dma_start3A_204] : memref<250x40xi32, #tpu.memory_space<vmem>> -> memref<1x40xi32, #tpu.memory_space<vmem>>
        %dma_start3A_206 = tpu.memref_squeeze %dma_start3A_205 : memref<1x40xi32, #tpu.memory_space<vmem>> -> memref<40xi32, #tpu.memory_space<vmem>>
        %dma_start3A_207 = arith.constant 0 : i32
        %dma_start3A_208 = arith.constant 0 : i32
        %dma_start3A_209 = tpu.memref_slice %arg2[%dma_start3A_207, %dma_start3A_208] : memref<10000x128xf32, #tpu.memory_space<hbm>> -> memref<10000x128xf32, #tpu.memory_space<hbm>>
        tpu.enqueue_indirect_dma source(%dma_start3A_209 : memref<10000x128xf32, #tpu.memory_space<hbm>>) target(%arg9 : memref<40x128xf32, #tpu.memory_space<vmem>>) offsets(%dma_start3A_206 : memref<40xi32, #tpu.memory_space<vmem>>) semaphore(%arg15 : memref<!tpu.dma_semaphore, #tpu.memory_space<semaphore_mem>>)
      } else {
      }
      %dma_wait3A_109 = arith.constant 0 : i32
      %dma_wait3A_110 = tpu.memref_slice %arg7[%add3A_99, %dma_wait3A_109] : memref<250x40xi32, #tpu.memory_space<vmem>> -> memref<1x40xi32, #tpu.memory_space<vmem>>
      %dma_wait3A_111 = tpu.memref_squeeze %dma_wait3A_110 : memref<1x40xi32, #tpu.memory_space<vmem>> -> memref<40xi32, #tpu.memory_space<vmem>>
      %dma_wait3A_112 = arith.constant 0 : i32
      %dma_wait3A_113 = arith.constant 0 : i32
      %dma_wait3A_114 = tpu.memref_slice %arg2[%dma_wait3A_112, %dma_wait3A_113] : memref<10000x128xf32, #tpu.memory_space<hbm>> -> memref<10000x128xf32, #tpu.memory_space<hbm>>
      tpu.wait_indirect_dma semaphore(%arg16 : memref<!tpu.dma_semaphore, #tpu.memory_space<semaphore_mem>>) src(%dma_wait3A_114 : memref<10000x128xf32, #tpu.memory_space<hbm>>) dst(%arg10 : memref<40x128xf32, #tpu.memory_space<vmem>>)
      %dma_start3A_115 = arith.constant 0 : i32
      %dma_start3A_116 = tpu.memref_slice %arg8[%add3A_99, %dma_start3A_115] : memref<250x40xi32, #tpu.memory_space<vmem>> -> memref<1x40xi32, #tpu.memory_space<vmem>>
      %dma_start3A_117 = tpu.memref_squeeze %dma_start3A_116 : memref<1x40xi32, #tpu.memory_space<vmem>> -> memref<40xi32, #tpu.memory_space<vmem>>
      %dma_start3A_118 = arith.constant 0 : i32
      %dma_start3A_119 = arith.constant 0 : i32
      %dma_start3A_120 = tpu.memref_slice %arg14[%dma_start3A_118, %dma_start3A_119] : memref<10240x128xf32, #tpu.memory_space<vmem_shared>> -> memref<10240x128xf32, #tpu.memory_space<vmem_shared>>
      tpu.enqueue_indirect_dma source(%arg10 : memref<40x128xf32, #tpu.memory_space<vmem>>) target(%dma_start3A_120 : memref<10240x128xf32, #tpu.memory_space<vmem_shared>>) offsets(%dma_start3A_117 : memref<40xi32, #tpu.memory_space<vmem>>) semaphore(%arg21 : memref<!tpu.dma_semaphore, #tpu.memory_space<semaphore_mem>>) {add = true}
      %mul3A_121 = arith.constant 5 : i32
      %mul3A_122 = arith.muli %scan3A_74, %mul3A_121 : i32
      %add3A_123 = arith.constant 2 : i32
      %add3A_124 = arith.addi %mul3A_122, %add3A_123 : i32
      %add3A_125 = arith.constant 5 : i32
      %add3A_126 = arith.addi %add3A_124, %add3A_125 : i32
      %sub3A_127 = arith.constant 1 : i32
      %sub3A_128 = arith.subi %add3A_126, %sub3A_127 : i32
      %lt3A_129 = arith.constant 250 : i32
      %lt3A_130 = arith.cmpi slt, %sub3A_128, %lt3A_129 : i32
      %convert_element_type3A_131 = arith.extui %lt3A_130 : i1 to i32
      %cond3A_132 = arith.constant 0 : i32
      %cond3A_133 = arith.cmpi ne, %convert_element_type3A_131, %cond3A_132 : i32
      scf.if %cond3A_133 {
        %sub3A_196 = arith.constant 5 : i32
        %sub3A_197 = arith.subi %sub3A_128, %sub3A_196 : i32
        %dma_wait3A_198 = arith.constant 0 : i32
        %dma_wait3A_199 = tpu.memref_slice %arg8[%sub3A_197, %dma_wait3A_198] : memref<250x40xi32, #tpu.memory_space<vmem>> -> memref<1x40xi32, #tpu.memory_space<vmem>>
        %dma_wait3A_200 = tpu.memref_squeeze %dma_wait3A_199 : memref<1x40xi32, #tpu.memory_space<vmem>> -> memref<40xi32, #tpu.memory_space<vmem>>
        %dma_wait3A_201 = arith.constant 0 : i32
        %dma_wait3A_202 = arith.constant 0 : i32
        %dma_wait3A_203 = tpu.memref_slice %arg14[%dma_wait3A_201, %dma_wait3A_202] : memref<10240x128xf32, #tpu.memory_space<vmem_shared>> -> memref<10240x128xf32, #tpu.memory_space<vmem_shared>>
        tpu.wait_indirect_dma semaphore(%arg21 : memref<!tpu.dma_semaphore, #tpu.memory_space<semaphore_mem>>) src(%arg10 : memref<40x128xf32, #tpu.memory_space<vmem>>) dst(%dma_wait3A_203 : memref<10240x128xf32, #tpu.memory_space<vmem_shared>>)
        %dma_start3A_204 = arith.constant 0 : i32
        %dma_start3A_205 = tpu.memref_slice %arg7[%sub3A_128, %dma_start3A_204] : memref<250x40xi32, #tpu.memory_space<vmem>> -> memref<1x40xi32, #tpu.memory_space<vmem>>
        %dma_start3A_206 = tpu.memref_squeeze %dma_start3A_205 : memref<1x40xi32, #tpu.memory_space<vmem>> -> memref<40xi32, #tpu.memory_space<vmem>>
        %dma_start3A_207 = arith.constant 0 : i32
        %dma_start3A_208 = arith.constant 0 : i32
        %dma_start3A_209 = tpu.memref_slice %arg2[%dma_start3A_207, %dma_start3A_208] : memref<10000x128xf32, #tpu.memory_space<hbm>> -> memref<10000x128xf32, #tpu.memory_space<hbm>>
        tpu.enqueue_indirect_dma source(%dma_start3A_209 : memref<10000x128xf32, #tpu.memory_space<hbm>>) target(%arg10 : memref<40x128xf32, #tpu.memory_space<vmem>>) offsets(%dma_start3A_206 : memref<40xi32, #tpu.memory_space<vmem>>) semaphore(%arg16 : memref<!tpu.dma_semaphore, #tpu.memory_space<semaphore_mem>>)
      } else {
      }
      %dma_wait3A_134 = arith.constant 0 : i32
      %dma_wait3A_135 = tpu.memref_slice %arg7[%add3A_124, %dma_wait3A_134] : memref<250x40xi32, #tpu.memory_space<vmem>> -> memref<1x40xi32, #tpu.memory_space<vmem>>
      %dma_wait3A_136 = tpu.memref_squeeze %dma_wait3A_135 : memref<1x40xi32, #tpu.memory_space<vmem>> -> memref<40xi32, #tpu.memory_space<vmem>>
      %dma_wait3A_137 = arith.constant 0 : i32
      %dma_wait3A_138 = arith.constant 0 : i32
      %dma_wait3A_139 = tpu.memref_slice %arg2[%dma_wait3A_137, %dma_wait3A_138] : memref<10000x128xf32, #tpu.memory_space<hbm>> -> memref<10000x128xf32, #tpu.memory_space<hbm>>
      tpu.wait_indirect_dma semaphore(%arg17 : memref<!tpu.dma_semaphore, #tpu.memory_space<semaphore_mem>>) src(%dma_wait3A_139 : memref<10000x128xf32, #tpu.memory_space<hbm>>) dst(%arg11 : memref<40x128xf32, #tpu.memory_space<vmem>>)
      %dma_start3A_140 = arith.constant 0 : i32
      %dma_start3A_141 = tpu.memref_slice %arg8[%add3A_124, %dma_start3A_140] : memref<250x40xi32, #tpu.memory_space<vmem>> -> memref<1x40xi32, #tpu.memory_space<vmem>>
      %dma_start3A_142 = tpu.memref_squeeze %dma_start3A_141 : memref<1x40xi32, #tpu.memory_space<vmem>> -> memref<40xi32, #tpu.memory_space<vmem>>
      %dma_start3A_143 = arith.constant 0 : i32
      %dma_start3A_144 = arith.constant 0 : i32
      %dma_start3A_145 = tpu.memref_slice %arg14[%dma_start3A_143, %dma_start3A_144] : memref<10240x128xf32, #tpu.memory_space<vmem_shared>> -> memref<10240x128xf32, #tpu.memory_space<vmem_shared>>
      tpu.enqueue_indirect_dma source(%arg11 : memref<40x128xf32, #tpu.memory_space<vmem>>) target(%dma_start3A_145 : memref<10240x128xf32, #tpu.memory_space<vmem_shared>>) offsets(%dma_start3A_142 : memref<40xi32, #tpu.memory_space<vmem>>) semaphore(%arg22 : memref<!tpu.dma_semaphore, #tpu.memory_space<semaphore_mem>>) {add = true}
      %mul3A_146 = arith.constant 5 : i32
      %mul3A_147 = arith.muli %scan3A_74, %mul3A_146 : i32
      %add3A_148 = arith.constant 3 : i32
      %add3A_149 = arith.addi %mul3A_147, %add3A_148 : i32
      %add3A_150 = arith.constant 5 : i32
      %add3A_151 = arith.addi %add3A_149, %add3A_150 : i32
      %sub3A_152 = arith.constant 1 : i32
      %sub3A_153 = arith.subi %add3A_151, %sub3A_152 : i32
      %lt3A_154 = arith.constant 250 : i32
      %lt3A_155 = arith.cmpi slt, %sub3A_153, %lt3A_154 : i32
      %convert_element_type3A_156 = arith.extui %lt3A_155 : i1 to i32
      %cond3A_157 = arith.constant 0 : i32
      %cond3A_158 = arith.cmpi ne, %convert_element_type3A_156, %cond3A_157 : i32
      scf.if %cond3A_158 {
        %sub3A_196 = arith.constant 5 : i32
        %sub3A_197 = arith.subi %sub3A_153, %sub3A_196 : i32
        %dma_wait3A_198 = arith.constant 0 : i32
        %dma_wait3A_199 = tpu.memref_slice %arg8[%sub3A_197, %dma_wait3A_198] : memref<250x40xi32, #tpu.memory_space<vmem>> -> memref<1x40xi32, #tpu.memory_space<vmem>>
        %dma_wait3A_200 = tpu.memref_squeeze %dma_wait3A_199 : memref<1x40xi32, #tpu.memory_space<vmem>> -> memref<40xi32, #tpu.memory_space<vmem>>
        %dma_wait3A_201 = arith.constant 0 : i32
        %dma_wait3A_202 = arith.constant 0 : i32
        %dma_wait3A_203 = tpu.memref_slice %arg14[%dma_wait3A_201, %dma_wait3A_202] : memref<10240x128xf32, #tpu.memory_space<vmem_shared>> -> memref<10240x128xf32, #tpu.memory_space<vmem_shared>>
        tpu.wait_indirect_dma semaphore(%arg22 : memref<!tpu.dma_semaphore, #tpu.memory_space<semaphore_mem>>) src(%arg11 : memref<40x128xf32, #tpu.memory_space<vmem>>) dst(%dma_wait3A_203 : memref<10240x128xf32, #tpu.memory_space<vmem_shared>>)
        %dma_start3A_204 = arith.constant 0 : i32
        %dma_start3A_205 = tpu.memref_slice %arg7[%sub3A_153, %dma_start3A_204] : memref<250x40xi32, #tpu.memory_space<vmem>> -> memref<1x40xi32, #tpu.memory_space<vmem>>
        %dma_start3A_206 = tpu.memref_squeeze %dma_start3A_205 : memref<1x40xi32, #tpu.memory_space<vmem>> -> memref<40xi32, #tpu.memory_space<vmem>>
        %dma_start3A_207 = arith.constant 0 : i32
        %dma_start3A_208 = arith.constant 0 : i32
        %dma_start3A_209 = tpu.memref_slice %arg2[%dma_start3A_207, %dma_start3A_208] : memref<10000x128xf32, #tpu.memory_space<hbm>> -> memref<10000x128xf32, #tpu.memory_space<hbm>>
        tpu.enqueue_indirect_dma source(%dma_start3A_209 : memref<10000x128xf32, #tpu.memory_space<hbm>>) target(%arg11 : memref<40x128xf32, #tpu.memory_space<vmem>>) offsets(%dma_start3A_206 : memref<40xi32, #tpu.memory_space<vmem>>) semaphore(%arg17 : memref<!tpu.dma_semaphore, #tpu.memory_space<semaphore_mem>>)
      } else {
      }
      %dma_wait3A_159 = arith.constant 0 : i32
      %dma_wait3A_160 = tpu.memref_slice %arg7[%add3A_149, %dma_wait3A_159] : memref<250x40xi32, #tpu.memory_space<vmem>> -> memref<1x40xi32, #tpu.memory_space<vmem>>
      %dma_wait3A_161 = tpu.memref_squeeze %dma_wait3A_160 : memref<1x40xi32, #tpu.memory_space<vmem>> -> memref<40xi32, #tpu.memory_space<vmem>>
      %dma_wait3A_162 = arith.constant 0 : i32
      %dma_wait3A_163 = arith.constant 0 : i32
      %dma_wait3A_164 = tpu.memref_slice %arg2[%dma_wait3A_162, %dma_wait3A_163] : memref<10000x128xf32, #tpu.memory_space<hbm>> -> memref<10000x128xf32, #tpu.memory_space<hbm>>
      tpu.wait_indirect_dma semaphore(%arg18 : memref<!tpu.dma_semaphore, #tpu.memory_space<semaphore_mem>>) src(%dma_wait3A_164 : memref<10000x128xf32, #tpu.memory_space<hbm>>) dst(%arg12 : memref<40x128xf32, #tpu.memory_space<vmem>>)
      %dma_start3A_165 = arith.constant 0 : i32
      %dma_start3A_166 = tpu.memref_slice %arg8[%add3A_149, %dma_start3A_165] : memref<250x40xi32, #tpu.memory_space<vmem>> -> memref<1x40xi32, #tpu.memory_space<vmem>>
      %dma_start3A_167 = tpu.memref_squeeze %dma_start3A_166 : memref<1x40xi32, #tpu.memory_space<vmem>> -> memref<40xi32, #tpu.memory_space<vmem>>
      %dma_start3A_168 = arith.constant 0 : i32
      %dma_start3A_169 = arith.constant 0 : i32
      %dma_start3A_170 = tpu.memref_slice %arg14[%dma_start3A_168, %dma_start3A_169] : memref<10240x128xf32, #tpu.memory_space<vmem_shared>> -> memref<10240x128xf32, #tpu.memory_space<vmem_shared>>
      tpu.enqueue_indirect_dma source(%arg12 : memref<40x128xf32, #tpu.memory_space<vmem>>) target(%dma_start3A_170 : memref<10240x128xf32, #tpu.memory_space<vmem_shared>>) offsets(%dma_start3A_167 : memref<40xi32, #tpu.memory_space<vmem>>) semaphore(%arg23 : memref<!tpu.dma_semaphore, #tpu.memory_space<semaphore_mem>>) {add = true}
      %mul3A_171 = arith.constant 5 : i32
      %mul3A_172 = arith.muli %scan3A_74, %mul3A_171 : i32
      %add3A_173 = arith.constant 4 : i32
      %add3A_174 = arith.addi %mul3A_172, %add3A_173 : i32
      %add3A_175 = arith.constant 5 : i32
      %add3A_176 = arith.addi %add3A_174, %add3A_175 : i32
      %sub3A_177 = arith.constant 1 : i32
      %sub3A_178 = arith.subi %add3A_176, %sub3A_177 : i32
      %lt3A_179 = arith.constant 250 : i32
      %lt3A_180 = arith.cmpi slt, %sub3A_178, %lt3A_179 : i32
      %convert_element_type3A_181 = arith.extui %lt3A_180 : i1 to i32
      %cond3A_182 = arith.constant 0 : i32
      %cond3A_183 = arith.cmpi ne, %convert_element_type3A_181, %cond3A_182 : i32
      scf.if %cond3A_183 {
        %sub3A_196 = arith.constant 5 : i32
        %sub3A_197 = arith.subi %sub3A_178, %sub3A_196 : i32
        %dma_wait3A_198 = arith.constant 0 : i32
        %dma_wait3A_199 = tpu.memref_slice %arg8[%sub3A_197, %dma_wait3A_198] : memref<250x40xi32, #tpu.memory_space<vmem>> -> memref<1x40xi32, #tpu.memory_space<vmem>>
        %dma_wait3A_200 = tpu.memref_squeeze %dma_wait3A_199 : memref<1x40xi32, #tpu.memory_space<vmem>> -> memref<40xi32, #tpu.memory_space<vmem>>
        %dma_wait3A_201 = arith.constant 0 : i32
        %dma_wait3A_202 = arith.constant 0 : i32
        %dma_wait3A_203 = tpu.memref_slice %arg14[%dma_wait3A_201, %dma_wait3A_202] : memref<10240x128xf32, #tpu.memory_space<vmem_shared>> -> memref<10240x128xf32, #tpu.memory_space<vmem_shared>>
        tpu.wait_indirect_dma semaphore(%arg23 : memref<!tpu.dma_semaphore, #tpu.memory_space<semaphore_mem>>) src(%arg12 : memref<40x128xf32, #tpu.memory_space<vmem>>) dst(%dma_wait3A_203 : memref<10240x128xf32, #tpu.memory_space<vmem_shared>>)
        %dma_start3A_204 = arith.constant 0 : i32
        %dma_start3A_205 = tpu.memref_slice %arg7[%sub3A_178, %dma_start3A_204] : memref<250x40xi32, #tpu.memory_space<vmem>> -> memref<1x40xi32, #tpu.memory_space<vmem>>
        %dma_start3A_206 = tpu.memref_squeeze %dma_start3A_205 : memref<1x40xi32, #tpu.memory_space<vmem>> -> memref<40xi32, #tpu.memory_space<vmem>>
        %dma_start3A_207 = arith.constant 0 : i32
        %dma_start3A_208 = arith.constant 0 : i32
        %dma_start3A_209 = tpu.memref_slice %arg2[%dma_start3A_207, %dma_start3A_208] : memref<10000x128xf32, #tpu.memory_space<hbm>> -> memref<10000x128xf32, #tpu.memory_space<hbm>>
        tpu.enqueue_indirect_dma source(%dma_start3A_209 : memref<10000x128xf32, #tpu.memory_space<hbm>>) target(%arg12 : memref<40x128xf32, #tpu.memory_space<vmem>>) offsets(%dma_start3A_206 : memref<40xi32, #tpu.memory_space<vmem>>) semaphore(%arg18 : memref<!tpu.dma_semaphore, #tpu.memory_space<semaphore_mem>>)
      } else {
      }
      %dma_wait3A_184 = arith.constant 0 : i32
      %dma_wait3A_185 = tpu.memref_slice %arg7[%add3A_174, %dma_wait3A_184] : memref<250x40xi32, #tpu.memory_space<vmem>> -> memref<1x40xi32, #tpu.memory_space<vmem>>
      %dma_wait3A_186 = tpu.memref_squeeze %dma_wait3A_185 : memref<1x40xi32, #tpu.memory_space<vmem>> -> memref<40xi32, #tpu.memory_space<vmem>>
      %dma_wait3A_187 = arith.constant 0 : i32
      %dma_wait3A_188 = arith.constant 0 : i32
      %dma_wait3A_189 = tpu.memref_slice %arg2[%dma_wait3A_187, %dma_wait3A_188] : memref<10000x128xf32, #tpu.memory_space<hbm>> -> memref<10000x128xf32, #tpu.memory_space<hbm>>
      tpu.wait_indirect_dma semaphore(%arg19 : memref<!tpu.dma_semaphore, #tpu.memory_space<semaphore_mem>>) src(%dma_wait3A_189 : memref<10000x128xf32, #tpu.memory_space<hbm>>) dst(%arg13 : memref<40x128xf32, #tpu.memory_space<vmem>>)
      %dma_start3A_190 = arith.constant 0 : i32
      %dma_start3A_191 = tpu.memref_slice %arg8[%add3A_174, %dma_start3A_190] : memref<250x40xi32, #tpu.memory_space<vmem>> -> memref<1x40xi32, #tpu.memory_space<vmem>>
      %dma_start3A_192 = tpu.memref_squeeze %dma_start3A_191 : memref<1x40xi32, #tpu.memory_space<vmem>> -> memref<40xi32, #tpu.memory_space<vmem>>
      %dma_start3A_193 = arith.constant 0 : i32
      %dma_start3A_194 = arith.constant 0 : i32
      %dma_start3A_195 = tpu.memref_slice %arg14[%dma_start3A_193, %dma_start3A_194] : memref<10240x128xf32, #tpu.memory_space<vmem_shared>> -> memref<10240x128xf32, #tpu.memory_space<vmem_shared>>
      tpu.enqueue_indirect_dma source(%arg13 : memref<40x128xf32, #tpu.memory_space<vmem>>) target(%dma_start3A_195 : memref<10240x128xf32, #tpu.memory_space<vmem_shared>>) offsets(%dma_start3A_192 : memref<40xi32, #tpu.memory_space<vmem>>) semaphore(%arg24 : memref<!tpu.dma_semaphore, #tpu.memory_space<semaphore_mem>>) {add = true}
    }
    %scan3A_34 = arith.constant 50 : i32
    %dma_wait3A = arith.constant 245 : i32
    %dma_wait3A_35 = arith.constant 0 : i32
    %dma_wait3A_36 = tpu.memref_slice %arg8[%dma_wait3A, %dma_wait3A_35] : memref<250x40xi32, #tpu.memory_space<vmem>> -> memref<1x40xi32, #tpu.memory_space<vmem>>
    %dma_wait3A_37 = tpu.memref_squeeze %dma_wait3A_36 : memref<1x40xi32, #tpu.memory_space<vmem>> -> memref<40xi32, #tpu.memory_space<vmem>>
    %dma_wait3A_38 = arith.constant 0 : i32
    %dma_wait3A_39 = arith.constant 0 : i32
    %dma_wait3A_40 = tpu.memref_slice %arg14[%dma_wait3A_38, %dma_wait3A_39] : memref<10240x128xf32, #tpu.memory_space<vmem_shared>> -> memref<10240x128xf32, #tpu.memory_space<vmem_shared>>
    tpu.wait_indirect_dma semaphore(%arg20 : memref<!tpu.dma_semaphore, #tpu.memory_space<semaphore_mem>>) src(%arg9 : memref<40x128xf32, #tpu.memory_space<vmem>>) dst(%dma_wait3A_40 : memref<10240x128xf32, #tpu.memory_space<vmem_shared>>)
    %dma_wait3A_41 = arith.constant 246 : i32
    %dma_wait3A_42 = arith.constant 0 : i32
    %dma_wait3A_43 = tpu.memref_slice %arg8[%dma_wait3A_41, %dma_wait3A_42] : memref<250x40xi32, #tpu.memory_space<vmem>> -> memref<1x40xi32, #tpu.memory_space<vmem>>
    %dma_wait3A_44 = tpu.memref_squeeze %dma_wait3A_43 : memref<1x40xi32, #tpu.memory_space<vmem>> -> memref<40xi32, #tpu.memory_space<vmem>>
    %dma_wait3A_45 = arith.constant 0 : i32
    %dma_wait3A_46 = arith.constant 0 : i32
    %dma_wait3A_47 = tpu.memref_slice %arg14[%dma_wait3A_45, %dma_wait3A_46] : memref<10240x128xf32, #tpu.memory_space<vmem_shared>> -> memref<10240x128xf32, #tpu.memory_space<vmem_shared>>
    tpu.wait_indirect_dma semaphore(%arg21 : memref<!tpu.dma_semaphore, #tpu.memory_space<semaphore_mem>>) src(%arg10 : memref<40x128xf32, #tpu.memory_space<vmem>>) dst(%dma_wait3A_47 : memref<10240x128xf32, #tpu.memory_space<vmem_shared>>)
    %dma_wait3A_48 = arith.constant 247 : i32
    %dma_wait3A_49 = arith.constant 0 : i32
    %dma_wait3A_50 = tpu.memref_slice %arg8[%dma_wait3A_48, %dma_wait3A_49] : memref<250x40xi32, #tpu.memory_space<vmem>> -> memref<1x40xi32, #tpu.memory_space<vmem>>
    %dma_wait3A_51 = tpu.memref_squeeze %dma_wait3A_50 : memref<1x40xi32, #tpu.memory_space<vmem>> -> memref<40xi32, #tpu.memory_space<vmem>>
    %dma_wait3A_52 = arith.constant 0 : i32
    %dma_wait3A_53 = arith.constant 0 : i32
    %dma_wait3A_54 = tpu.memref_slice %arg14[%dma_wait3A_52, %dma_wait3A_53] : memref<10240x128xf32, #tpu.memory_space<vmem_shared>> -> memref<10240x128xf32, #tpu.memory_space<vmem_shared>>
    tpu.wait_indirect_dma semaphore(%arg22 : memref<!tpu.dma_semaphore, #tpu.memory_space<semaphore_mem>>) src(%arg11 : memref<40x128xf32, #tpu.memory_space<vmem>>) dst(%dma_wait3A_54 : memref<10240x128xf32, #tpu.memory_space<vmem_shared>>)
    %dma_wait3A_55 = arith.constant 248 : i32
    %dma_wait3A_56 = arith.constant 0 : i32
    %dma_wait3A_57 = tpu.memref_slice %arg8[%dma_wait3A_55, %dma_wait3A_56] : memref<250x40xi32, #tpu.memory_space<vmem>> -> memref<1x40xi32, #tpu.memory_space<vmem>>
    %dma_wait3A_58 = tpu.memref_squeeze %dma_wait3A_57 : memref<1x40xi32, #tpu.memory_space<vmem>> -> memref<40xi32, #tpu.memory_space<vmem>>
    %dma_wait3A_59 = arith.constant 0 : i32
    %dma_wait3A_60 = arith.constant 0 : i32
    %dma_wait3A_61 = tpu.memref_slice %arg14[%dma_wait3A_59, %dma_wait3A_60] : memref<10240x128xf32, #tpu.memory_space<vmem_shared>> -> memref<10240x128xf32, #tpu.memory_space<vmem_shared>>
    tpu.wait_indirect_dma semaphore(%arg23 : memref<!tpu.dma_semaphore, #tpu.memory_space<semaphore_mem>>) src(%arg12 : memref<40x128xf32, #tpu.memory_space<vmem>>) dst(%dma_wait3A_61 : memref<10240x128xf32, #tpu.memory_space<vmem_shared>>)
    %dma_wait3A_62 = arith.constant 249 : i32
    %dma_wait3A_63 = arith.constant 0 : i32
    %dma_wait3A_64 = tpu.memref_slice %arg8[%dma_wait3A_62, %dma_wait3A_63] : memref<250x40xi32, #tpu.memory_space<vmem>> -> memref<1x40xi32, #tpu.memory_space<vmem>>
    %dma_wait3A_65 = tpu.memref_squeeze %dma_wait3A_64 : memref<1x40xi32, #tpu.memory_space<vmem>> -> memref<40xi32, #tpu.memory_space<vmem>>
    %dma_wait3A_66 = arith.constant 0 : i32
    %dma_wait3A_67 = arith.constant 0 : i32
    %dma_wait3A_68 = tpu.memref_slice %arg14[%dma_wait3A_66, %dma_wait3A_67] : memref<10240x128xf32, #tpu.memory_space<vmem_shared>> -> memref<10240x128xf32, #tpu.memory_space<vmem_shared>>
    tpu.wait_indirect_dma semaphore(%arg24 : memref<!tpu.dma_semaphore, #tpu.memory_space<semaphore_mem>>) src(%arg13 : memref<40x128xf32, #tpu.memory_space<vmem>>) dst(%dma_wait3A_68 : memref<10240x128xf32, #tpu.memory_space<vmem_shared>>)
    %barrier3A_69 = arith.constant 0 : index
    tpu.barrier barrier_id(%barrier3A_69)
    %mul3A_70 = arith.constant 640 : i32
    %mul3A_71 = arith.muli %arg1, %mul3A_70 : i32
    %mul3A_72 = arith.constant 640 : i32
    %mul3A_73 = arith.muli %arg1, %mul3A_72 : i32
    "tpu.region"() ({
      %run_scoped3A = tpu.sem_alloc : memref<!tpu.dma_semaphore, #tpu.memory_space<semaphore_mem>>
      %dma_start3A_74 = arith.constant 0 : i32
      %dma_start3A_75 = tpu.memref_slice %arg6[%arg0, %mul3A_73, %dma_start3A_74] : memref<2x10240x128xf32, #tpu.memory_space<hbm>> -> memref<1x640x128xf32, #tpu.memory_space<hbm>>
      %dma_start3A_76 = tpu.memref_squeeze %dma_start3A_75 : memref<1x640x128xf32, #tpu.memory_space<hbm>> -> memref<640x128xf32, #tpu.memory_space<hbm>>
      %dma_start3A_77 = arith.constant 0 : i32
      %dma_start3A_78 = tpu.memref_slice %arg14[%mul3A_71, %dma_start3A_77] : memref<10240x128xf32, #tpu.memory_space<vmem_shared>> -> memref<640x128xf32, #tpu.memory_space<vmem_shared>>
      tpu.enqueue_dma source(%dma_start3A_78 : memref<640x128xf32, #tpu.memory_space<vmem_shared>>) target(%dma_start3A_76 : memref<640x128xf32, #tpu.memory_space<hbm>>) target_semaphore(%run_scoped3A : memref<!tpu.dma_semaphore, #tpu.memory_space<semaphore_mem>>)
      %dma_wait3A_79 = arith.constant 0 : i32
      %dma_wait3A_80 = tpu.memref_slice %arg6[%arg0, %mul3A_73, %dma_wait3A_79] : memref<2x10240x128xf32, #tpu.memory_space<hbm>> -> memref<1x640x128xf32, #tpu.memory_space<hbm>>
      %dma_wait3A_81 = tpu.memref_squeeze %dma_wait3A_80 : memref<1x640x128xf32, #tpu.memory_space<hbm>> -> memref<640x128xf32, #tpu.memory_space<hbm>>
      %dma_wait3A_82 = arith.constant 0 : i32
      %dma_wait3A_83 = tpu.memref_slice %arg14[%mul3A_71, %dma_wait3A_82] : memref<10240x128xf32, #tpu.memory_space<vmem_shared>> -> memref<640x128xf32, #tpu.memory_space<vmem_shared>>
      tpu.wait_dma2 semaphore(%run_scoped3A : memref<!tpu.dma_semaphore, #tpu.memory_space<semaphore_mem>>) src(%dma_wait3A_83 : memref<640x128xf32, #tpu.memory_space<vmem_shared>>) dst(%dma_wait3A_81 : memref<640x128xf32, #tpu.memory_space<hbm>>)
      tpu.yield
    }) : () -> ()
    return
  }
}

#map = affine_map<(d0, d1) -> (0, 0)>
#map1 = affine_map<(d0, d1) -> (0, 0, 0)>
module attributes {stable_mosaic.version = 14 : i64} {
  func.func @agg(%arg0: i32, %arg1: i32, %arg2: memref<10000x128xf32, #tpu.memory_space<hbm>>, %arg3: memref<32x250x40xi32, #tpu.memory_space<hbm>>, %arg4: memref<32x250x40xi32, #tpu.memory_space<hbm>>, %arg5: memref<640x128xf32, #tpu.memory_space<hbm>>, %arg6: memref<2x10240x128xf32, #tpu.memory_space<hbm>>, %arg7: memref<250x40xi32, #tpu.memory_space<vmem>>, %arg8: memref<250x40xi32, #tpu.memory_space<vmem>>, %arg9: memref<40x128xf32, #tpu.memory_space<vmem>>, %arg10: memref<40x128xf32, #tpu.memory_space<vmem>>, %arg11: memref<40x128xf32, #tpu.memory_space<vmem>>, %arg12: memref<40x128xf32, #tpu.memory_space<vmem>>, %arg13: memref<40x128xf32, #tpu.memory_space<vmem>>, %arg14: memref<10240x128xf32, #tpu.memory_space<vmem_shared>>, %arg15: memref<!tpu.dma_semaphore, #tpu.memory_space<semaphore_mem>>, %arg16: memref<!tpu.dma_semaphore, #tpu.memory_space<semaphore_mem>>, %arg17: memref<!tpu.dma_semaphore, #tpu.memory_space<semaphore_mem>>, %arg18: memref<!tpu.dma_semaphore, #tpu.memory_space<semaphore_mem>>, %arg19: memref<!tpu.dma_semaphore, #tpu.memory_space<semaphore_mem>>, %arg20: memref<!tpu.dma_semaphore, #tpu.memory_space<semaphore_mem>>, %arg21: memref<!tpu.dma_semaphore, #tpu.memory_space<semaphore_mem>>, %arg22: memref<!tpu.dma_semaphore, #tpu.memory_space<semaphore_mem>>, %arg23: memref<!tpu.dma_semaphore, #tpu.memory_space<semaphore_mem>>, %arg24: memref<!tpu.dma_semaphore, #tpu.memory_space<semaphore_mem>>) attributes {dimension_semantics = [#tpu.dimension_semantics<core_parallel>, #tpu.dimension_semantics<subcore_parallel>], iteration_bounds = array<i64: 2, 16>, scalar_prefetch = 0 : i64, scratch_operands = 18 : i64, tpu.core_type = #tpu.core_type<sc_vector_subcore>, window_params = [{transform_indices = #map}, {transform_indices = #map1}, {transform_indices = #map1}, {transform_indices = #map}, {transform_indices = #map1}]} {
    %mul3A = arith.constant 2 : i32
    %mul3A_0 = arith.muli %arg1, %mul3A : i32
    %add3A = arith.addi %mul3A_0, %arg0 : i32
    "tpu.region"() ({
      %run_scoped3A = tpu.sem_alloc : memref<!tpu.dma_semaphore, #tpu.memory_space<semaphore_mem>>
      %dma_start3A_74 = arith.constant 0 : i32
      %dma_start3A_75 = arith.constant 0 : i32
      %dma_start3A_76 = tpu.memref_slice %arg3[%add3A, %dma_start3A_74, %dma_start3A_75] : memref<32x250x40xi32, #tpu.memory_space<hbm>> -> memref<1x250x40xi32, #tpu.memory_space<hbm>>
      %dma_start3A_77 = tpu.memref_squeeze %dma_start3A_76 : memref<1x250x40xi32, #tpu.memory_space<hbm>> -> memref<250x40xi32, #tpu.memory_space<hbm>>
      %dma_start3A_78 = arith.constant 0 : i32
      %dma_start3A_79 = arith.constant 0 : i32
      %dma_start3A_80 = tpu.memref_slice %arg3[%add3A, %dma_start3A_78, %dma_start3A_79] : memref<32x250x40xi32, #tpu.memory_space<hbm>> -> memref<1x250x40xi32, #tpu.memory_space<hbm>>
      %dma_start3A_81 = tpu.memref_squeeze %dma_start3A_80 : memref<1x250x40xi32, #tpu.memory_space<hbm>> -> memref<250x40xi32, #tpu.memory_space<hbm>>
      tpu.enqueue_dma source(%dma_start3A_81 : memref<250x40xi32, #tpu.memory_space<hbm>>) target(%arg7 : memref<250x40xi32, #tpu.memory_space<vmem>>) target_semaphore(%run_scoped3A : memref<!tpu.dma_semaphore, #tpu.memory_space<semaphore_mem>>)
      %dma_wait3A_82 = arith.constant 0 : i32
      %dma_wait3A_83 = arith.constant 0 : i32
      %dma_wait3A_84 = tpu.memref_slice %arg3[%add3A, %dma_wait3A_82, %dma_wait3A_83] : memref<32x250x40xi32, #tpu.memory_space<hbm>> -> memref<1x250x40xi32, #tpu.memory_space<hbm>>
      %dma_wait3A_85 = tpu.memref_squeeze %dma_wait3A_84 : memref<1x250x40xi32, #tpu.memory_space<hbm>> -> memref<250x40xi32, #tpu.memory_space<hbm>>
      %dma_wait3A_86 = arith.constant 0 : i32
      %dma_wait3A_87 = arith.constant 0 : i32
      %dma_wait3A_88 = tpu.memref_slice %arg3[%add3A, %dma_wait3A_86, %dma_wait3A_87] : memref<32x250x40xi32, #tpu.memory_space<hbm>> -> memref<1x250x40xi32, #tpu.memory_space<hbm>>
      %dma_wait3A_89 = tpu.memref_squeeze %dma_wait3A_88 : memref<1x250x40xi32, #tpu.memory_space<hbm>> -> memref<250x40xi32, #tpu.memory_space<hbm>>
      tpu.wait_dma2 semaphore(%run_scoped3A : memref<!tpu.dma_semaphore, #tpu.memory_space<semaphore_mem>>) src(%dma_wait3A_89 : memref<250x40xi32, #tpu.memory_space<hbm>>) dst(%arg7 : memref<250x40xi32, #tpu.memory_space<vmem>>)
      tpu.yield
    }) : () -> ()
    "tpu.region"() ({
      %run_scoped3A = tpu.sem_alloc : memref<!tpu.dma_semaphore, #tpu.memory_space<semaphore_mem>>
      %dma_start3A_74 = arith.constant 0 : i32
      %dma_start3A_75 = arith.constant 0 : i32
      %dma_start3A_76 = tpu.memref_slice %arg4[%add3A, %dma_start3A_74, %dma_start3A_75] : memref<32x250x40xi32, #tpu.memory_space<hbm>> -> memref<1x250x40xi32, #tpu.memory_space<hbm>>
      %dma_start3A_77 = tpu.memref_squeeze %dma_start3A_76 : memref<1x250x40xi32, #tpu.memory_space<hbm>> -> memref<250x40xi32, #tpu.memory_space<hbm>>
      %dma_start3A_78 = arith.constant 0 : i32
      %dma_start3A_79 = arith.constant 0 : i32
      %dma_start3A_80 = tpu.memref_slice %arg4[%add3A, %dma_start3A_78, %dma_start3A_79] : memref<32x250x40xi32, #tpu.memory_space<hbm>> -> memref<1x250x40xi32, #tpu.memory_space<hbm>>
      %dma_start3A_81 = tpu.memref_squeeze %dma_start3A_80 : memref<1x250x40xi32, #tpu.memory_space<hbm>> -> memref<250x40xi32, #tpu.memory_space<hbm>>
      tpu.enqueue_dma source(%dma_start3A_81 : memref<250x40xi32, #tpu.memory_space<hbm>>) target(%arg8 : memref<250x40xi32, #tpu.memory_space<vmem>>) target_semaphore(%run_scoped3A : memref<!tpu.dma_semaphore, #tpu.memory_space<semaphore_mem>>)
      %dma_wait3A_82 = arith.constant 0 : i32
      %dma_wait3A_83 = arith.constant 0 : i32
      %dma_wait3A_84 = tpu.memref_slice %arg4[%add3A, %dma_wait3A_82, %dma_wait3A_83] : memref<32x250x40xi32, #tpu.memory_space<hbm>> -> memref<1x250x40xi32, #tpu.memory_space<hbm>>
      %dma_wait3A_85 = tpu.memref_squeeze %dma_wait3A_84 : memref<1x250x40xi32, #tpu.memory_space<hbm>> -> memref<250x40xi32, #tpu.memory_space<hbm>>
      %dma_wait3A_86 = arith.constant 0 : i32
      %dma_wait3A_87 = arith.constant 0 : i32
      %dma_wait3A_88 = tpu.memref_slice %arg4[%add3A, %dma_wait3A_86, %dma_wait3A_87] : memref<32x250x40xi32, #tpu.memory_space<hbm>> -> memref<1x250x40xi32, #tpu.memory_space<hbm>>
      %dma_wait3A_89 = tpu.memref_squeeze %dma_wait3A_88 : memref<1x250x40xi32, #tpu.memory_space<hbm>> -> memref<250x40xi32, #tpu.memory_space<hbm>>
      tpu.wait_dma2 semaphore(%run_scoped3A : memref<!tpu.dma_semaphore, #tpu.memory_space<semaphore_mem>>) src(%dma_wait3A_89 : memref<250x40xi32, #tpu.memory_space<hbm>>) dst(%arg8 : memref<250x40xi32, #tpu.memory_space<vmem>>)
      tpu.yield
    }) : () -> ()
    %dma_start3A = arith.constant 0 : i32
    %dma_start3A_1 = arith.constant 0 : i32
    %dma_start3A_2 = tpu.memref_slice %arg7[%dma_start3A, %dma_start3A_1] : memref<250x40xi32, #tpu.memory_space<vmem>> -> memref<1x40xi32, #tpu.memory_space<vmem>>
    %dma_start3A_3 = tpu.memref_squeeze %dma_start3A_2 : memref<1x40xi32, #tpu.memory_space<vmem>> -> memref<40xi32, #tpu.memory_space<vmem>>
    %dma_start3A_4 = arith.constant 0 : i32
    %dma_start3A_5 = arith.constant 0 : i32
    %dma_start3A_6 = tpu.memref_slice %arg2[%dma_start3A_4, %dma_start3A_5] : memref<10000x128xf32, #tpu.memory_space<hbm>> -> memref<10000x128xf32, #tpu.memory_space<hbm>>
    tpu.enqueue_indirect_dma source(%dma_start3A_6 : memref<10000x128xf32, #tpu.memory_space<hbm>>) target(%arg9 : memref<40x128xf32, #tpu.memory_space<vmem>>) offsets(%dma_start3A_3 : memref<40xi32, #tpu.memory_space<vmem>>) semaphore(%arg15 : memref<!tpu.dma_semaphore, #tpu.memory_space<semaphore_mem>>)
    %dma_start3A_7 = arith.constant 1 : i32
    %dma_start3A_8 = arith.constant 0 : i32
    %dma_start3A_9 = tpu.memref_slice %arg7[%dma_start3A_7, %dma_start3A_8] : memref<250x40xi32, #tpu.memory_space<vmem>> -> memref<1x40xi32, #tpu.memory_space<vmem>>
    %dma_start3A_10 = tpu.memref_squeeze %dma_start3A_9 : memref<1x40xi32, #tpu.memory_space<vmem>> -> memref<40xi32, #tpu.memory_space<vmem>>
    %dma_start3A_11 = arith.constant 0 : i32
    %dma_start3A_12 = arith.constant 0 : i32
    %dma_start3A_13 = tpu.memref_slice %arg2[%dma_start3A_11, %dma_start3A_12] : memref<10000x128xf32, #tpu.memory_space<hbm>> -> memref<10000x128xf32, #tpu.memory_space<hbm>>
    tpu.enqueue_indirect_dma source(%dma_start3A_13 : memref<10000x128xf32, #tpu.memory_space<hbm>>) target(%arg10 : memref<40x128xf32, #tpu.memory_space<vmem>>) offsets(%dma_start3A_10 : memref<40xi32, #tpu.memory_space<vmem>>) semaphore(%arg16 : memref<!tpu.dma_semaphore, #tpu.memory_space<semaphore_mem>>)
    %dma_start3A_14 = arith.constant 2 : i32
    %dma_start3A_15 = arith.constant 0 : i32
    %dma_start3A_16 = tpu.memref_slice %arg7[%dma_start3A_14, %dma_start3A_15] : memref<250x40xi32, #tpu.memory_space<vmem>> -> memref<1x40xi32, #tpu.memory_space<vmem>>
    %dma_start3A_17 = tpu.memref_squeeze %dma_start3A_16 : memref<1x40xi32, #tpu.memory_space<vmem>> -> memref<40xi32, #tpu.memory_space<vmem>>
    %dma_start3A_18 = arith.constant 0 : i32
    %dma_start3A_19 = arith.constant 0 : i32
    %dma_start3A_20 = tpu.memref_slice %arg2[%dma_start3A_18, %dma_start3A_19] : memref<10000x128xf32, #tpu.memory_space<hbm>> -> memref<10000x128xf32, #tpu.memory_space<hbm>>
    tpu.enqueue_indirect_dma source(%dma_start3A_20 : memref<10000x128xf32, #tpu.memory_space<hbm>>) target(%arg11 : memref<40x128xf32, #tpu.memory_space<vmem>>) offsets(%dma_start3A_17 : memref<40xi32, #tpu.memory_space<vmem>>) semaphore(%arg17 : memref<!tpu.dma_semaphore, #tpu.memory_space<semaphore_mem>>)
    %dma_start3A_21 = arith.constant 3 : i32
    %dma_start3A_22 = arith.constant 0 : i32
    %dma_start3A_23 = tpu.memref_slice %arg7[%dma_start3A_21, %dma_start3A_22] : memref<250x40xi32, #tpu.memory_space<vmem>> -> memref<1x40xi32, #tpu.memory_space<vmem>>
    %dma_start3A_24 = tpu.memref_squeeze %dma_start3A_23 : memref<1x40xi32, #tpu.memory_space<vmem>> -> memref<40xi32, #tpu.memory_space<vmem>>
    %dma_start3A_25 = arith.constant 0 : i32
    %dma_start3A_26 = arith.constant 0 : i32
    %dma_start3A_27 = tpu.memref_slice %arg2[%dma_start3A_25, %dma_start3A_26] : memref<10000x128xf32, #tpu.memory_space<hbm>> -> memref<10000x128xf32, #tpu.memory_space<hbm>>
    tpu.enqueue_indirect_dma source(%dma_start3A_27 : memref<10000x128xf32, #tpu.memory_space<hbm>>) target(%arg12 : memref<40x128xf32, #tpu.memory_space<vmem>>) offsets(%dma_start3A_24 : memref<40xi32, #tpu.memory_space<vmem>>) semaphore(%arg18 : memref<!tpu.dma_semaphore, #tpu.memory_space<semaphore_mem>>)
    %mul3A_28 = arith.constant 640 : i32
    %mul3A_29 = arith.muli %arg1, %mul3A_28 : i32
    "tpu.region"() ({
      %run_scoped3A = tpu.sem_alloc : memref<!tpu.dma_semaphore, #tpu.memory_space<semaphore_mem>>
      %dma_start3A_74 = arith.constant 0 : i32
      %dma_start3A_75 = tpu.memref_slice %arg14[%mul3A_29, %dma_start3A_74] : memref<10240x128xf32, #tpu.memory_space<vmem_shared>> -> memref<640x128xf32, #tpu.memory_space<vmem_shared>>
      tpu.enqueue_dma source(%arg5 : memref<640x128xf32, #tpu.memory_space<hbm>>) target(%dma_start3A_75 : memref<640x128xf32, #tpu.memory_space<vmem_shared>>) target_semaphore(%run_scoped3A : memref<!tpu.dma_semaphore, #tpu.memory_space<semaphore_mem>>)
      %dma_wait3A_76 = arith.constant 0 : i32
      %dma_wait3A_77 = tpu.memref_slice %arg14[%mul3A_29, %dma_wait3A_76] : memref<10240x128xf32, #tpu.memory_space<vmem_shared>> -> memref<640x128xf32, #tpu.memory_space<vmem_shared>>
      tpu.wait_dma2 semaphore(%run_scoped3A : memref<!tpu.dma_semaphore, #tpu.memory_space<semaphore_mem>>) src(%arg5 : memref<640x128xf32, #tpu.memory_space<hbm>>) dst(%dma_wait3A_77 : memref<640x128xf32, #tpu.memory_space<vmem_shared>>)
      tpu.yield
    }) : () -> ()
    %barrier3A = arith.constant 0 : index
    tpu.barrier barrier_id(%barrier3A)
    %scan3A = arith.constant 0 : i32
    %scan3A_30 = arith.constant 0 : i32
    %scan3A_31 = arith.constant 50 : i32
    %scan3A_32 = arith.addi %scan3A_30, %scan3A_31 : i32
    %scan3A_33 = arith.constant 1 : i32
    scf.for %scan3A_74 = %scan3A_30 to %scan3A_32 step %scan3A_33  : i32 {
      %mul3A_75 = arith.constant 5 : i32
      %mul3A_76 = arith.muli %scan3A_74, %mul3A_75 : i32
      %add3A_77 = arith.constant 0 : i32
      %add3A_78 = arith.addi %mul3A_76, %add3A_77 : i32
      %add3A_79 = arith.constant 5 : i32
      %add3A_80 = arith.addi %add3A_78, %add3A_79 : i32
      %sub3A = arith.constant 1 : i32
      %sub3A_81 = arith.subi %add3A_80, %sub3A : i32
      %lt3A = arith.constant 250 : i32
      %lt3A_82 = arith.cmpi slt, %sub3A_81, %lt3A : i32
      %convert_element_type3A = arith.extui %lt3A_82 : i1 to i32
      %cond3A = arith.constant 0 : i32
      %cond3A_83 = arith.cmpi ne, %convert_element_type3A, %cond3A : i32
      scf.if %cond3A_83 {
        %ge3A = arith.constant 1 : i32
        %ge3A_196 = arith.cmpi sge, %scan3A_74, %ge3A : i32
        %convert_element_type3A_197 = arith.extui %ge3A_196 : i1 to i32
        %cond3A_198 = arith.constant 0 : i32
        %cond3A_199 = arith.cmpi ne, %convert_element_type3A_197, %cond3A_198 : i32
        scf.if %cond3A_199 {
          %sub3A_206 = arith.constant 5 : i32
          %sub3A_207 = arith.subi %sub3A_81, %sub3A_206 : i32
          %dma_wait3A_208 = arith.constant 0 : i32
          %dma_wait3A_209 = tpu.memref_slice %arg8[%sub3A_207, %dma_wait3A_208] : memref<250x40xi32, #tpu.memory_space<vmem>> -> memref<1x40xi32, #tpu.memory_space<vmem>>
          %dma_wait3A_210 = tpu.memref_squeeze %dma_wait3A_209 : memref<1x40xi32, #tpu.memory_space<vmem>> -> memref<40xi32, #tpu.memory_space<vmem>>
          %dma_wait3A_211 = arith.constant 0 : i32
          %dma_wait3A_212 = arith.constant 0 : i32
          %dma_wait3A_213 = tpu.memref_slice %arg14[%dma_wait3A_211, %dma_wait3A_212] : memref<10240x128xf32, #tpu.memory_space<vmem_shared>> -> memref<10240x128xf32, #tpu.memory_space<vmem_shared>>
          tpu.wait_indirect_dma semaphore(%arg24 : memref<!tpu.dma_semaphore, #tpu.memory_space<semaphore_mem>>) src(%arg13 : memref<40x128xf32, #tpu.memory_space<vmem>>) dst(%dma_wait3A_213 : memref<10240x128xf32, #tpu.memory_space<vmem_shared>>)
        } else {
        }
        %dma_start3A_200 = arith.constant 0 : i32
        %dma_start3A_201 = tpu.memref_slice %arg7[%sub3A_81, %dma_start3A_200] : memref<250x40xi32, #tpu.memory_space<vmem>> -> memref<1x40xi32, #tpu.memory_space<vmem>>
        %dma_start3A_202 = tpu.memref_squeeze %dma_start3A_201 : memref<1x40xi32, #tpu.memory_space<vmem>> -> memref<40xi32, #tpu.memory_space<vmem>>
        %dma_start3A_203 = arith.constant 0 : i32
        %dma_start3A_204 = arith.constant 0 : i32
        %dma_start3A_205 = tpu.memref_slice %arg2[%dma_start3A_203, %dma_start3A_204] : memref<10000x128xf32, #tpu.memory_space<hbm>> -> memref<10000x128xf32, #tpu.memory_space<hbm>>
        tpu.enqueue_indirect_dma source(%dma_start3A_205 : memref<10000x128xf32, #tpu.memory_space<hbm>>) target(%arg13 : memref<40x128xf32, #tpu.memory_space<vmem>>) offsets(%dma_start3A_202 : memref<40xi32, #tpu.memory_space<vmem>>) semaphore(%arg19 : memref<!tpu.dma_semaphore, #tpu.memory_space<semaphore_mem>>)
      } else {
      }
      %dma_wait3A_84 = arith.constant 0 : i32
      %dma_wait3A_85 = tpu.memref_slice %arg7[%add3A_78, %dma_wait3A_84] : memref<250x40xi32, #tpu.memory_space<vmem>> -> memref<1x40xi32, #tpu.memory_space<vmem>>
      %dma_wait3A_86 = tpu.memref_squeeze %dma_wait3A_85 : memref<1x40xi32, #tpu.memory_space<vmem>> -> memref<40xi32, #tpu.memory_space<vmem>>
      %dma_wait3A_87 = arith.constant 0 : i32
      %dma_wait3A_88 = arith.constant 0 : i32
      %dma_wait3A_89 = tpu.memref_slice %arg2[%dma_wait3A_87, %dma_wait3A_88] : memref<10000x128xf32, #tpu.memory_space<hbm>> -> memref<10000x128xf32, #tpu.memory_space<hbm>>
      tpu.wait_indirect_dma semaphore(%arg15 : memref<!tpu.dma_semaphore, #tpu.memory_space<semaphore_mem>>) src(%dma_wait3A_89 : memref<10000x128xf32, #tpu.memory_space<hbm>>) dst(%arg9 : memref<40x128xf32, #tpu.memory_space<vmem>>)
      %dma_start3A_90 = arith.constant 0 : i32
      %dma_start3A_91 = tpu.memref_slice %arg8[%add3A_78, %dma_start3A_90] : memref<250x40xi32, #tpu.memory_space<vmem>> -> memref<1x40xi32, #tpu.memory_space<vmem>>
      %dma_start3A_92 = tpu.memref_squeeze %dma_start3A_91 : memref<1x40xi32, #tpu.memory_space<vmem>> -> memref<40xi32, #tpu.memory_space<vmem>>
      %dma_start3A_93 = arith.constant 0 : i32
      %dma_start3A_94 = arith.constant 0 : i32
      %dma_start3A_95 = tpu.memref_slice %arg14[%dma_start3A_93, %dma_start3A_94] : memref<10240x128xf32, #tpu.memory_space<vmem_shared>> -> memref<10240x128xf32, #tpu.memory_space<vmem_shared>>
      tpu.enqueue_indirect_dma source(%arg9 : memref<40x128xf32, #tpu.memory_space<vmem>>) target(%dma_start3A_95 : memref<10240x128xf32, #tpu.memory_space<vmem_shared>>) offsets(%dma_start3A_92 : memref<40xi32, #tpu.memory_space<vmem>>) semaphore(%arg20 : memref<!tpu.dma_semaphore, #tpu.memory_space<semaphore_mem>>) {add = true}
      %mul3A_96 = arith.constant 5 : i32
      %mul3A_97 = arith.muli %scan3A_74, %mul3A_96 : i32
      %add3A_98 = arith.constant 1 : i32
      %add3A_99 = arith.addi %mul3A_97, %add3A_98 : i32
      %add3A_100 = arith.constant 5 : i32
      %add3A_101 = arith.addi %add3A_99, %add3A_100 : i32
      %sub3A_102 = arith.constant 1 : i32
      %sub3A_103 = arith.subi %add3A_101, %sub3A_102 : i32
      %lt3A_104 = arith.constant 250 : i32
      %lt3A_105 = arith.cmpi slt, %sub3A_103, %lt3A_104 : i32
      %convert_element_type3A_106 = arith.extui %lt3A_105 : i1 to i32
      %cond3A_107 = arith.constant 0 : i32
      %cond3A_108 = arith.cmpi ne, %convert_element_type3A_106, %cond3A_107 : i32
      scf.if %cond3A_108 {
        %sub3A_196 = arith.constant 5 : i32
        %sub3A_197 = arith.subi %sub3A_103, %sub3A_196 : i32
        %dma_wait3A_198 = arith.constant 0 : i32
        %dma_wait3A_199 = tpu.memref_slice %arg8[%sub3A_197, %dma_wait3A_198] : memref<250x40xi32, #tpu.memory_space<vmem>> -> memref<1x40xi32, #tpu.memory_space<vmem>>
        %dma_wait3A_200 = tpu.memref_squeeze %dma_wait3A_199 : memref<1x40xi32, #tpu.memory_space<vmem>> -> memref<40xi32, #tpu.memory_space<vmem>>
        %dma_wait3A_201 = arith.constant 0 : i32
        %dma_wait3A_202 = arith.constant 0 : i32
        %dma_wait3A_203 = tpu.memref_slice %arg14[%dma_wait3A_201, %dma_wait3A_202] : memref<10240x128xf32, #tpu.memory_space<vmem_shared>> -> memref<10240x128xf32, #tpu.memory_space<vmem_shared>>
        tpu.wait_indirect_dma semaphore(%arg20 : memref<!tpu.dma_semaphore, #tpu.memory_space<semaphore_mem>>) src(%arg9 : memref<40x128xf32, #tpu.memory_space<vmem>>) dst(%dma_wait3A_203 : memref<10240x128xf32, #tpu.memory_space<vmem_shared>>)
        %dma_start3A_204 = arith.constant 0 : i32
        %dma_start3A_205 = tpu.memref_slice %arg7[%sub3A_103, %dma_start3A_204] : memref<250x40xi32, #tpu.memory_space<vmem>> -> memref<1x40xi32, #tpu.memory_space<vmem>>
        %dma_start3A_206 = tpu.memref_squeeze %dma_start3A_205 : memref<1x40xi32, #tpu.memory_space<vmem>> -> memref<40xi32, #tpu.memory_space<vmem>>
        %dma_start3A_207 = arith.constant 0 : i32
        %dma_start3A_208 = arith.constant 0 : i32
        %dma_start3A_209 = tpu.memref_slice %arg2[%dma_start3A_207, %dma_start3A_208] : memref<10000x128xf32, #tpu.memory_space<hbm>> -> memref<10000x128xf32, #tpu.memory_space<hbm>>
        tpu.enqueue_indirect_dma source(%dma_start3A_209 : memref<10000x128xf32, #tpu.memory_space<hbm>>) target(%arg9 : memref<40x128xf32, #tpu.memory_space<vmem>>) offsets(%dma_start3A_206 : memref<40xi32, #tpu.memory_space<vmem>>) semaphore(%arg15 : memref<!tpu.dma_semaphore, #tpu.memory_space<semaphore_mem>>)
      } else {
      }
      %dma_wait3A_109 = arith.constant 0 : i32
      %dma_wait3A_110 = tpu.memref_slice %arg7[%add3A_99, %dma_wait3A_109] : memref<250x40xi32, #tpu.memory_space<vmem>> -> memref<1x40xi32, #tpu.memory_space<vmem>>
      %dma_wait3A_111 = tpu.memref_squeeze %dma_wait3A_110 : memref<1x40xi32, #tpu.memory_space<vmem>> -> memref<40xi32, #tpu.memory_space<vmem>>
      %dma_wait3A_112 = arith.constant 0 : i32
      %dma_wait3A_113 = arith.constant 0 : i32
      %dma_wait3A_114 = tpu.memref_slice %arg2[%dma_wait3A_112, %dma_wait3A_113] : memref<10000x128xf32, #tpu.memory_space<hbm>> -> memref<10000x128xf32, #tpu.memory_space<hbm>>
      tpu.wait_indirect_dma semaphore(%arg16 : memref<!tpu.dma_semaphore, #tpu.memory_space<semaphore_mem>>) src(%dma_wait3A_114 : memref<10000x128xf32, #tpu.memory_space<hbm>>) dst(%arg10 : memref<40x128xf32, #tpu.memory_space<vmem>>)
      %dma_start3A_115 = arith.constant 0 : i32
      %dma_start3A_116 = tpu.memref_slice %arg8[%add3A_99, %dma_start3A_115] : memref<250x40xi32, #tpu.memory_space<vmem>> -> memref<1x40xi32, #tpu.memory_space<vmem>>
      %dma_start3A_117 = tpu.memref_squeeze %dma_start3A_116 : memref<1x40xi32, #tpu.memory_space<vmem>> -> memref<40xi32, #tpu.memory_space<vmem>>
      %dma_start3A_118 = arith.constant 0 : i32
      %dma_start3A_119 = arith.constant 0 : i32
      %dma_start3A_120 = tpu.memref_slice %arg14[%dma_start3A_118, %dma_start3A_119] : memref<10240x128xf32, #tpu.memory_space<vmem_shared>> -> memref<10240x128xf32, #tpu.memory_space<vmem_shared>>
      tpu.enqueue_indirect_dma source(%arg10 : memref<40x128xf32, #tpu.memory_space<vmem>>) target(%dma_start3A_120 : memref<10240x128xf32, #tpu.memory_space<vmem_shared>>) offsets(%dma_start3A_117 : memref<40xi32, #tpu.memory_space<vmem>>) semaphore(%arg21 : memref<!tpu.dma_semaphore, #tpu.memory_space<semaphore_mem>>) {add = true}
      %mul3A_121 = arith.constant 5 : i32
      %mul3A_122 = arith.muli %scan3A_74, %mul3A_121 : i32
      %add3A_123 = arith.constant 2 : i32
      %add3A_124 = arith.addi %mul3A_122, %add3A_123 : i32
      %add3A_125 = arith.constant 5 : i32
      %add3A_126 = arith.addi %add3A_124, %add3A_125 : i32
      %sub3A_127 = arith.constant 1 : i32
      %sub3A_128 = arith.subi %add3A_126, %sub3A_127 : i32
      %lt3A_129 = arith.constant 250 : i32
      %lt3A_130 = arith.cmpi slt, %sub3A_128, %lt3A_129 : i32
      %convert_element_type3A_131 = arith.extui %lt3A_130 : i1 to i32
      %cond3A_132 = arith.constant 0 : i32
      %cond3A_133 = arith.cmpi ne, %convert_element_type3A_131, %cond3A_132 : i32
      scf.if %cond3A_133 {
        %sub3A_196 = arith.constant 5 : i32
        %sub3A_197 = arith.subi %sub3A_128, %sub3A_196 : i32
        %dma_wait3A_198 = arith.constant 0 : i32
        %dma_wait3A_199 = tpu.memref_slice %arg8[%sub3A_197, %dma_wait3A_198] : memref<250x40xi32, #tpu.memory_space<vmem>> -> memref<1x40xi32, #tpu.memory_space<vmem>>
        %dma_wait3A_200 = tpu.memref_squeeze %dma_wait3A_199 : memref<1x40xi32, #tpu.memory_space<vmem>> -> memref<40xi32, #tpu.memory_space<vmem>>
        %dma_wait3A_201 = arith.constant 0 : i32
        %dma_wait3A_202 = arith.constant 0 : i32
        %dma_wait3A_203 = tpu.memref_slice %arg14[%dma_wait3A_201, %dma_wait3A_202] : memref<10240x128xf32, #tpu.memory_space<vmem_shared>> -> memref<10240x128xf32, #tpu.memory_space<vmem_shared>>
        tpu.wait_indirect_dma semaphore(%arg21 : memref<!tpu.dma_semaphore, #tpu.memory_space<semaphore_mem>>) src(%arg10 : memref<40x128xf32, #tpu.memory_space<vmem>>) dst(%dma_wait3A_203 : memref<10240x128xf32, #tpu.memory_space<vmem_shared>>)
        %dma_start3A_204 = arith.constant 0 : i32
        %dma_start3A_205 = tpu.memref_slice %arg7[%sub3A_128, %dma_start3A_204] : memref<250x40xi32, #tpu.memory_space<vmem>> -> memref<1x40xi32, #tpu.memory_space<vmem>>
        %dma_start3A_206 = tpu.memref_squeeze %dma_start3A_205 : memref<1x40xi32, #tpu.memory_space<vmem>> -> memref<40xi32, #tpu.memory_space<vmem>>
        %dma_start3A_207 = arith.constant 0 : i32
        %dma_start3A_208 = arith.constant 0 : i32
        %dma_start3A_209 = tpu.memref_slice %arg2[%dma_start3A_207, %dma_start3A_208] : memref<10000x128xf32, #tpu.memory_space<hbm>> -> memref<10000x128xf32, #tpu.memory_space<hbm>>
        tpu.enqueue_indirect_dma source(%dma_start3A_209 : memref<10000x128xf32, #tpu.memory_space<hbm>>) target(%arg10 : memref<40x128xf32, #tpu.memory_space<vmem>>) offsets(%dma_start3A_206 : memref<40xi32, #tpu.memory_space<vmem>>) semaphore(%arg16 : memref<!tpu.dma_semaphore, #tpu.memory_space<semaphore_mem>>)
      } else {
      }
      %dma_wait3A_134 = arith.constant 0 : i32
      %dma_wait3A_135 = tpu.memref_slice %arg7[%add3A_124, %dma_wait3A_134] : memref<250x40xi32, #tpu.memory_space<vmem>> -> memref<1x40xi32, #tpu.memory_space<vmem>>
      %dma_wait3A_136 = tpu.memref_squeeze %dma_wait3A_135 : memref<1x40xi32, #tpu.memory_space<vmem>> -> memref<40xi32, #tpu.memory_space<vmem>>
      %dma_wait3A_137 = arith.constant 0 : i32
      %dma_wait3A_138 = arith.constant 0 : i32
      %dma_wait3A_139 = tpu.memref_slice %arg2[%dma_wait3A_137, %dma_wait3A_138] : memref<10000x128xf32, #tpu.memory_space<hbm>> -> memref<10000x128xf32, #tpu.memory_space<hbm>>
      tpu.wait_indirect_dma semaphore(%arg17 : memref<!tpu.dma_semaphore, #tpu.memory_space<semaphore_mem>>) src(%dma_wait3A_139 : memref<10000x128xf32, #tpu.memory_space<hbm>>) dst(%arg11 : memref<40x128xf32, #tpu.memory_space<vmem>>)
      %dma_start3A_140 = arith.constant 0 : i32
      %dma_start3A_141 = tpu.memref_slice %arg8[%add3A_124, %dma_start3A_140] : memref<250x40xi32, #tpu.memory_space<vmem>> -> memref<1x40xi32, #tpu.memory_space<vmem>>
      %dma_start3A_142 = tpu.memref_squeeze %dma_start3A_141 : memref<1x40xi32, #tpu.memory_space<vmem>> -> memref<40xi32, #tpu.memory_space<vmem>>
      %dma_start3A_143 = arith.constant 0 : i32
      %dma_start3A_144 = arith.constant 0 : i32
      %dma_start3A_145 = tpu.memref_slice %arg14[%dma_start3A_143, %dma_start3A_144] : memref<10240x128xf32, #tpu.memory_space<vmem_shared>> -> memref<10240x128xf32, #tpu.memory_space<vmem_shared>>
      tpu.enqueue_indirect_dma source(%arg11 : memref<40x128xf32, #tpu.memory_space<vmem>>) target(%dma_start3A_145 : memref<10240x128xf32, #tpu.memory_space<vmem_shared>>) offsets(%dma_start3A_142 : memref<40xi32, #tpu.memory_space<vmem>>) semaphore(%arg22 : memref<!tpu.dma_semaphore, #tpu.memory_space<semaphore_mem>>) {add = true}
      %mul3A_146 = arith.constant 5 : i32
      %mul3A_147 = arith.muli %scan3A_74, %mul3A_146 : i32
      %add3A_148 = arith.constant 3 : i32
      %add3A_149 = arith.addi %mul3A_147, %add3A_148 : i32
      %add3A_150 = arith.constant 5 : i32
      %add3A_151 = arith.addi %add3A_149, %add3A_150 : i32
      %sub3A_152 = arith.constant 1 : i32
      %sub3A_153 = arith.subi %add3A_151, %sub3A_152 : i32
      %lt3A_154 = arith.constant 250 : i32
      %lt3A_155 = arith.cmpi slt, %sub3A_153, %lt3A_154 : i32
      %convert_element_type3A_156 = arith.extui %lt3A_155 : i1 to i32
      %cond3A_157 = arith.constant 0 : i32
      %cond3A_158 = arith.cmpi ne, %convert_element_type3A_156, %cond3A_157 : i32
      scf.if %cond3A_158 {
        %sub3A_196 = arith.constant 5 : i32
        %sub3A_197 = arith.subi %sub3A_153, %sub3A_196 : i32
        %dma_wait3A_198 = arith.constant 0 : i32
        %dma_wait3A_199 = tpu.memref_slice %arg8[%sub3A_197, %dma_wait3A_198] : memref<250x40xi32, #tpu.memory_space<vmem>> -> memref<1x40xi32, #tpu.memory_space<vmem>>
        %dma_wait3A_200 = tpu.memref_squeeze %dma_wait3A_199 : memref<1x40xi32, #tpu.memory_space<vmem>> -> memref<40xi32, #tpu.memory_space<vmem>>
        %dma_wait3A_201 = arith.constant 0 : i32
        %dma_wait3A_202 = arith.constant 0 : i32
        %dma_wait3A_203 = tpu.memref_slice %arg14[%dma_wait3A_201, %dma_wait3A_202] : memref<10240x128xf32, #tpu.memory_space<vmem_shared>> -> memref<10240x128xf32, #tpu.memory_space<vmem_shared>>
        tpu.wait_indirect_dma semaphore(%arg22 : memref<!tpu.dma_semaphore, #tpu.memory_space<semaphore_mem>>) src(%arg11 : memref<40x128xf32, #tpu.memory_space<vmem>>) dst(%dma_wait3A_203 : memref<10240x128xf32, #tpu.memory_space<vmem_shared>>)
        %dma_start3A_204 = arith.constant 0 : i32
        %dma_start3A_205 = tpu.memref_slice %arg7[%sub3A_153, %dma_start3A_204] : memref<250x40xi32, #tpu.memory_space<vmem>> -> memref<1x40xi32, #tpu.memory_space<vmem>>
        %dma_start3A_206 = tpu.memref_squeeze %dma_start3A_205 : memref<1x40xi32, #tpu.memory_space<vmem>> -> memref<40xi32, #tpu.memory_space<vmem>>
        %dma_start3A_207 = arith.constant 0 : i32
        %dma_start3A_208 = arith.constant 0 : i32
        %dma_start3A_209 = tpu.memref_slice %arg2[%dma_start3A_207, %dma_start3A_208] : memref<10000x128xf32, #tpu.memory_space<hbm>> -> memref<10000x128xf32, #tpu.memory_space<hbm>>
        tpu.enqueue_indirect_dma source(%dma_start3A_209 : memref<10000x128xf32, #tpu.memory_space<hbm>>) target(%arg11 : memref<40x128xf32, #tpu.memory_space<vmem>>) offsets(%dma_start3A_206 : memref<40xi32, #tpu.memory_space<vmem>>) semaphore(%arg17 : memref<!tpu.dma_semaphore, #tpu.memory_space<semaphore_mem>>)
      } else {
      }
      %dma_wait3A_159 = arith.constant 0 : i32
      %dma_wait3A_160 = tpu.memref_slice %arg7[%add3A_149, %dma_wait3A_159] : memref<250x40xi32, #tpu.memory_space<vmem>> -> memref<1x40xi32, #tpu.memory_space<vmem>>
      %dma_wait3A_161 = tpu.memref_squeeze %dma_wait3A_160 : memref<1x40xi32, #tpu.memory_space<vmem>> -> memref<40xi32, #tpu.memory_space<vmem>>
      %dma_wait3A_162 = arith.constant 0 : i32
      %dma_wait3A_163 = arith.constant 0 : i32
      %dma_wait3A_164 = tpu.memref_slice %arg2[%dma_wait3A_162, %dma_wait3A_163] : memref<10000x128xf32, #tpu.memory_space<hbm>> -> memref<10000x128xf32, #tpu.memory_space<hbm>>
      tpu.wait_indirect_dma semaphore(%arg18 : memref<!tpu.dma_semaphore, #tpu.memory_space<semaphore_mem>>) src(%dma_wait3A_164 : memref<10000x128xf32, #tpu.memory_space<hbm>>) dst(%arg12 : memref<40x128xf32, #tpu.memory_space<vmem>>)
      %dma_start3A_165 = arith.constant 0 : i32
      %dma_start3A_166 = tpu.memref_slice %arg8[%add3A_149, %dma_start3A_165] : memref<250x40xi32, #tpu.memory_space<vmem>> -> memref<1x40xi32, #tpu.memory_space<vmem>>
      %dma_start3A_167 = tpu.memref_squeeze %dma_start3A_166 : memref<1x40xi32, #tpu.memory_space<vmem>> -> memref<40xi32, #tpu.memory_space<vmem>>
      %dma_start3A_168 = arith.constant 0 : i32
      %dma_start3A_169 = arith.constant 0 : i32
      %dma_start3A_170 = tpu.memref_slice %arg14[%dma_start3A_168, %dma_start3A_169] : memref<10240x128xf32, #tpu.memory_space<vmem_shared>> -> memref<10240x128xf32, #tpu.memory_space<vmem_shared>>
      tpu.enqueue_indirect_dma source(%arg12 : memref<40x128xf32, #tpu.memory_space<vmem>>) target(%dma_start3A_170 : memref<10240x128xf32, #tpu.memory_space<vmem_shared>>) offsets(%dma_start3A_167 : memref<40xi32, #tpu.memory_space<vmem>>) semaphore(%arg23 : memref<!tpu.dma_semaphore, #tpu.memory_space<semaphore_mem>>) {add = true}
      %mul3A_171 = arith.constant 5 : i32
      %mul3A_172 = arith.muli %scan3A_74, %mul3A_171 : i32
      %add3A_173 = arith.constant 4 : i32
      %add3A_174 = arith.addi %mul3A_172, %add3A_173 : i32
      %add3A_175 = arith.constant 5 : i32
      %add3A_176 = arith.addi %add3A_174, %add3A_175 : i32
      %sub3A_177 = arith.constant 1 : i32
      %sub3A_178 = arith.subi %add3A_176, %sub3A_177 : i32
      %lt3A_179 = arith.constant 250 : i32
      %lt3A_180 = arith.cmpi slt, %sub3A_178, %lt3A_179 : i32
      %convert_element_type3A_181 = arith.extui %lt3A_180 : i1 to i32
      %cond3A_182 = arith.constant 0 : i32
      %cond3A_183 = arith.cmpi ne, %convert_element_type3A_181, %cond3A_182 : i32
      scf.if %cond3A_183 {
        %sub3A_196 = arith.constant 5 : i32
        %sub3A_197 = arith.subi %sub3A_178, %sub3A_196 : i32
        %dma_wait3A_198 = arith.constant 0 : i32
        %dma_wait3A_199 = tpu.memref_slice %arg8[%sub3A_197, %dma_wait3A_198] : memref<250x40xi32, #tpu.memory_space<vmem>> -> memref<1x40xi32, #tpu.memory_space<vmem>>
        %dma_wait3A_200 = tpu.memref_squeeze %dma_wait3A_199 : memref<1x40xi32, #tpu.memory_space<vmem>> -> memref<40xi32, #tpu.memory_space<vmem>>
        %dma_wait3A_201 = arith.constant 0 : i32
        %dma_wait3A_202 = arith.constant 0 : i32
        %dma_wait3A_203 = tpu.memref_slice %arg14[%dma_wait3A_201, %dma_wait3A_202] : memref<10240x128xf32, #tpu.memory_space<vmem_shared>> -> memref<10240x128xf32, #tpu.memory_space<vmem_shared>>
        tpu.wait_indirect_dma semaphore(%arg23 : memref<!tpu.dma_semaphore, #tpu.memory_space<semaphore_mem>>) src(%arg12 : memref<40x128xf32, #tpu.memory_space<vmem>>) dst(%dma_wait3A_203 : memref<10240x128xf32, #tpu.memory_space<vmem_shared>>)
        %dma_start3A_204 = arith.constant 0 : i32
        %dma_start3A_205 = tpu.memref_slice %arg7[%sub3A_178, %dma_start3A_204] : memref<250x40xi32, #tpu.memory_space<vmem>> -> memref<1x40xi32, #tpu.memory_space<vmem>>
        %dma_start3A_206 = tpu.memref_squeeze %dma_start3A_205 : memref<1x40xi32, #tpu.memory_space<vmem>> -> memref<40xi32, #tpu.memory_space<vmem>>
        %dma_start3A_207 = arith.constant 0 : i32
        %dma_start3A_208 = arith.constant 0 : i32
        %dma_start3A_209 = tpu.memref_slice %arg2[%dma_start3A_207, %dma_start3A_208] : memref<10000x128xf32, #tpu.memory_space<hbm>> -> memref<10000x128xf32, #tpu.memory_space<hbm>>
        tpu.enqueue_indirect_dma source(%dma_start3A_209 : memref<10000x128xf32, #tpu.memory_space<hbm>>) target(%arg12 : memref<40x128xf32, #tpu.memory_space<vmem>>) offsets(%dma_start3A_206 : memref<40xi32, #tpu.memory_space<vmem>>) semaphore(%arg18 : memref<!tpu.dma_semaphore, #tpu.memory_space<semaphore_mem>>)
      } else {
      }
      %dma_wait3A_184 = arith.constant 0 : i32
      %dma_wait3A_185 = tpu.memref_slice %arg7[%add3A_174, %dma_wait3A_184] : memref<250x40xi32, #tpu.memory_space<vmem>> -> memref<1x40xi32, #tpu.memory_space<vmem>>
      %dma_wait3A_186 = tpu.memref_squeeze %dma_wait3A_185 : memref<1x40xi32, #tpu.memory_space<vmem>> -> memref<40xi32, #tpu.memory_space<vmem>>
      %dma_wait3A_187 = arith.constant 0 : i32
      %dma_wait3A_188 = arith.constant 0 : i32
      %dma_wait3A_189 = tpu.memref_slice %arg2[%dma_wait3A_187, %dma_wait3A_188] : memref<10000x128xf32, #tpu.memory_space<hbm>> -> memref<10000x128xf32, #tpu.memory_space<hbm>>
      tpu.wait_indirect_dma semaphore(%arg19 : memref<!tpu.dma_semaphore, #tpu.memory_space<semaphore_mem>>) src(%dma_wait3A_189 : memref<10000x128xf32, #tpu.memory_space<hbm>>) dst(%arg13 : memref<40x128xf32, #tpu.memory_space<vmem>>)
      %dma_start3A_190 = arith.constant 0 : i32
      %dma_start3A_191 = tpu.memref_slice %arg8[%add3A_174, %dma_start3A_190] : memref<250x40xi32, #tpu.memory_space<vmem>> -> memref<1x40xi32, #tpu.memory_space<vmem>>
      %dma_start3A_192 = tpu.memref_squeeze %dma_start3A_191 : memref<1x40xi32, #tpu.memory_space<vmem>> -> memref<40xi32, #tpu.memory_space<vmem>>
      %dma_start3A_193 = arith.constant 0 : i32
      %dma_start3A_194 = arith.constant 0 : i32
      %dma_start3A_195 = tpu.memref_slice %arg14[%dma_start3A_193, %dma_start3A_194] : memref<10240x128xf32, #tpu.memory_space<vmem_shared>> -> memref<10240x128xf32, #tpu.memory_space<vmem_shared>>
      tpu.enqueue_indirect_dma source(%arg13 : memref<40x128xf32, #tpu.memory_space<vmem>>) target(%dma_start3A_195 : memref<10240x128xf32, #tpu.memory_space<vmem_shared>>) offsets(%dma_start3A_192 : memref<40xi32, #tpu.memory_space<vmem>>) semaphore(%arg24 : memref<!tpu.dma_semaphore, #tpu.memory_space<semaphore_mem>>) {add = true}
    }
    %scan3A_34 = arith.constant 50 : i32
    %dma_wait3A = arith.constant 245 : i32
    %dma_wait3A_35 = arith.constant 0 : i32
    %dma_wait3A_36 = tpu.memref_slice %arg8[%dma_wait3A, %dma_wait3A_35] : memref<250x40xi32, #tpu.memory_space<vmem>> -> memref<1x40xi32, #tpu.memory_space<vmem>>
    %dma_wait3A_37 = tpu.memref_squeeze %dma_wait3A_36 : memref<1x40xi32, #tpu.memory_space<vmem>> -> memref<40xi32, #tpu.memory_space<vmem>>
    %dma_wait3A_38 = arith.constant 0 : i32
    %dma_wait3A_39 = arith.constant 0 : i32
    %dma_wait3A_40 = tpu.memref_slice %arg14[%dma_wait3A_38, %dma_wait3A_39] : memref<10240x128xf32, #tpu.memory_space<vmem_shared>> -> memref<10240x128xf32, #tpu.memory_space<vmem_shared>>
    tpu.wait_indirect_dma semaphore(%arg20 : memref<!tpu.dma_semaphore, #tpu.memory_space<semaphore_mem>>) src(%arg9 : memref<40x128xf32, #tpu.memory_space<vmem>>) dst(%dma_wait3A_40 : memref<10240x128xf32, #tpu.memory_space<vmem_shared>>)
    %dma_wait3A_41 = arith.constant 246 : i32
    %dma_wait3A_42 = arith.constant 0 : i32
    %dma_wait3A_43 = tpu.memref_slice %arg8[%dma_wait3A_41, %dma_wait3A_42] : memref<250x40xi32, #tpu.memory_space<vmem>> -> memref<1x40xi32, #tpu.memory_space<vmem>>
    %dma_wait3A_44 = tpu.memref_squeeze %dma_wait3A_43 : memref<1x40xi32, #tpu.memory_space<vmem>> -> memref<40xi32, #tpu.memory_space<vmem>>
    %dma_wait3A_45 = arith.constant 0 : i32
    %dma_wait3A_46 = arith.constant 0 : i32
    %dma_wait3A_47 = tpu.memref_slice %arg14[%dma_wait3A_45, %dma_wait3A_46] : memref<10240x128xf32, #tpu.memory_space<vmem_shared>> -> memref<10240x128xf32, #tpu.memory_space<vmem_shared>>
    tpu.wait_indirect_dma semaphore(%arg21 : memref<!tpu.dma_semaphore, #tpu.memory_space<semaphore_mem>>) src(%arg10 : memref<40x128xf32, #tpu.memory_space<vmem>>) dst(%dma_wait3A_47 : memref<10240x128xf32, #tpu.memory_space<vmem_shared>>)
    %dma_wait3A_48 = arith.constant 247 : i32
    %dma_wait3A_49 = arith.constant 0 : i32
    %dma_wait3A_50 = tpu.memref_slice %arg8[%dma_wait3A_48, %dma_wait3A_49] : memref<250x40xi32, #tpu.memory_space<vmem>> -> memref<1x40xi32, #tpu.memory_space<vmem>>
    %dma_wait3A_51 = tpu.memref_squeeze %dma_wait3A_50 : memref<1x40xi32, #tpu.memory_space<vmem>> -> memref<40xi32, #tpu.memory_space<vmem>>
    %dma_wait3A_52 = arith.constant 0 : i32
    %dma_wait3A_53 = arith.constant 0 : i32
    %dma_wait3A_54 = tpu.memref_slice %arg14[%dma_wait3A_52, %dma_wait3A_53] : memref<10240x128xf32, #tpu.memory_space<vmem_shared>> -> memref<10240x128xf32, #tpu.memory_space<vmem_shared>>
    tpu.wait_indirect_dma semaphore(%arg22 : memref<!tpu.dma_semaphore, #tpu.memory_space<semaphore_mem>>) src(%arg11 : memref<40x128xf32, #tpu.memory_space<vmem>>) dst(%dma_wait3A_54 : memref<10240x128xf32, #tpu.memory_space<vmem_shared>>)
    %dma_wait3A_55 = arith.constant 248 : i32
    %dma_wait3A_56 = arith.constant 0 : i32
    %dma_wait3A_57 = tpu.memref_slice %arg8[%dma_wait3A_55, %dma_wait3A_56] : memref<250x40xi32, #tpu.memory_space<vmem>> -> memref<1x40xi32, #tpu.memory_space<vmem>>
    %dma_wait3A_58 = tpu.memref_squeeze %dma_wait3A_57 : memref<1x40xi32, #tpu.memory_space<vmem>> -> memref<40xi32, #tpu.memory_space<vmem>>
    %dma_wait3A_59 = arith.constant 0 : i32
    %dma_wait3A_60 = arith.constant 0 : i32
    %dma_wait3A_61 = tpu.memref_slice %arg14[%dma_wait3A_59, %dma_wait3A_60] : memref<10240x128xf32, #tpu.memory_space<vmem_shared>> -> memref<10240x128xf32, #tpu.memory_space<vmem_shared>>
    tpu.wait_indirect_dma semaphore(%arg23 : memref<!tpu.dma_semaphore, #tpu.memory_space<semaphore_mem>>) src(%arg12 : memref<40x128xf32, #tpu.memory_space<vmem>>) dst(%dma_wait3A_61 : memref<10240x128xf32, #tpu.memory_space<vmem_shared>>)
    %dma_wait3A_62 = arith.constant 249 : i32
    %dma_wait3A_63 = arith.constant 0 : i32
    %dma_wait3A_64 = tpu.memref_slice %arg8[%dma_wait3A_62, %dma_wait3A_63] : memref<250x40xi32, #tpu.memory_space<vmem>> -> memref<1x40xi32, #tpu.memory_space<vmem>>
    %dma_wait3A_65 = tpu.memref_squeeze %dma_wait3A_64 : memref<1x40xi32, #tpu.memory_space<vmem>> -> memref<40xi32, #tpu.memory_space<vmem>>
    %dma_wait3A_66 = arith.constant 0 : i32
    %dma_wait3A_67 = arith.constant 0 : i32
    %dma_wait3A_68 = tpu.memref_slice %arg14[%dma_wait3A_66, %dma_wait3A_67] : memref<10240x128xf32, #tpu.memory_space<vmem_shared>> -> memref<10240x128xf32, #tpu.memory_space<vmem_shared>>
    tpu.wait_indirect_dma semaphore(%arg24 : memref<!tpu.dma_semaphore, #tpu.memory_space<semaphore_mem>>) src(%arg13 : memref<40x128xf32, #tpu.memory_space<vmem>>) dst(%dma_wait3A_68 : memref<10240x128xf32, #tpu.memory_space<vmem_shared>>)
    %barrier3A_69 = arith.constant 0 : index
    tpu.barrier barrier_id(%barrier3A_69)
    %mul3A_70 = arith.constant 640 : i32
    %mul3A_71 = arith.muli %arg1, %mul3A_70 : i32
    %mul3A_72 = arith.constant 640 : i32
    %mul3A_73 = arith.muli %arg1, %mul3A_72 : i32
    "tpu.region"() ({
      %run_scoped3A = tpu.sem_alloc : memref<!tpu.dma_semaphore, #tpu.memory_space<semaphore_mem>>
      %dma_start3A_74 = arith.constant 0 : i32
      %dma_start3A_75 = tpu.memref_slice %arg6[%arg0, %mul3A_73, %dma_start3A_74] : memref<2x10240x128xf32, #tpu.memory_space<hbm>> -> memref<1x640x128xf32, #tpu.memory_space<hbm>>
      %dma_start3A_76 = tpu.memref_squeeze %dma_start3A_75 : memref<1x640x128xf32, #tpu.memory_space<hbm>> -> memref<640x128xf32, #tpu.memory_space<hbm>>
      %dma_start3A_77 = arith.constant 0 : i32
      %dma_start3A_78 = tpu.memref_slice %arg14[%mul3A_71, %dma_start3A_77] : memref<10240x128xf32, #tpu.memory_space<vmem_shared>> -> memref<640x128xf32, #tpu.memory_space<vmem_shared>>
      tpu.enqueue_dma source(%dma_start3A_78 : memref<640x128xf32, #tpu.memory_space<vmem_shared>>) target(%dma_start3A_76 : memref<640x128xf32, #tpu.memory_space<hbm>>) target_semaphore(%run_scoped3A : memref<!tpu.dma_semaphore, #tpu.memory_space<semaphore_mem>>)
      %dma_wait3A_79 = arith.constant 0 : i32
      %dma_wait3A_80 = tpu.memref_slice %arg6[%arg0, %mul3A_73, %dma_wait3A_79] : memref<2x10240x128xf32, #tpu.memory_space<hbm>> -> memref<1x640x128xf32, #tpu.memory_space<hbm>>
      %dma_wait3A_81 = tpu.memref_squeeze %dma_wait3A_80 : memref<1x640x128xf32, #tpu.memory_space<hbm>> -> memref<640x128xf32, #tpu.memory_space<hbm>>
      %dma_wait3A_82 = arith.constant 0 : i32
      %dma_wait3A_83 = tpu.memref_slice %arg14[%mul3A_71, %dma_wait3A_82] : memref<10240x128xf32, #tpu.memory_space<vmem_shared>> -> memref<640x128xf32, #tpu.memory_space<vmem_shared>>
      tpu.wait_dma2 semaphore(%run_scoped3A : memref<!tpu.dma_semaphore, #tpu.memory_space<semaphore_mem>>) src(%dma_wait3A_83 : memref<640x128xf32, #tpu.memory_space<vmem_shared>>) dst(%dma_wait3A_81 : memref<640x128xf32, #tpu.memory_space<hbm>>)
      tpu.yield
    }) : () -> ()
    return
  }
}

module attributes {stable_mosaic.version = 14 : i64} {
  func.func @body(%arg0: i32, %arg1: memref<2x1000x16xf32, #tpu.memory_space<vmem>>, %arg2: memref<1000x128xf32, #tpu.memory_space<vmem>>, %arg3: memref<128x128xf32, #tpu.memory_space<vmem>>, %arg4: memref<1000x1xf32, #tpu.memory_space<vmem>>, %arg5: memref<1000x128xf32, #tpu.memory_space<vmem>>) attributes {dimension_semantics = [#tpu.dimension_semantics<arbitrary>], iteration_bounds = array<i64: 10>, scalar_prefetch = 0 : i64, scratch_operands = 0 : i64, tpu.core_type = #tpu.core_type<tc>, window_params = [{transform_indices = @transform_0, window_bounds = array<i64: 2, 1000, 16>}, {transform_indices = @transform_1, window_bounds = array<i64: 1000, 128>}, {pipeline_mode = #tpu.pipeline_mode<synchronous>, transform_indices = @transform_2, window_bounds = array<i64: 128, 128>}, {transform_indices = @transform_3, window_bounds = array<i64: 1000, 1>}, {transform_indices = @transform_4, window_bounds = array<i64: 1000, 128>}]} {
    %get3A = arith.constant 0 : index
    %get3A_0 = arith.constant 0 : index
    %get3A_1 = arith.constant 0 : index
    %get3A_2 = vector.load %arg1[%get3A, %get3A_0, %get3A_1] : memref<2x1000x16xf32, #tpu.memory_space<vmem>>, vector<1x1000x1xf32>
    %get3A_3 = vector.shape_cast %get3A_2 : vector<1x1000x1xf32> to vector<1000x1xf32>
    %get3A_4 = arith.constant 1 : index
    %get3A_5 = arith.constant 0 : index
    %get3A_6 = arith.constant 0 : index
    %get3A_7 = vector.load %arg1[%get3A_4, %get3A_5, %get3A_6] : memref<2x1000x16xf32, #tpu.memory_space<vmem>>, vector<1x1000x1xf32>
    %get3A_8 = vector.shape_cast %get3A_7 : vector<1x1000x1xf32> to vector<1000x1xf32>
    %add3A = arith.addf %get3A_3, %get3A_8 : vector<1000x1xf32>
    %add3A_9 = arith.constant 1.000000e+00 : f32
    %add3A_10 = vector.broadcast %add3A_9 : f32 to vector<1000x1xf32>
    %add3A_11 = arith.addf %add3A, %add3A_10 : vector<1000x1xf32>
    %rsqrt3A = math.rsqrt %add3A_11 : vector<1000x1xf32>
    %swap3A = arith.constant 0 : index
    %swap3A_12 = arith.constant 0 : index
    %swap3A_13 = vector.load %arg4[%swap3A, %swap3A_12] : memref<1000x1xf32, #tpu.memory_space<vmem>>, vector<1000x1xf32>
    tpu.vector_store %arg4[%swap3A, %swap3A_12], %rsqrt3A {strides = array<i32>} : memref<1000x1xf32, #tpu.memory_space<vmem>>, vector<1000x1xf32>,
    %get3A_14 = arith.constant 0 : index
    %get3A_15 = arith.constant 0 : index
    %get3A_16 = vector.load %arg2[%get3A_14, %get3A_15] : memref<1000x128xf32, #tpu.memory_space<vmem>>, vector<1000x128xf32>
    %get3A_17 = arith.constant 0 : index
    %get3A_18 = arith.constant 0 : index
    %get3A_19 = vector.load %arg3[%get3A_17, %get3A_18] : memref<128x128xf32, #tpu.memory_space<vmem>>, vector<128x128xf32>
    %dot_general3A = arith.constant dense<0.000000e+00> : vector<1000x128xf32>
    %dot_general3A_20 = tpu.matmul %get3A_16, %get3A_19, %dot_general3A {dimension_numbers = #tpu.dot_dimension_numbers<[1], [0], [0], [1], [0, 0, 1, 1], [], []>, transpose_lhs_hint = false} : vector<1000x128xf32>, vector<128x128xf32>, vector<1000x128xf32> -> vector<1000x128xf32>
    %mul3A = vector.broadcast %rsqrt3A : vector<1000x1xf32> to vector<1000x128xf32>
    %mul3A_21 = arith.mulf %dot_general3A_20, %mul3A : vector<1000x128xf32>
    %swap3A_22 = arith.constant 0 : index
    %swap3A_23 = arith.constant 0 : index
    %swap3A_24 = vector.load %arg5[%swap3A_22, %swap3A_23] : memref<1000x128xf32, #tpu.memory_space<vmem>>, vector<1000x128xf32>
    tpu.vector_store %arg5[%swap3A_22, %swap3A_23], %mul3A_21 {strides = array<i32>} : memref<1000x128xf32, #tpu.memory_space<vmem>>, vector<1000x128xf32>,
    return
  }
  func.func @transform_0(%arg0: i32) -> (i32, i32, i32) {
    %c0_i32 = arith.constant 0 : i32
    %c0_i32_0 = arith.constant 0 : i32
    %c0_i32_1 = arith.constant 0 : i32
    return %c0_i32, %arg0, %c0_i32_0 : i32, i32, i32
  }
  func.func @transform_1(%arg0: i32) -> (i32, i32) {
    %c0_i32 = arith.constant 0 : i32
    %c0_i32_0 = arith.constant 0 : i32
    return %arg0, %c0_i32 : i32, i32
  }
  func.func @transform_2(%arg0: i32) -> (i32, i32) {
    %c0_i32 = arith.constant 0 : i32
    %c0_i32_0 = arith.constant 0 : i32
    %c0_i32_1 = arith.constant 0 : i32
    return %c0_i32, %c0_i32_0 : i32, i32
  }
  func.func @transform_3(%arg0: i32) -> (i32, i32) {
    %c0_i32 = arith.constant 0 : i32
    %c0_i32_0 = arith.constant 0 : i32
    return %arg0, %c0_i32 : i32, i32
  }
  func.func @transform_4(%arg0: i32) -> (i32, i32) {
    %c0_i32 = arith.constant 0 : i32
    %c0_i32_0 = arith.constant 0 : i32
    return %arg0, %c0_i32 : i32, i32
  }
}

module attributes {stable_mosaic.version = 14 : i64} {
  func.func @body(%arg0: i32, %arg1: memref<2x1000x128xf32, #tpu.memory_space<vmem>>, %arg2: memref<1000x128xf32, #tpu.memory_space<vmem>>, %arg3: memref<1000x1xf32, #tpu.memory_space<vmem>>, %arg4: memref<1x128xf32, #tpu.memory_space<vmem>>, %arg5: memref<1x128xf32, #tpu.memory_space<vmem>>, %arg6: memref<1x128xf32, #tpu.memory_space<vmem>>, %arg7: memref<128x128xf32, #tpu.memory_space<vmem>>, %arg8: memref<1000x128xf32, #tpu.memory_space<vmem>>) attributes {dimension_semantics = [#tpu.dimension_semantics<arbitrary>], iteration_bounds = array<i64: 10>, scalar_prefetch = 0 : i64, scratch_operands = 0 : i64, tpu.core_type = #tpu.core_type<tc>, window_params = [{transform_indices = @transform_0, window_bounds = array<i64: 2, 1000, 128>}, {transform_indices = @transform_1, window_bounds = array<i64: 1000, 128>}, {transform_indices = @transform_2, window_bounds = array<i64: 1000, 1>}, {pipeline_mode = #tpu.pipeline_mode<synchronous>, transform_indices = @transform_3, window_bounds = array<i64: 1, 128>}, {pipeline_mode = #tpu.pipeline_mode<synchronous>, transform_indices = @transform_4, window_bounds = array<i64: 1, 128>}, {pipeline_mode = #tpu.pipeline_mode<synchronous>, transform_indices = @transform_5, window_bounds = array<i64: 1, 128>}, {pipeline_mode = #tpu.pipeline_mode<synchronous>, transform_indices = @transform_6, window_bounds = array<i64: 128, 128>}, {transform_indices = @transform_7, window_bounds = array<i64: 1000, 128>}]} {
    %get3A = arith.constant 0 : index
    %get3A_0 = arith.constant 0 : index
    %get3A_1 = vector.load %arg3[%get3A, %get3A_0] : memref<1000x1xf32, #tpu.memory_space<vmem>>, vector<1000x1xf32>
    %get3A_2 = arith.constant 0 : index
    %get3A_3 = arith.constant 0 : index
    %get3A_4 = arith.constant 0 : index
    %get3A_5 = vector.load %arg1[%get3A_2, %get3A_3, %get3A_4] : memref<2x1000x128xf32, #tpu.memory_space<vmem>>, vector<1x1000x128xf32>
    %get3A_6 = vector.shape_cast %get3A_5 : vector<1x1000x128xf32> to vector<1000x128xf32>
    %get3A_7 = arith.constant 1 : index
    %get3A_8 = arith.constant 0 : index
    %get3A_9 = arith.constant 0 : index
    %get3A_10 = vector.load %arg1[%get3A_7, %get3A_8, %get3A_9] : memref<2x1000x128xf32, #tpu.memory_space<vmem>>, vector<1x1000x128xf32>
    %get3A_11 = vector.shape_cast %get3A_10 : vector<1x1000x128xf32> to vector<1000x128xf32>
    %add3A = arith.addf %get3A_6, %get3A_11 : vector<1000x128xf32>
    %get3A_12 = arith.constant 0 : index
    %get3A_13 = arith.constant 0 : index
    %get3A_14 = vector.load %arg2[%get3A_12, %get3A_13] : memref<1000x128xf32, #tpu.memory_space<vmem>>, vector<1000x128xf32>
    %add3A_15 = arith.addf %add3A, %get3A_14 : vector<1000x128xf32>
    %mul3A = vector.broadcast %get3A_1 : vector<1000x1xf32> to vector<1000x128xf32>
    %mul3A_16 = arith.mulf %add3A_15, %mul3A : vector<1000x128xf32>
    %get3A_17 = arith.constant 0 : index
    %get3A_18 = arith.constant 0 : index
    %get3A_19 = vector.load %arg4[%get3A_17, %get3A_18] : memref<1x128xf32, #tpu.memory_space<vmem>>, vector<1x128xf32>
    %add3A_20 = vector.broadcast %get3A_19 : vector<1x128xf32> to vector<1000x128xf32>
    %add3A_21 = arith.addf %mul3A_16, %add3A_20 : vector<1000x128xf32>
    %reduce_sum3A = arith.constant dense<0.000000e+00> : vector<1000xf32>
    %reduce_sum3A_22 = vector.multi_reduction <add>, %add3A_21, %reduce_sum3A [1] : vector<1000x128xf32> to vector<1000xf32>
    %broadcast_in_dim3A = vector.shape_cast %reduce_sum3A_22 : vector<1000xf32> to vector<1000x1xf32>
    %div3A = arith.constant 1.280000e+02 : f32
    %div3A_23 = vector.broadcast %div3A : f32 to vector<1000x1xf32>
    %div3A_24 = arith.divf %broadcast_in_dim3A, %div3A_23 : vector<1000x1xf32>
    %sub3A = vector.broadcast %div3A_24 : vector<1000x1xf32> to vector<1000x128xf32>
    %sub3A_25 = arith.subf %add3A_21, %sub3A : vector<1000x128xf32>
    %mul3A_26 = arith.mulf %sub3A_25, %sub3A_25 : vector<1000x128xf32>
    %reduce_sum3A_27 = arith.constant dense<0.000000e+00> : vector<1000xf32>
    %reduce_sum3A_28 = vector.multi_reduction <add>, %mul3A_26, %reduce_sum3A_27 [1] : vector<1000x128xf32> to vector<1000xf32>
    %broadcast_in_dim3A_29 = vector.shape_cast %reduce_sum3A_28 : vector<1000xf32> to vector<1000x1xf32>
    %div3A_30 = arith.constant 1.280000e+02 : f32
    %div3A_31 = vector.broadcast %div3A_30 : f32 to vector<1000x1xf32>
    %div3A_32 = arith.divf %broadcast_in_dim3A_29, %div3A_31 : vector<1000x1xf32>
    %add3A_33 = arith.constant 9.99999974E-6 : f32
    %add3A_34 = vector.broadcast %add3A_33 : f32 to vector<1000x1xf32>
    %add3A_35 = arith.addf %div3A_32, %add3A_34 : vector<1000x1xf32>
    %rsqrt3A = math.rsqrt %add3A_35 : vector<1000x1xf32>
    %mul3A_36 = vector.broadcast %rsqrt3A : vector<1000x1xf32> to vector<1000x128xf32>
    %mul3A_37 = arith.mulf %sub3A_25, %mul3A_36 : vector<1000x128xf32>
    %get3A_38 = arith.constant 0 : index
    %get3A_39 = arith.constant 0 : index
    %get3A_40 = vector.load %arg5[%get3A_38, %get3A_39] : memref<1x128xf32, #tpu.memory_space<vmem>>, vector<1x128xf32>
    %mul3A_41 = vector.broadcast %get3A_40 : vector<1x128xf32> to vector<1000x128xf32>
    %mul3A_42 = arith.mulf %mul3A_37, %mul3A_41 : vector<1000x128xf32>
    %get3A_43 = arith.constant 0 : index
    %get3A_44 = arith.constant 0 : index
    %get3A_45 = vector.load %arg6[%get3A_43, %get3A_44] : memref<1x128xf32, #tpu.memory_space<vmem>>, vector<1x128xf32>
    %add3A_46 = vector.broadcast %get3A_45 : vector<1x128xf32> to vector<1000x128xf32>
    %add3A_47 = arith.addf %mul3A_42, %add3A_46 : vector<1000x128xf32>
    %max3A = arith.constant 0.000000e+00 : f32
    %max3A_48 = vector.broadcast %max3A : f32 to vector<1000x128xf32>
    %max3A_49 = arith.maximumf %add3A_47, %max3A_48 : vector<1000x128xf32>
    %get3A_50 = arith.constant 0 : index
    %get3A_51 = arith.constant 0 : index
    %get3A_52 = vector.load %arg7[%get3A_50, %get3A_51] : memref<128x128xf32, #tpu.memory_space<vmem>>, vector<128x128xf32>
    %dot_general3A = arith.constant dense<0.000000e+00> : vector<1000x128xf32>
    %dot_general3A_53 = tpu.matmul %max3A_49, %get3A_52, %dot_general3A {dimension_numbers = #tpu.dot_dimension_numbers<[1], [0], [0], [1], [0, 0, 1, 1], [], []>, transpose_lhs_hint = false} : vector<1000x128xf32>, vector<128x128xf32>, vector<1000x128xf32> -> vector<1000x128xf32>
    %mul3A_54 = vector.broadcast %get3A_1 : vector<1000x1xf32> to vector<1000x128xf32>
    %mul3A_55 = arith.mulf %dot_general3A_53, %mul3A_54 : vector<1000x128xf32>
    %swap3A = arith.constant 0 : index
    %swap3A_56 = arith.constant 0 : index
    %swap3A_57 = vector.load %arg8[%swap3A, %swap3A_56] : memref<1000x128xf32, #tpu.memory_space<vmem>>, vector<1000x128xf32>
    tpu.vector_store %arg8[%swap3A, %swap3A_56], %mul3A_55 {strides = array<i32>} : memref<1000x128xf32, #tpu.memory_space<vmem>>, vector<1000x128xf32>,
    return
  }
  func.func @transform_0(%arg0: i32) -> (i32, i32, i32) {
    %c0_i32 = arith.constant 0 : i32
    %c0_i32_0 = arith.constant 0 : i32
    %c0_i32_1 = arith.constant 0 : i32
    return %c0_i32, %arg0, %c0_i32_0 : i32, i32, i32
  }
  func.func @transform_1(%arg0: i32) -> (i32, i32) {
    %c0_i32 = arith.constant 0 : i32
    %c0_i32_0 = arith.constant 0 : i32
    return %arg0, %c0_i32 : i32, i32
  }
  func.func @transform_2(%arg0: i32) -> (i32, i32) {
    %c0_i32 = arith.constant 0 : i32
    %c0_i32_0 = arith.constant 0 : i32
    return %arg0, %c0_i32 : i32, i32
  }
  func.func @transform_3(%arg0: i32) -> (i32, i32) {
    %c0_i32 = arith.constant 0 : i32
    %c0_i32_0 = arith.constant 0 : i32
    %c0_i32_1 = arith.constant 0 : i32
    return %c0_i32, %c0_i32_0 : i32, i32
  }
  func.func @transform_4(%arg0: i32) -> (i32, i32) {
    %c0_i32 = arith.constant 0 : i32
    %c0_i32_0 = arith.constant 0 : i32
    %c0_i32_1 = arith.constant 0 : i32
    return %c0_i32, %c0_i32_0 : i32, i32
  }
  func.func @transform_5(%arg0: i32) -> (i32, i32) {
    %c0_i32 = arith.constant 0 : i32
    %c0_i32_0 = arith.constant 0 : i32
    %c0_i32_1 = arith.constant 0 : i32
    return %c0_i32, %c0_i32_0 : i32, i32
  }
  func.func @transform_6(%arg0: i32) -> (i32, i32) {
    %c0_i32 = arith.constant 0 : i32
    %c0_i32_0 = arith.constant 0 : i32
    %c0_i32_1 = arith.constant 0 : i32
    return %c0_i32, %c0_i32_0 : i32, i32
  }
  func.func @transform_7(%arg0: i32) -> (i32, i32) {
    %c0_i32 = arith.constant 0 : i32
    %c0_i32_0 = arith.constant 0 : i32
    return %arg0, %c0_i32 : i32, i32
  }
}

module attributes {stable_mosaic.version = 14 : i64} {
  func.func @body(%arg0: i32, %arg1: memref<2x1000x128xf32, #tpu.memory_space<vmem>>, %arg2: memref<1000x128xf32, #tpu.memory_space<vmem>>, %arg3: memref<1000x1xf32, #tpu.memory_space<vmem>>, %arg4: memref<1x128xf32, #tpu.memory_space<vmem>>, %arg5: memref<1x128xf32, #tpu.memory_space<vmem>>, %arg6: memref<1x128xf32, #tpu.memory_space<vmem>>, %arg7: memref<128x16xf32, #tpu.memory_space<vmem>>, %arg8: memref<1000x16xf32, #tpu.memory_space<vmem>>) attributes {dimension_semantics = [#tpu.dimension_semantics<arbitrary>], iteration_bounds = array<i64: 10>, scalar_prefetch = 0 : i64, scratch_operands = 0 : i64, tpu.core_type = #tpu.core_type<tc>, window_params = [{transform_indices = @transform_0, window_bounds = array<i64: 2, 1000, 128>}, {transform_indices = @transform_1, window_bounds = array<i64: 1000, 128>}, {transform_indices = @transform_2, window_bounds = array<i64: 1000, 1>}, {pipeline_mode = #tpu.pipeline_mode<synchronous>, transform_indices = @transform_3, window_bounds = array<i64: 1, 128>}, {pipeline_mode = #tpu.pipeline_mode<synchronous>, transform_indices = @transform_4, window_bounds = array<i64: 1, 128>}, {pipeline_mode = #tpu.pipeline_mode<synchronous>, transform_indices = @transform_5, window_bounds = array<i64: 1, 128>}, {pipeline_mode = #tpu.pipeline_mode<synchronous>, transform_indices = @transform_6, window_bounds = array<i64: 128, 16>}, {transform_indices = @transform_7, window_bounds = array<i64: 1000, 16>}]} {
    %get3A = arith.constant 0 : index
    %get3A_0 = arith.constant 0 : index
    %get3A_1 = vector.load %arg3[%get3A, %get3A_0] : memref<1000x1xf32, #tpu.memory_space<vmem>>, vector<1000x1xf32>
    %get3A_2 = arith.constant 0 : index
    %get3A_3 = arith.constant 0 : index
    %get3A_4 = arith.constant 0 : index
    %get3A_5 = vector.load %arg1[%get3A_2, %get3A_3, %get3A_4] : memref<2x1000x128xf32, #tpu.memory_space<vmem>>, vector<1x1000x128xf32>
    %get3A_6 = vector.shape_cast %get3A_5 : vector<1x1000x128xf32> to vector<1000x128xf32>
    %get3A_7 = arith.constant 1 : index
    %get3A_8 = arith.constant 0 : index
    %get3A_9 = arith.constant 0 : index
    %get3A_10 = vector.load %arg1[%get3A_7, %get3A_8, %get3A_9] : memref<2x1000x128xf32, #tpu.memory_space<vmem>>, vector<1x1000x128xf32>
    %get3A_11 = vector.shape_cast %get3A_10 : vector<1x1000x128xf32> to vector<1000x128xf32>
    %add3A = arith.addf %get3A_6, %get3A_11 : vector<1000x128xf32>
    %get3A_12 = arith.constant 0 : index
    %get3A_13 = arith.constant 0 : index
    %get3A_14 = vector.load %arg2[%get3A_12, %get3A_13] : memref<1000x128xf32, #tpu.memory_space<vmem>>, vector<1000x128xf32>
    %add3A_15 = arith.addf %add3A, %get3A_14 : vector<1000x128xf32>
    %mul3A = vector.broadcast %get3A_1 : vector<1000x1xf32> to vector<1000x128xf32>
    %mul3A_16 = arith.mulf %add3A_15, %mul3A : vector<1000x128xf32>
    %get3A_17 = arith.constant 0 : index
    %get3A_18 = arith.constant 0 : index
    %get3A_19 = vector.load %arg4[%get3A_17, %get3A_18] : memref<1x128xf32, #tpu.memory_space<vmem>>, vector<1x128xf32>
    %add3A_20 = vector.broadcast %get3A_19 : vector<1x128xf32> to vector<1000x128xf32>
    %add3A_21 = arith.addf %mul3A_16, %add3A_20 : vector<1000x128xf32>
    %reduce_sum3A = arith.constant dense<0.000000e+00> : vector<1000xf32>
    %reduce_sum3A_22 = vector.multi_reduction <add>, %add3A_21, %reduce_sum3A [1] : vector<1000x128xf32> to vector<1000xf32>
    %broadcast_in_dim3A = vector.shape_cast %reduce_sum3A_22 : vector<1000xf32> to vector<1000x1xf32>
    %div3A = arith.constant 1.280000e+02 : f32
    %div3A_23 = vector.broadcast %div3A : f32 to vector<1000x1xf32>
    %div3A_24 = arith.divf %broadcast_in_dim3A, %div3A_23 : vector<1000x1xf32>
    %sub3A = vector.broadcast %div3A_24 : vector<1000x1xf32> to vector<1000x128xf32>
    %sub3A_25 = arith.subf %add3A_21, %sub3A : vector<1000x128xf32>
    %mul3A_26 = arith.mulf %sub3A_25, %sub3A_25 : vector<1000x128xf32>
    %reduce_sum3A_27 = arith.constant dense<0.000000e+00> : vector<1000xf32>
    %reduce_sum3A_28 = vector.multi_reduction <add>, %mul3A_26, %reduce_sum3A_27 [1] : vector<1000x128xf32> to vector<1000xf32>
    %broadcast_in_dim3A_29 = vector.shape_cast %reduce_sum3A_28 : vector<1000xf32> to vector<1000x1xf32>
    %div3A_30 = arith.constant 1.280000e+02 : f32
    %div3A_31 = vector.broadcast %div3A_30 : f32 to vector<1000x1xf32>
    %div3A_32 = arith.divf %broadcast_in_dim3A_29, %div3A_31 : vector<1000x1xf32>
    %add3A_33 = arith.constant 9.99999974E-6 : f32
    %add3A_34 = vector.broadcast %add3A_33 : f32 to vector<1000x1xf32>
    %add3A_35 = arith.addf %div3A_32, %add3A_34 : vector<1000x1xf32>
    %rsqrt3A = math.rsqrt %add3A_35 : vector<1000x1xf32>
    %mul3A_36 = vector.broadcast %rsqrt3A : vector<1000x1xf32> to vector<1000x128xf32>
    %mul3A_37 = arith.mulf %sub3A_25, %mul3A_36 : vector<1000x128xf32>
    %get3A_38 = arith.constant 0 : index
    %get3A_39 = arith.constant 0 : index
    %get3A_40 = vector.load %arg5[%get3A_38, %get3A_39] : memref<1x128xf32, #tpu.memory_space<vmem>>, vector<1x128xf32>
    %mul3A_41 = vector.broadcast %get3A_40 : vector<1x128xf32> to vector<1000x128xf32>
    %mul3A_42 = arith.mulf %mul3A_37, %mul3A_41 : vector<1000x128xf32>
    %get3A_43 = arith.constant 0 : index
    %get3A_44 = arith.constant 0 : index
    %get3A_45 = vector.load %arg6[%get3A_43, %get3A_44] : memref<1x128xf32, #tpu.memory_space<vmem>>, vector<1x128xf32>
    %add3A_46 = vector.broadcast %get3A_45 : vector<1x128xf32> to vector<1000x128xf32>
    %add3A_47 = arith.addf %mul3A_42, %add3A_46 : vector<1000x128xf32>
    %max3A = arith.constant 0.000000e+00 : f32
    %max3A_48 = vector.broadcast %max3A : f32 to vector<1000x128xf32>
    %max3A_49 = arith.maximumf %add3A_47, %max3A_48 : vector<1000x128xf32>
    %get3A_50 = arith.constant 0 : index
    %get3A_51 = arith.constant 0 : index
    %get3A_52 = vector.load %arg7[%get3A_50, %get3A_51] : memref<128x16xf32, #tpu.memory_space<vmem>>, vector<128x16xf32>
    %dot_general3A = arith.constant dense<0.000000e+00> : vector<1000x16xf32>
    %dot_general3A_53 = tpu.matmul %max3A_49, %get3A_52, %dot_general3A {dimension_numbers = #tpu.dot_dimension_numbers<[1], [0], [0], [1], [0, 0, 1, 1], [], []>, transpose_lhs_hint = false} : vector<1000x128xf32>, vector<128x16xf32>, vector<1000x16xf32> -> vector<1000x16xf32>
    %mul3A_54 = vector.broadcast %get3A_1 : vector<1000x1xf32> to vector<1000x16xf32>
    %mul3A_55 = arith.mulf %dot_general3A_53, %mul3A_54 : vector<1000x16xf32>
    %swap3A = arith.constant 0 : index
    %swap3A_56 = arith.constant 0 : index
    %swap3A_57 = vector.load %arg8[%swap3A, %swap3A_56] : memref<1000x16xf32, #tpu.memory_space<vmem>>, vector<1000x16xf32>
    tpu.vector_store %arg8[%swap3A, %swap3A_56], %mul3A_55 {strides = array<i32>} : memref<1000x16xf32, #tpu.memory_space<vmem>>, vector<1000x16xf32>,
    return
  }
  func.func @transform_0(%arg0: i32) -> (i32, i32, i32) {
    %c0_i32 = arith.constant 0 : i32
    %c0_i32_0 = arith.constant 0 : i32
    %c0_i32_1 = arith.constant 0 : i32
    return %c0_i32, %arg0, %c0_i32_0 : i32, i32, i32
  }
  func.func @transform_1(%arg0: i32) -> (i32, i32) {
    %c0_i32 = arith.constant 0 : i32
    %c0_i32_0 = arith.constant 0 : i32
    return %arg0, %c0_i32 : i32, i32
  }
  func.func @transform_2(%arg0: i32) -> (i32, i32) {
    %c0_i32 = arith.constant 0 : i32
    %c0_i32_0 = arith.constant 0 : i32
    return %arg0, %c0_i32 : i32, i32
  }
  func.func @transform_3(%arg0: i32) -> (i32, i32) {
    %c0_i32 = arith.constant 0 : i32
    %c0_i32_0 = arith.constant 0 : i32
    %c0_i32_1 = arith.constant 0 : i32
    return %c0_i32, %c0_i32_0 : i32, i32
  }
  func.func @transform_4(%arg0: i32) -> (i32, i32) {
    %c0_i32 = arith.constant 0 : i32
    %c0_i32_0 = arith.constant 0 : i32
    %c0_i32_1 = arith.constant 0 : i32
    return %c0_i32, %c0_i32_0 : i32, i32
  }
  func.func @transform_5(%arg0: i32) -> (i32, i32) {
    %c0_i32 = arith.constant 0 : i32
    %c0_i32_0 = arith.constant 0 : i32
    %c0_i32_1 = arith.constant 0 : i32
    return %c0_i32, %c0_i32_0 : i32, i32
  }
  func.func @transform_6(%arg0: i32) -> (i32, i32) {
    %c0_i32 = arith.constant 0 : i32
    %c0_i32_0 = arith.constant 0 : i32
    %c0_i32_1 = arith.constant 0 : i32
    return %c0_i32, %c0_i32_0 : i32, i32
  }
  func.func @transform_7(%arg0: i32) -> (i32, i32) {
    %c0_i32 = arith.constant 0 : i32
    %c0_i32_0 = arith.constant 0 : i32
    return %arg0, %c0_i32 : i32, i32
  }
}

module attributes {stable_mosaic.version = 14 : i64} {
  func.func @body(%arg0: i32, %arg1: memref<2x1000x16xf32, #tpu.memory_space<vmem>>, %arg2: memref<1000x16xf32, #tpu.memory_space<vmem>>, %arg3: memref<1000x1xf32, #tpu.memory_space<vmem>>, %arg4: memref<1x16xf32, #tpu.memory_space<vmem>>, %arg5: memref<1000x16xf32, #tpu.memory_space<vmem>>) attributes {dimension_semantics = [#tpu.dimension_semantics<arbitrary>], iteration_bounds = array<i64: 10>, scalar_prefetch = 0 : i64, scratch_operands = 0 : i64, tpu.core_type = #tpu.core_type<tc>, window_params = [{transform_indices = @transform_0, window_bounds = array<i64: 2, 1000, 16>}, {transform_indices = @transform_1, window_bounds = array<i64: 1000, 16>}, {transform_indices = @transform_2, window_bounds = array<i64: 1000, 1>}, {pipeline_mode = #tpu.pipeline_mode<synchronous>, transform_indices = @transform_3, window_bounds = array<i64: 1, 16>}, {transform_indices = @transform_4, window_bounds = array<i64: 1000, 16>}]} {
    %get3A = arith.constant 0 : index
    %get3A_0 = arith.constant 0 : index
    %get3A_1 = arith.constant 0 : index
    %get3A_2 = vector.load %arg1[%get3A, %get3A_0, %get3A_1] : memref<2x1000x16xf32, #tpu.memory_space<vmem>>, vector<1x1000x16xf32>
    %get3A_3 = vector.shape_cast %get3A_2 : vector<1x1000x16xf32> to vector<1000x16xf32>
    %get3A_4 = arith.constant 1 : index
    %get3A_5 = arith.constant 0 : index
    %get3A_6 = arith.constant 0 : index
    %get3A_7 = vector.load %arg1[%get3A_4, %get3A_5, %get3A_6] : memref<2x1000x16xf32, #tpu.memory_space<vmem>>, vector<1x1000x16xf32>
    %get3A_8 = vector.shape_cast %get3A_7 : vector<1x1000x16xf32> to vector<1000x16xf32>
    %add3A = arith.addf %get3A_3, %get3A_8 : vector<1000x16xf32>
    %get3A_9 = arith.constant 0 : index
    %get3A_10 = arith.constant 0 : index
    %get3A_11 = vector.load %arg2[%get3A_9, %get3A_10] : memref<1000x16xf32, #tpu.memory_space<vmem>>, vector<1000x16xf32>
    %add3A_12 = arith.addf %add3A, %get3A_11 : vector<1000x16xf32>
    %get3A_13 = arith.constant 0 : index
    %get3A_14 = arith.constant 0 : index
    %get3A_15 = vector.load %arg3[%get3A_13, %get3A_14] : memref<1000x1xf32, #tpu.memory_space<vmem>>, vector<1000x1xf32>
    %mul3A = vector.broadcast %get3A_15 : vector<1000x1xf32> to vector<1000x16xf32>
    %mul3A_16 = arith.mulf %add3A_12, %mul3A : vector<1000x16xf32>
    %get3A_17 = arith.constant 0 : index
    %get3A_18 = arith.constant 0 : index
    %get3A_19 = vector.load %arg4[%get3A_17, %get3A_18] : memref<1x16xf32, #tpu.memory_space<vmem>>, vector<1x16xf32>
    %add3A_20 = vector.broadcast %get3A_19 : vector<1x16xf32> to vector<1000x16xf32>
    %add3A_21 = arith.addf %mul3A_16, %add3A_20 : vector<1000x16xf32>
    %reduce_max3A = arith.constant dense<0xFF800000> : vector<1000xf32>
    %reduce_max3A_22 = vector.multi_reduction <maximumf>, %add3A_21, %reduce_max3A [1] : vector<1000x16xf32> to vector<1000xf32>
    %broadcast_in_dim3A = vector.shape_cast %reduce_max3A_22 : vector<1000xf32> to vector<1000x1xf32>
    %sub3A = vector.broadcast %broadcast_in_dim3A : vector<1000x1xf32> to vector<1000x16xf32>
    %sub3A_23 = arith.subf %add3A_21, %sub3A : vector<1000x16xf32>
    %exp3A = math.exp %sub3A_23 : vector<1000x16xf32>
    %reduce_sum3A = arith.constant dense<0.000000e+00> : vector<1000xf32>
    %reduce_sum3A_24 = vector.multi_reduction <add>, %exp3A, %reduce_sum3A [1] : vector<1000x16xf32> to vector<1000xf32>
    %broadcast_in_dim3A_25 = vector.shape_cast %reduce_sum3A_24 : vector<1000xf32> to vector<1000x1xf32>
    %log3A = math.log %broadcast_in_dim3A_25 : vector<1000x1xf32>
    %sub3A_26 = vector.broadcast %log3A : vector<1000x1xf32> to vector<1000x16xf32>
    %sub3A_27 = arith.subf %sub3A_23, %sub3A_26 : vector<1000x16xf32>
    %swap3A = arith.constant 0 : index
    %swap3A_28 = arith.constant 0 : index
    %swap3A_29 = vector.load %arg5[%swap3A, %swap3A_28] : memref<1000x16xf32, #tpu.memory_space<vmem>>, vector<1000x16xf32>
    tpu.vector_store %arg5[%swap3A, %swap3A_28], %sub3A_27 {strides = array<i32>} : memref<1000x16xf32, #tpu.memory_space<vmem>>, vector<1000x16xf32>,
    return
  }
  func.func @transform_0(%arg0: i32) -> (i32, i32, i32) {
    %c0_i32 = arith.constant 0 : i32
    %c0_i32_0 = arith.constant 0 : i32
    %c0_i32_1 = arith.constant 0 : i32
    return %c0_i32, %arg0, %c0_i32_0 : i32, i32, i32
  }
  func.func @transform_1(%arg0: i32) -> (i32, i32) {
    %c0_i32 = arith.constant 0 : i32
    %c0_i32_0 = arith.constant 0 : i32
    return %arg0, %c0_i32 : i32, i32
  }
  func.func @transform_2(%arg0: i32) -> (i32, i32) {
    %c0_i32 = arith.constant 0 : i32
    %c0_i32_0 = arith.constant 0 : i32
    return %arg0, %c0_i32 : i32, i32
  }
  func.func @transform_3(%arg0: i32) -> (i32, i32) {
    %c0_i32 = arith.constant 0 : i32
    %c0_i32_0 = arith.constant 0 : i32
    %c0_i32_1 = arith.constant 0 : i32
    return %c0_i32, %c0_i32_0 : i32, i32
  }
  func.func @transform_4(%arg0: i32) -> (i32, i32) {
    %c0_i32 = arith.constant 0 : i32
    %c0_i32_0 = arith.constant 0 : i32
    return %arg0, %c0_i32 : i32, i32
  }
}

</mosaic_0001>

<sc_bundles>
// kernel: kernel.10.cloned.1.call-start
scs
__scs_entry_jumppad:
0x0: {  	(pc) =	sbr.rel $0x88, $3  }
0x1: {  	(tag) =	ssettag $0x0;
	lr =	simm.s32 $0x1  }
0x2: {  	[smem:$0x3F95] =	sst lr;
	_ =	strace $0xD0000000  }
0x3: {  	_ = 	snop  }
0x4: {  	_ = 	snop  }
0x5: {  	_ = 	snop  }
0x6: {  	_ = 	snop  }
0x7: {  	_ = 	snop  }
__scs_overlays_trampoline_lowered:
0x8: {  	[smem:$0x3FA4] =	sst s0  }
0x9: {  	[smem:$0x3FA5] =	sst s1  }
0xa: {  	[smem:$0x3FA6] =	sst s2  }
0xb: {  	[smem:$0x3FA7] =	sst s3  }
0xc: {  	[smem:$0x3FA8] =	sst s4  }
0xd: {  	[smem:$0x3FA9] =	sst s5  }
0xe: {  	[smem:$0x3FAA] =	sst s6  }
0xf: {  	[smem:$0x3FAB] =	sst s7  }
0x10: {  	[smem:$0x3FAC] =	sst s8  }
0x11: {  	[smem:$0x3FAD] =	sst s9;
	s0 =	simm.s32 @!p0 $0x0  }
0x12: {  	s1 =	sld [smem:$0x3F93];
	s0 =	simm.s32 @p0 $0x1  }
0x13: {  	[smem:$0x3FAE] =	sst s0;
	s0 =	simm.s32 @!p1 $0x0  }
0x14: {  	s2 =	sld [smem:$0x3F92];
	s0 =	simm.s32 @p1 $0x1  }
0x15: {  	[smem:$0x3FAF] =	sst s0;
	s0 =	simm.s32 @!p2 $0x0  }
0x16: {  	s3 =	sld [smem:$0x3FDB];
	s0 =	simm.s32 @p2 $0x1  }
0x17: {  	s4 =	simm.s32 $0x1BF5;
	[smem:$0x3FB1] =	sst s0  }
0x18: {  	s0 =	sld [smem:$0x3F94];
	_ =	swait.ge [sflag:s4], $0x0  }
0x19: {  	s7 =	sld [smem:$0x3F95]  }
0x1a: {  	s8 =	sadd.s32 $0xFFFFE003, lr  }
0x1b: {  	s9 =	sadd.s32 $0xFFFFFEF7, lr;
	s5 =	simm.s32 $0xFFFFFFFF;
	p2 =	slt.u32 s8, $0xFFFFF086  }
0x1c: {  	p1 =	slt.u32 s9, $0xF7A;
	s5 =	simm.s32 @!p2 $0x0  }
0x1d: {  	s5 =	simm.s32 @p1 $0x1;
	p0 =	seq.s32 s7, s2  }
0x1e: {  	s7 =	smul.u32 @!p0 $0xF7A, s2;
	p2 =	seq.s32 @!p0 s5, $0x0  }
0x1f: {  	s9 =	smul.u32 $0xF7A, s1;
	s8 =	simm.s32 @!p0 $0x1BF5;
	p2 =	por !p2, p0  }
0x20: {  	[sflag:s8] =	ssyncset.s32 @!p0 $0xFFFFF086;
	s6 =	sadd.s32 @!p0 s3, s7;
	s7 =	simm.s32 @!p0 $0x108  }
0x21: {  	s3 =	sadd.s32 s3, s9;
	s6 =	sadd.s32 @!p0 $0x88, s6;
	s7 =	simm.s32 @p2 $0x1082  }
0x22: {  	[simem:s7], [sflag:s8] =	dma.local @!p0 [hbm:s6], $0xF7A  }
0x23: {  	s9 =	sor.u32 $0xD0000000, s2;
	s6 =	simm.s32 $0x108;
	_ =	swait.ge @!p0 [sflag:s8], $0x0  }
0x24: {  	s3 =	sadd.s32 $0x88, s3;
	s6 =	simm.s32 @!p1 $0x1082;
	[sflag:s4] =	ssyncset.s32 $0xFFFFF086  }
0x25: {  	[simem:s6], [sflag:s4] =	dma.local [hbm:s3], $0xF7A  }
0x26: {  	[smem:$0x3F95] =	sst s1;
	(tag) =	ssettag s2;
	_ =	strace s9  }
0x27: {  	s1 =	sld [smem:$0x3FA5]  }
0x28: {  	s2 =	sld [smem:$0x3FA6]  }
0x29: {  	s4 =	sld [smem:$0x3FA8]  }
0x2a: {  	p0 =	seq.s32 s5, $0x0;
	s5 =	sld [smem:$0x3FA9]  }
0x2b: {  	s6 =	sld [smem:$0x3FAA]  }
0x2c: {  	s7 =	sld [smem:$0x3FAB]  }
0x2d: {  	s3 =	simm.s32 $0x108;
	s8 =	sld [smem:$0x3FAC]  }
0x2e: {  	s3 =	simm.s32 @!p0 $0x1082;
	s9 =	sld [smem:$0x3FAD]  }
0x2f: {  	lr =	sadd.s32 s0, s3;
	s0 =	sld [smem:$0x3FA4]  }
0x30: {  	s3 =	sld [smem:$0x3FA7]  }
0x31: {  	[smem:$0x3FB0] =	sst s10  }
0x32: {  	s10 =	sld [smem:$0x3FAE];
	_ =	sdelay $0x3  }
0x33: {  	p0 =	seq.s32 s10, $0x1;
	s10 =	sld [smem:$0x3FB0];
	_ =	sdelay $0x3  }
0x34: {  	[smem:$0x3FB0] =	sst s10  }
0x35: {  	s10 =	sld [smem:$0x3FAF];
	_ =	sdelay $0x3  }
0x36: {  	p1 =	seq.s32 s10, $0x1;
	s10 =	sld [smem:$0x3FB0];
	_ =	sdelay $0x3  }
0x37: {  	[smem:$0x3FB0] =	sst s10  }
0x38: {  	s10 =	sld [smem:$0x3FB1]  }
0x39: {  	_ = 	snop;
	(pc) =	sbr.ind lr, $3  }
0x3a: {  	_ = 	snop  }
0x3b: {  	_ = 	snop  }
0x3c: {  	p2 =	seq.s32 s10, $0x1;
	s10 =	sld [smem:$0x3FB0]  }
0x3d: {  	_ =	shalt  }
0x3e: {  	_ =	shalt  }
0x3f: {  	_ =	shalt  }
0x40: {  	_ =	shalt  }
0x41: {  	_ =	shalt  }
0x42: {  	_ =	shalt  }
0x43: {  	_ =	shalt  }
0x44: {  	_ =	shalt  }
0x45: {  	_ =	shalt  }
0x46: {  	_ =	shalt  }
0x47: {  	_ =	shalt  }
0x48: {  	_ =	shalt  }
0x49: {  	_ =	shalt  }
0x4a: {  	_ =	shalt  }
0x4b: {  	_ =	shalt  }
0x4c: {  	_ =	shalt  }
0x4d: {  	_ =	shalt  }
0x4e: {  	_ =	shalt  }
0x4f: {  	_ =	shalt  }
0x50: {  	_ =	shalt  }
0x51: {  	_ =	shalt  }
0x52: {  	_ =	shalt  }
0x53: {  	_ =	shalt  }
0x54: {  	_ =	shalt  }
0x55: {  	_ =	shalt  }
0x56: {  	_ =	shalt  }
0x57: {  	_ =	shalt  }
0x58: {  	_ =	shalt  }
0x59: {  	_ =	shalt  }
0x5a: {  	_ =	shalt  }
0x5b: {  	_ =	shalt  }
0x5c: {  	_ =	shalt  }
0x5d: {  	_ =	shalt  }
0x5e: {  	_ =	shalt  }
0x5f: {  	_ =	shalt  }
0x60: {  	_ =	shalt  }
0x61: {  	_ =	shalt  }
0x62: {  	_ =	shalt  }
0x63: {  	_ =	shalt  }
0x64: {  	_ =	shalt  }
0x65: {  	_ =	shalt  }
0x66: {  	_ =	shalt  }
0x67: {  	_ =	shalt  }
0x68: {  	_ =	shalt  }
0x69: {  	_ =	shalt  }
0x6a: {  	_ =	shalt  }
0x6b: {  	_ =	shalt  }
0x6c: {  	_ =	shalt  }
0x6d: {  	_ =	shalt  }
0x6e: {  	_ =	shalt  }
0x6f: {  	_ =	shalt  }
0x70: {  	_ =	shalt  }
0x71: {  	_ =	shalt  }
0x72: {  	_ =	shalt  }
0x73: {  	_ =	shalt  }
0x74: {  	_ =	shalt  }
0x75: {  	_ =	shalt  }
0x76: {  	_ =	shalt  }
0x77: {  	_ =	shalt  }
0x78: {  	_ =	shalt  }
0x79: {  	_ =	shalt  }
0x7a: {  	_ =	shalt  }
0x7b: {  	_ =	shalt  }
0x7c: {  	_ =	shalt  }
0x7d: {  	_ =	shalt  }
0x7e: {  	_ =	shalt  }
0x7f: {  	_ =	shalt  }
0x80: {  	_ =	shalt  }
0x81: {  	_ =	shalt  }
0x82: {  	_ =	shalt  }
0x83: {  	_ =	shalt  }
0x84: {  	_ =	shalt  }
0x85: {  	_ =	shalt  }
0x86: {  	_ =	shalt  }
0x87: {  	_ =	shalt  }
.Lfunc_end0:
.L_simem_size_0:
called_computation_lowered:
.L_overlay_start_0:
0x88: {  	s2 =	sld [smem:$0x3FD9]  }
0x89: {  	s3 =	sld [smem:$0x3FFE];
	_ =	sdelay $0x1  }
0x8a: {  	s1 =	srdreg.scid  }
0x8b: {  	s0 =	sand.u32 $0x1, s1  }
0x8c: {  	s17 =	sshll.u32 s0, $0xA;
	s2 =	sadd.s32 s3, s2  }
0x8d: {  	s2 =	sadd.s32 s2, s17  }
0x8e: {  	[smem:$0x3FBC] =	sst s2  }
0x8f: {  	_ = 	snop  }
0x90: {  	s2 =	sld [smem:$0x3FD0];
	(tm) =	ssettm $0x1  }
0x91: {  	s18 =	sld [smem:$0x3FFB];
	_ =	sdelay $0x3  }
0x92: {  	_ =	strace s18  }
0x93: {  	s3 =	sld [smem:$0x3FFC];
	_ =	sdelay $0x3  }
0x94: {  	_ =	strace s3  }
0x95: {  	s3 =	sld [smem:$0x3FFD];
	_ =	sdelay $0x3  }
0x96: {  	_ =	strace s3  }
0x97: {  	_ =	strace $0x8FFFFFFF  }
0x98: {  	s19 =	sld [smem:$0x3FDB];
	_ =	sdelay $0x1  }
0x99: {  	s4 =	simm.s32 $_scs_section_size  }
0x9a: {  	s5 =	simm.s32 $_size__tile_overlayer_lowered;
	s6 =	simm.s32 $_tile_overlayer_lowered  }
0x9b: {  	s22 =	simm.s32 $0x1BFF;
	s21 =	sshll.u32 s6, $0x1;
	s3 =	sadd.s32 s4, s19  }
0x9c: {  	s7 =	simm.s32 $0x0;
	s20 =	sshll.u32 s5, $0x1;
	s5 =	sadd.s32 s21, s3  }
0x9d: {  	[timem:s7], [sflag:s22] =	dma.local [hbm:s5], s20  }
0x9e: {  	_ =	swait.ge [sflag:s22], s20  }
0x9f: {  	s4 =	ssub.s32 $0x0, s20;
	[sflag:s22] =	ssyncset.done $0x0  }
0xa0: {  	[sflag:s22] =	ssyncadd.s32 s4;
	_ =	sdelay $0x1  }
0xa1: {  	s23 =	simm.s32 $0x1B8B  }
0xa2: {  	_ =	swait.ge [sflag:s23], $0x1  }
0xa3: {  	[sflag:s23] =	ssyncset.done $0x0  }
0xa4: {  	s25 =	simm.s32 $0x1B8E;
	s24 =	sld [smem:$0x3FFE];
	[sflag:s23] =	ssyncadd.s32 $0xFFFFFFFF  }
0xa5: {  	s26 =	simm.s32 $execute0_lowered;
	[smem:$0x3FD2] =	sst s25  }
0xa6: {  	s5 =	sshll.u32 s26, $0x1;
	_ =	strace $0x80000046;
	[dreg:$0x1] =	wrdreg $0xFFFFFFFF  }
0xa7: {  	s28 =	simm.s32 $_size_execute0_lowered;
	s3 =	sadd.s32 s3, s5;
	[dreg:$0x0] =	wrdreg $0x0  }
0xa8: {  	s5 =	sshll.u32 s28, $0x1;
	[dreg:$0x2] =	wrdreg s3  }
0xa9: {  	[dreg:$0x3] =	wrdreg s5  }
0xaa: {  	[dreg:$0x4] =	wrdreg $0xC0  }
0xab: {  	_ =	task [dreg:s7], $0x5FFFF  }
0xac: {  	[dreg:$0x1] =	wrdreg $0xFFFFFFFF  }
0xad: {  	[dreg:$0x0] =	wrdreg $0x60  }
0xae: {  	[dreg:$0x2] =	wrdreg s2  }
0xaf: {  	[dreg:$0x3] =	wrdreg s24  }
0xb0: {  	[dreg:$0x4] =	wrdreg $0x2FD00  }
0xb1: {  	[dreg:$0x5] =	wrdreg $0x9  }
0xb2: {  	_ =	task.clear_ibuf [dreg:s7], $0x6FFFF;
	_ =	strace $0x90000046  }
0xb3: {  	s29 =	simm.s32 $0x9;
	_ =	strace $0x80000048  }
0xb4: {  	_ =	swait.ge [sflag:s29], $0x1  }
0xb5: {  	[sflag:s29] =	ssyncadd.s32 $0xFFFFFFFF  }
0xb6: {  	_ =	strace $0x90000048  }
0xb7: {  	_ =	sfence  }
0xb8: {  	s30 =	sld [smem:$0x0];
	_ =	sdelay $0x2  }
0xb9: {  	s31 =	sshll.u32 s1, $0xD;
	s1 =	sshrl.u32 s1, $0x2  }
0xba: {  	s3 =	sand.u32 $0x4000, s31;
	s1 =	sadd.s32 s1, s30  }
0xbb: {  	s0 =	sor.u32 s3, s0;
	s1 =	sshll.u32 s1, $0x11  }
0xbc: {  	s0 =	sor.u32 s1, s0  }
0xbd: {  	s0 =	sadd.s32 $0x8F2B, s0  }
0xbe: {  	[sflag:s0] =	ssyncadd.remote.s32 $0x1  }
0xbf: {  	_ =	sfence.sel $0xFFFF  }
0xc0: {  	[dreg:$0x0] =	wrdreg $0xFFFFFFFF;
	(pc) =	sbr.abs _section_cstart, $3  }
0xc1: {  	[dreg:$0x1] =	wrdreg $0xFFFFFFFF  }
0xc2: {  	_ =	task.clear_ibuf [dreg:s7], $0x2FFFF;
	_ =	strace $0x9FFFFFFF  }
0xc3: {  	(tm) =	ssettm $0x7FFFFFFF  }
tec
execute0_lowered:
.L_overlay_start_1:
0x0: {  	(tag) =	ssettag $0x1  }
0x1: {  	s1 =	rddreg [dreg:$0x0]  }
0x2: {  	s6 =	rddreg [dreg:$0x1]  }
0x3: {  	s3 =	rddreg [dreg:$0x2]  }
0x4: {  	s0 =	rddreg [dreg:$0x3]  }
0x5: {  	s4 =	srdreg.scid;
	s2 =	stileid.u32;
	s12 =	simm.s32 $0x2800  }
0x6: {  	s13 =	simm.s32 $0x7D;
	s14 =	simm.s32 $0x0;
	s5 =	sand.u32 $0x1, s4  }
0x7: {  	s7 =	sshll.u32 s2, $0x1;
	s8 =	smul.u32 $0x2800, s2;
	s4 =	simm.s32 $0x0  }
0x8: {  	s31 =	sshll.u32 s2, $0x6;
	s7 =	sor.u32 s5, s7;
	s9 =	smul.u32 $0x28000, s5  }
0x9: {  	[smem:$0x7FF] =	sst s4;
	s10 =	ssub.s32 $0x2, s5;
	s5 =	sadd.s32 $0x21A00, s6  }
0xa: {  	s7 =	smul.u32 $0x500, s7;
	_ =	strace $0x80000047;
	s9 =	sadd.s32 s8, s9  }
0xb: {  	s30 =	sshrl.u32 s10, $0x1;
	s11 =	sadd.s32 s8, s3;
	s9 =	sshrl.u32 s9, $0x3  }
0xc: {  	s10 =	ssub.s32 s10, s30;
	s7 =	sadd.s32 s7, s6;
	s9 =	sadd.s32 s9, s6  }
0xd: {  	s6 =	sor.u32 $0x1C01, s31;
	s7 =	sadd.s32 $0x17A00, s7;
	s8 =	sadd.s32 $0x22000, s9  }
0xe: {  	s9 =	smax.u32 s10, $0x1;
	s10 =	sshrl.u32 s11, $0x3;
	s11 =	simm.s32 $0x1  }
.LBB2_1:
0xf: {  	[spmem:s10], [sflag:s6] =	dma.local [hbm:s5], $0x500  }
0x10: {  	_ =	swait.ge [sflag:s11], $0x500  }
0x11: {  	[sflag:s11] =	ssyncset.done $0x0  }
0x12: {  	[sflag:s11] =	ssyncadd.s32 $0xFFFFFB00  }
0x13: {  	[tilespmem:s4], [sflag:$0x1] =	stream.linear.gather [hbm4b:s7+s4], $0x2800, $0x38;
	[tilespmem:$0x57D0] =	vst v63  }
0x14: {  	_ =	swait.ge [sflag:s11], $0x2800  }
0x15: {  	[sflag:s11] =	ssyncset.done $0x0  }
0x16: {  	[sflag:s11] =	ssyncadd.s32 $0xFFFFD800  }
0x17: {  	[tilespmem:s12], [sflag:$0x1] =	stream.linear.gather [hbm4b:s1+s4], $0x7D0, $0x38;
	[tilespmem:$0x57D0] =	vst v63  }
0x18: {  	_ =	swait.ge [sflag:s11], $0x7D0  }
0x19: {  	[sflag:s11] =	ssyncset.done $0x0  }
0x1a: {  	[sflag:s11] =	ssyncadd.s32 $0xFFFFF830  }
0x1b: {  	s15 =	simm.s32 $0x0;
	[bflag:$0x0] =	sbarrier.arrive $0xFFFF  }
0x1c: {  	[spmem:s3] =	stream.indirect.scatter.add.f32 [tilespmem:s12], [sflag:$0x1], $0x10, s15, s13, $0xb8;
	[tilespmem:$0x57D0] =	vst v63  }
0x1d: {  	_ =	swait.ge [sflag:s11], $0x7D0  }
0x1e: {  	s15 =	simm.s32 $0x200;
	[sflag:s11] =	ssyncset.done $0x0  }
.LBB2_2:
0x1f: {  	s16 =	sshra.s32 s15, $0x2;
	[sflag:s11] =	ssyncadd.s32 $0xFFFFF830;
	p0 =	sne.s32 s15, $0x9E00  }
0x20: {  	[spmem:s3] =	stream.indirect.scatter.add.f32 [tilespmem:s12], [sflag:$0x1], $0x10, s16, s13, $0xb8;
	[tilespmem:$0x57D0] =	vst v63  }
.Ltmp0:
0x21: {  	_ = 	snop;
	(pc) =	sbr.rel @p0 .LBB2_2-.Ltmp0, $4  }
0x22: {  	_ = 	snop  }
0x23: {  	s15 =	sadd.s32 $0x200, s15  }
0x24: {  	_ =	swait.ge [sflag:s11], $0x7D0  }
0x25: {  	[sflag:s11] =	ssyncset.done $0x0  }
0x26: {  	s14 =	sadd.s32 $0x1, s14  }
0x27: {  	[sflag:s11] =	ssyncadd.s32 $0xFFFFF830;
	p0 =	sne.s32 s14, s9  }
.Ltmp1:
0x28: {  	[bflag:$0x0] =	sbarrier.arrive $0xFFFF;
	(pc) =	sbr.rel @p0 .LBB2_1-.Ltmp1, $4  }
0x29: {  	[hbm:s8], [sflag:s6] =	dma.local [spmem:s10], $0x500  }
0x2a: {  	_ =	swait.ge [sflag:s11], $0x500  }
0x2b: {  	[sflag:s11] =	ssyncset.done $0x0  }
0x2c: {  	[sflag:s11] =	ssyncadd.s32 $0xFFFFFB00  }
0x2d: {  	_ =	sfence.sel $0x180000  }
0x2e: {  	[bflag:$0x0] =	sbarrier.arrive $0xFFFF  }
0x2f: {  	p0 =	sne.s32 s2, $0x0;
	_ =	strace $0x90000047  }
0x30: {  	s0 =	sadd.s32 @!p0 $0x100000, s0;
	[bflag:$0x2] =	sbarrier.arrive $0xFFFF  }
0x31: {  	[sflag:s0] =	ssyncadd.tile.s32 @!p0 $0x1;
	_ =	shalt  }
.Lfunc_end2:
_tile_overlayer_lowered:
.L_overlay_start_2:
0x32: {  	(tag) =	ssettag $0x2  }
0x33: {  	s0 =	rddreg [dreg:$0x0];
	s2 =	stileid.u32  }
0x34: {  	s1 =	rddreg [dreg:$0x1];
	p0 =	sne.s32 s2, $0x0  }
0x35: {  	s3 =	rddreg [dreg:$0x2];
	[bflag:$0x3] =	sbarrier.arrive $0xFFFF;
	s2 =	simm.s32 @!p0 $0x1C01  }
0x36: {  	[timem:s3], [sflag:s2] =	dma.local @!p0 [hbm:s0], s1  }
0x37: {  	s0 =	simm.s32 @!p0 $0x1  }
0x38: {  	_ =	swait.ge @!p0 [sflag:s0], s1  }
0x39: {  	s1 =	ssub.s32 @!p0 $0x0, s1;
	[sflag:s0] =	ssyncset.done @!p0 $0x0  }
0x3a: {  	[sflag:s0] =	ssyncadd.s32 @!p0 s1  }
0x3b: {  	[bflag:$0x3] =	sbarrier.arrive $0xFFFF  }
0x3c: {  	_ =	shalt  }

// kernel: kernel.13.cloned.1.call-start
scs
__scs_entry_jumppad:
0x0: {  	(pc) =	sbr.rel $0x88, $3  }
0x1: {  	(tag) =	ssettag $0x0;
	lr =	simm.s32 $0x1  }
0x2: {  	[smem:$0x3F95] =	sst lr;
	_ =	strace $0xD0000000  }
0x3: {  	_ = 	snop  }
0x4: {  	_ = 	snop  }
0x5: {  	_ = 	snop  }
0x6: {  	_ = 	snop  }
0x7: {  	_ = 	snop  }
__scs_overlays_trampoline_lowered:
0x8: {  	[smem:$0x3FA4] =	sst s0  }
0x9: {  	[smem:$0x3FA5] =	sst s1  }
0xa: {  	[smem:$0x3FA6] =	sst s2  }
0xb: {  	[smem:$0x3FA7] =	sst s3  }
0xc: {  	[smem:$0x3FA8] =	sst s4  }
0xd: {  	[smem:$0x3FA9] =	sst s5  }
0xe: {  	[smem:$0x3FAA] =	sst s6  }
0xf: {  	[smem:$0x3FAB] =	sst s7  }
0x10: {  	[smem:$0x3FAC] =	sst s8  }
0x11: {  	[smem:$0x3FAD] =	sst s9;
	s0 =	simm.s32 @!p0 $0x0  }
0x12: {  	s1 =	sld [smem:$0x3F93];
	s0 =	simm.s32 @p0 $0x1  }
0x13: {  	[smem:$0x3FAE] =	sst s0;
	s0 =	simm.s32 @!p1 $0x0  }
0x14: {  	s2 =	sld [smem:$0x3F92];
	s0 =	simm.s32 @p1 $0x1  }
0x15: {  	[smem:$0x3FAF] =	sst s0;
	s0 =	simm.s32 @!p2 $0x0  }
0x16: {  	s3 =	sld [smem:$0x3FDB];
	s0 =	simm.s32 @p2 $0x1  }
0x17: {  	s4 =	simm.s32 $0x1BF5;
	[smem:$0x3FB1] =	sst s0  }
0x18: {  	s0 =	sld [smem:$0x3F94];
	_ =	swait.ge [sflag:s4], $0x0  }
0x19: {  	s7 =	sld [smem:$0x3F95]  }
0x1a: {  	s8 =	sadd.s32 $0xFFFFE003, lr  }
0x1b: {  	s9 =	sadd.s32 $0xFFFFFEF7, lr;
	s5 =	simm.s32 $0xFFFFFFFF;
	p2 =	slt.u32 s8, $0xFFFFF086  }
0x1c: {  	p1 =	slt.u32 s9, $0xF7A;
	s5 =	simm.s32 @!p2 $0x0  }
0x1d: {  	s5 =	simm.s32 @p1 $0x1;
	p0 =	seq.s32 s7, s2  }
0x1e: {  	s7 =	smul.u32 @!p0 $0xF7A, s2;
	p2 =	seq.s32 @!p0 s5, $0x0  }
0x1f: {  	s9 =	smul.u32 $0xF7A, s1;
	s8 =	simm.s32 @!p0 $0x1BF5;
	p2 =	por !p2, p0  }
0x20: {  	[sflag:s8] =	ssyncset.s32 @!p0 $0xFFFFF086;
	s6 =	sadd.s32 @!p0 s3, s7;
	s7 =	simm.s32 @!p0 $0x108  }
0x21: {  	s3 =	sadd.s32 s3, s9;
	s6 =	sadd.s32 @!p0 $0x88, s6;
	s7 =	simm.s32 @p2 $0x1082  }
0x22: {  	[simem:s7], [sflag:s8] =	dma.local @!p0 [hbm:s6], $0xF7A  }
0x23: {  	s9 =	sor.u32 $0xD0000000, s2;
	s6 =	simm.s32 $0x108;
	_ =	swait.ge @!p0 [sflag:s8], $0x0  }
0x24: {  	s3 =	sadd.s32 $0x88, s3;
	s6 =	simm.s32 @!p1 $0x1082;
	[sflag:s4] =	ssyncset.s32 $0xFFFFF086  }
0x25: {  	[simem:s6], [sflag:s4] =	dma.local [hbm:s3], $0xF7A  }
0x26: {  	[smem:$0x3F95] =	sst s1;
	(tag) =	ssettag s2;
	_ =	strace s9  }
0x27: {  	s1 =	sld [smem:$0x3FA5]  }
0x28: {  	s2 =	sld [smem:$0x3FA6]  }
0x29: {  	s4 =	sld [smem:$0x3FA8]  }
0x2a: {  	p0 =	seq.s32 s5, $0x0;
	s5 =	sld [smem:$0x3FA9]  }
0x2b: {  	s6 =	sld [smem:$0x3FAA]  }
0x2c: {  	s7 =	sld [smem:$0x3FAB]  }
0x2d: {  	s3 =	simm.s32 $0x108;
	s8 =	sld [smem:$0x3FAC]  }
0x2e: {  	s3 =	simm.s32 @!p0 $0x1082;
	s9 =	sld [smem:$0x3FAD]  }
0x2f: {  	lr =	sadd.s32 s0, s3;
	s0 =	sld [smem:$0x3FA4]  }
0x30: {  	s3 =	sld [smem:$0x3FA7]  }
0x31: {  	[smem:$0x3FB0] =	sst s10  }
0x32: {  	s10 =	sld [smem:$0x3FAE];
	_ =	sdelay $0x3  }
0x33: {  	p0 =	seq.s32 s10, $0x1;
	s10 =	sld [smem:$0x3FB0];
	_ =	sdelay $0x3  }
0x34: {  	[smem:$0x3FB0] =	sst s10  }
0x35: {  	s10 =	sld [smem:$0x3FAF];
	_ =	sdelay $0x3  }
0x36: {  	p1 =	seq.s32 s10, $0x1;
	s10 =	sld [smem:$0x3FB0];
	_ =	sdelay $0x3  }
0x37: {  	[smem:$0x3FB0] =	sst s10  }
0x38: {  	s10 =	sld [smem:$0x3FB1]  }
0x39: {  	_ = 	snop;
	(pc) =	sbr.ind lr, $3  }
0x3a: {  	_ = 	snop  }
0x3b: {  	_ = 	snop  }
0x3c: {  	p2 =	seq.s32 s10, $0x1;
	s10 =	sld [smem:$0x3FB0]  }
0x3d: {  	_ =	shalt  }
0x3e: {  	_ =	shalt  }
0x3f: {  	_ =	shalt  }
0x40: {  	_ =	shalt  }
0x41: {  	_ =	shalt  }
0x42: {  	_ =	shalt  }
0x43: {  	_ =	shalt  }
0x44: {  	_ =	shalt  }
0x45: {  	_ =	shalt  }
0x46: {  	_ =	shalt  }
0x47: {  	_ =	shalt  }
0x48: {  	_ =	shalt  }
0x49: {  	_ =	shalt  }
0x4a: {  	_ =	shalt  }
0x4b: {  	_ =	shalt  }
0x4c: {  	_ =	shalt  }
0x4d: {  	_ =	shalt  }
0x4e: {  	_ =	shalt  }
0x4f: {  	_ =	shalt  }
0x50: {  	_ =	shalt  }
0x51: {  	_ =	shalt  }
0x52: {  	_ =	shalt  }
0x53: {  	_ =	shalt  }
0x54: {  	_ =	shalt  }
0x55: {  	_ =	shalt  }
0x56: {  	_ =	shalt  }
0x57: {  	_ =	shalt  }
0x58: {  	_ =	shalt  }
0x59: {  	_ =	shalt  }
0x5a: {  	_ =	shalt  }
0x5b: {  	_ =	shalt  }
0x5c: {  	_ =	shalt  }
0x5d: {  	_ =	shalt  }
0x5e: {  	_ =	shalt  }
0x5f: {  	_ =	shalt  }
0x60: {  	_ =	shalt  }
0x61: {  	_ =	shalt  }
0x62: {  	_ =	shalt  }
0x63: {  	_ =	shalt  }
0x64: {  	_ =	shalt  }
0x65: {  	_ =	shalt  }
0x66: {  	_ =	shalt  }
0x67: {  	_ =	shalt  }
0x68: {  	_ =	shalt  }
0x69: {  	_ =	shalt  }
0x6a: {  	_ =	shalt  }
0x6b: {  	_ =	shalt  }
0x6c: {  	_ =	shalt  }
0x6d: {  	_ =	shalt  }
0x6e: {  	_ =	shalt  }
0x6f: {  	_ =	shalt  }
0x70: {  	_ =	shalt  }
0x71: {  	_ =	shalt  }
0x72: {  	_ =	shalt  }
0x73: {  	_ =	shalt  }
0x74: {  	_ =	shalt  }
0x75: {  	_ =	shalt  }
0x76: {  	_ =	shalt  }
0x77: {  	_ =	shalt  }
0x78: {  	_ =	shalt  }
0x79: {  	_ =	shalt  }
0x7a: {  	_ =	shalt  }
0x7b: {  	_ =	shalt  }
0x7c: {  	_ =	shalt  }
0x7d: {  	_ =	shalt  }
0x7e: {  	_ =	shalt  }
0x7f: {  	_ =	shalt  }
0x80: {  	_ =	shalt  }
0x81: {  	_ =	shalt  }
0x82: {  	_ =	shalt  }
0x83: {  	_ =	shalt  }
0x84: {  	_ =	shalt  }
0x85: {  	_ =	shalt  }
0x86: {  	_ =	shalt  }
0x87: {  	_ =	shalt  }
.Lfunc_end0:
.L_simem_size_0:
called_computation.1_lowered:
.L_overlay_start_0:
0x88: {  	s2 =	sld [smem:$0x3FD9]  }
0x89: {  	s3 =	sld [smem:$0x3FFE];
	_ =	sdelay $0x1  }
0x8a: {  	s1 =	srdreg.scid  }
0x8b: {  	s0 =	sand.u32 $0x1, s1  }
0x8c: {  	s17 =	sshll.u32 s0, $0xA;
	s2 =	sadd.s32 s3, s2  }
0x8d: {  	s2 =	sadd.s32 s2, s17  }
0x8e: {  	[smem:$0x3FBC] =	sst s2  }
0x8f: {  	_ = 	snop  }
0x90: {  	s2 =	sld [smem:$0x3FD0];
	(tm) =	ssettm $0x1  }
0x91: {  	s18 =	sld [smem:$0x3FFB];
	_ =	sdelay $0x3  }
0x92: {  	_ =	strace s18  }
0x93: {  	s3 =	sld [smem:$0x3FFC];
	_ =	sdelay $0x3  }
0x94: {  	_ =	strace s3  }
0x95: {  	s3 =	sld [smem:$0x3FFD];
	_ =	sdelay $0x3  }
0x96: {  	_ =	strace s3  }
0x97: {  	_ =	strace $0x8FFFFFFF  }
0x98: {  	s19 =	sld [smem:$0x3FDB];
	_ =	sdelay $0x1  }
0x99: {  	s4 =	simm.s32 $_scs_section_size  }
0x9a: {  	s5 =	simm.s32 $_size__tile_overlayer_lowered;
	s6 =	simm.s32 $_tile_overlayer_lowered  }
0x9b: {  	s22 =	simm.s32 $0x1BFF;
	s21 =	sshll.u32 s6, $0x1;
	s3 =	sadd.s32 s4, s19  }
0x9c: {  	s7 =	simm.s32 $0x0;
	s20 =	sshll.u32 s5, $0x1;
	s5 =	sadd.s32 s21, s3  }
0x9d: {  	[timem:s7], [sflag:s22] =	dma.local [hbm:s5], s20  }
0x9e: {  	_ =	swait.ge [sflag:s22], s20  }
0x9f: {  	s4 =	ssub.s32 $0x0, s20;
	[sflag:s22] =	ssyncset.done $0x0  }
0xa0: {  	[sflag:s22] =	ssyncadd.s32 s4;
	_ =	sdelay $0x1  }
0xa1: {  	s23 =	simm.s32 $0x1B8B  }
0xa2: {  	_ =	swait.ge [sflag:s23], $0x1  }
0xa3: {  	[sflag:s23] =	ssyncset.done $0x0  }
0xa4: {  	s25 =	simm.s32 $0x1B8E;
	s24 =	sld [smem:$0x3FFE];
	[sflag:s23] =	ssyncadd.s32 $0xFFFFFFFF  }
0xa5: {  	s26 =	simm.s32 $execute0_lowered;
	[smem:$0x3FD2] =	sst s25  }
0xa6: {  	s5 =	sshll.u32 s26, $0x1;
	_ =	strace $0x80000049;
	[dreg:$0x1] =	wrdreg $0xFFFFFFFF  }
0xa7: {  	s28 =	simm.s32 $_size_execute0_lowered;
	s3 =	sadd.s32 s3, s5;
	[dreg:$0x0] =	wrdreg $0x0  }
0xa8: {  	s5 =	sshll.u32 s28, $0x1;
	[dreg:$0x2] =	wrdreg s3  }
0xa9: {  	[dreg:$0x3] =	wrdreg s5  }
0xaa: {  	[dreg:$0x4] =	wrdreg $0xC0  }
0xab: {  	_ =	task [dreg:s7], $0x5FFFF  }
0xac: {  	[dreg:$0x1] =	wrdreg $0xFFFFFFFF  }
0xad: {  	[dreg:$0x0] =	wrdreg $0x60  }
0xae: {  	[dreg:$0x2] =	wrdreg s24  }
0xaf: {  	[dreg:$0x3] =	wrdreg s2  }
0xb0: {  	[dreg:$0x4] =	wrdreg $0xB2200  }
0xb1: {  	[dreg:$0x5] =	wrdreg $0x9  }
0xb2: {  	_ =	task.clear_ibuf [dreg:s7], $0x6FFFF;
	_ =	strace $0x90000049  }
0xb3: {  	s29 =	simm.s32 $0x9;
	_ =	strace $0x8000004B  }
0xb4: {  	_ =	swait.ge [sflag:s29], $0x1  }
0xb5: {  	[sflag:s29] =	ssyncadd.s32 $0xFFFFFFFF  }
0xb6: {  	_ =	strace $0x9000004B  }
0xb7: {  	_ =	sfence  }
0xb8: {  	s30 =	sld [smem:$0x0];
	_ =	sdelay $0x2  }
0xb9: {  	s31 =	sshll.u32 s1, $0xD;
	s1 =	sshrl.u32 s1, $0x2  }
0xba: {  	s3 =	sand.u32 $0x4000, s31;
	s1 =	sadd.s32 s1, s30  }
0xbb: {  	s0 =	sor.u32 s3, s0;
	s1 =	sshll.u32 s1, $0x11  }
0xbc: {  	s0 =	sor.u32 s1, s0  }
0xbd: {  	s0 =	sadd.s32 $0x8F2B, s0  }
0xbe: {  	[sflag:s0] =	ssyncadd.remote.s32 $0x1  }
0xbf: {  	_ =	sfence.sel $0xFFFF  }
0xc0: {  	[dreg:$0x0] =	wrdreg $0xFFFFFFFF;
	(pc) =	sbr.abs _section_cstart, $3  }
0xc1: {  	[dreg:$0x1] =	wrdreg $0xFFFFFFFF  }
0xc2: {  	_ =	task.clear_ibuf [dreg:s7], $0x2FFFF;
	_ =	strace $0x9FFFFFFF  }
0xc3: {  	(tm) =	ssettm $0x7FFFFFFF  }
tec
execute0_lowered:
.L_overlay_start_1:
0x0: {  	(tag) =	ssettag $0x1  }
0x1: {  	s0 =	rddreg [dreg:$0x0]  }
0x2: {  	s3 =	rddreg [dreg:$0x2];
	s4 =	simm.s32 $0x0  }
0x3: {  	s1 =	srdreg.scid;
	s15 =	stileid.u32;
	s10 =	simm.s32 $0xB  }
0x4: {  	s11 =	simm.s32 $0x2710;
	s12 =	simm.s32 $0x28;
	s13 =	simm.s32 $0x4E20  }
0x5: {  	s14 =	simm.s32 $0x6220;
	s16 =	simm.s32 $0x7620;
	s18 =	simm.s32 $0x8A20  }
0x6: {  	s22 =	simm.s32 $0x9E20;
	s23 =	simm.s32 $0x1;
	s24 =	simm.s32 $0x6  }
0x7: {  	s29 =	simm.s32 $0x7;
	s31 =	simm.s32 $0x3;
	s21 =	simm.s32 $0x9  }
0x8: {  	s28 =	simm.s32 $0x5;
	s25 =	simm.s32 $0x0;
	s1 =	sand.u32 $0x1, s1  }
0x9: {  	s2 =	sshll.u32 s15, $0x1;
	s8 =	smul.u32 $0x14000, s15;
	[smem:$0x7FF] =	sst s4  }
0xa: {  	s5 =	sadd.s32 $0x22000, s0;
	s30 =	sshll.u32 s15, $0x6;
	s15 =	simm.s32 $0x4  }
0xb: {  	s2 =	sor.u32 s1, s2;
	s6 =	smul.u32 $0x140000, s1;
	_ =	strace $0x8000004A  }
0xc: {  	s1 =	ssub.s32 $0x2, s1;
	s19 =	sor.u32 $0x1C0B, s30;
	s2 =	smul.u32 $0x4E2, s2  }
0xd: {  	s7 =	sshrl.u32 s1, $0x1;
	s26 =	sadd.s32 s8, s3;
	s6 =	sadd.s32 s8, s6  }
0xe: {  	s1 =	ssub.s32 s1, s7;
	s20 =	sshrl.u32 s26, $0x3;
	s26 =	simm.s32 $0x2  }
0xf: {  	s2 =	sadd.s32 s2, s0;
	s6 =	sshrl.u32 s6, $0x3;
	s9 =	smax.u32 s1, $0x1  }
0x10: {  	s0 =	sadd.s32 s6, s0;
	s6 =	sadd.s32 $0x3E00, s2;
	s7 =	sadd.s32 $0xDC00, s2  }
0x11: {  	s2 =	simm.s32 $0x8;
	s8 =	sadd.s32 $0x49200, s0;
	s0 =	simm.s32 $0xA  }
.LBB2_1:
0x12: {  	[tilespmem:s4], [sflag:$0xB] =	stream.linear.gather [hbm4b:s6+s4], $0x2710, $0x38;
	[tilespmem:$0x1F220] =	vst v63  }
0x13: {  	_ =	swait.ge [sflag:s10], $0x2710  }
0x14: {  	[sflag:s10] =	ssyncset.done $0x0  }
0x15: {  	[sflag:s10] =	ssyncadd.s32 $0xFFFFD8F0  }
0x16: {  	[tilespmem:s11], [sflag:$0xB] =	stream.linear.gather [hbm4b:s7+s4], $0x2710, $0x38;
	[tilespmem:$0x1F220] =	vst v63  }
0x17: {  	_ =	swait.ge [sflag:s10], $0x2710  }
0x18: {  	[sflag:s10] =	ssyncset.done $0x0  }
0x19: {  	[sflag:s10] =	ssyncadd.s32 $0xFFFFD8F0  }
0x1a: {  	[tilespmem:s13], [sflag:$0x1] =	stream.indirect.gather [hbm4b:s5+s12], $0x80, s4, s12, $0xb8;
	[tilespmem:$0x1F220] =	vst v63  }
0x1b: {  	_ = 	snop  }
0x1c: {  	[tilespmem:s14], [sflag:$0x2] =	stream.indirect.gather [hbm4b:s5+s12], $0x80, s12, s12, $0xb8;
	[tilespmem:$0x1F220] =	vst v63  }
0x1d: {  	s1 =	simm.s32 $0x50  }
0x1e: {  	[tilespmem:s16], [sflag:$0x3] =	stream.indirect.gather [hbm4b:s5+s12], $0x80, s1, s12, $0xb8;
	[tilespmem:$0x1F220] =	vst v63  }
0x1f: {  	s17 =	simm.s32 $0x78  }
0x20: {  	[tilespmem:s18], [sflag:$0x4] =	stream.indirect.gather [hbm4b:s5+s12], $0x80, s17, s12, $0xb8;
	[tilespmem:$0x1F220] =	vst v63  }
0x21: {  	s17 =	rddreg [dreg:$0x1]  }
0x22: {  	[spmem:s20], [sflag:s19] =	dma.local [hbm:s17], $0x2800  }
0x23: {  	_ =	swait.ge [sflag:s10], $0x2800  }
0x24: {  	[sflag:s10] =	ssyncset.done $0x0  }
0x25: {  	[sflag:s10] =	ssyncadd.s32 $0xFFFFD800  }
0x26: {  	s17 =	simm.s32 $0xA0;
	[bflag:$0x0] =	sbarrier.arrive $0xFFFF  }
0x27: {  	[tilespmem:s22], [sflag:$0x5] =	stream.indirect.gather [hbm4b:s5+s12], $0x80, s17, s12, $0xb8;
	[tilespmem:$0x1F220] =	vst v63  }
0x28: {  	_ =	swait.ge [sflag:s23], $0x1400  }
0x29: {  	[sflag:s23] =	ssyncset.done $0x0  }
0x2a: {  	[sflag:s23] =	ssyncadd.s32 $0xFFFFEC00  }
0x2b: {  	[spmem:s3] =	stream.indirect.scatter.add.f32 [tilespmem:s13], [sflag:$0x6], $0x80, s11, s12, $0xb8;
	[tilespmem:$0x1F220] =	vst v63  }
0x2c: {  	_ =	swait.ge [sflag:s24], $0x1400  }
0x2d: {  	[sflag:s24] =	ssyncset.done $0x0  }
0x2e: {  	s17 =	simm.s32 $0xC8;
	[sflag:s24] =	ssyncadd.s32 $0xFFFFEC00  }
0x2f: {  	[tilespmem:s13], [sflag:$0x1] =	stream.indirect.gather [hbm4b:s5+s12], $0x80, s17, s12, $0xb8;
	[tilespmem:$0x1F220] =	vst v63  }
0x30: {  	_ =	swait.ge [sflag:s26], $0x1400  }
0x31: {  	[sflag:s26] =	ssyncset.done $0x0  }
0x32: {  	s17 =	simm.s32 $0x2738;
	[sflag:s26] =	ssyncadd.s32 $0xFFFFEC00  }
0x33: {  	[spmem:s3] =	stream.indirect.scatter.add.f32 [tilespmem:s14], [sflag:$0x7], $0x80, s17, s12, $0xb8;
	[tilespmem:$0x1F220] =	vst v63  }
0x34: {  	_ =	swait.ge [sflag:s29], $0x1400  }
0x35: {  	[sflag:s29] =	ssyncset.done $0x0  }
0x36: {  	s17 =	simm.s32 $0xF0;
	[sflag:s29] =	ssyncadd.s32 $0xFFFFEC00  }
0x37: {  	[tilespmem:s14], [sflag:$0x2] =	stream.indirect.gather [hbm4b:s5+s12], $0x80, s17, s12, $0xb8;
	[tilespmem:$0x1F220] =	vst v63  }
0x38: {  	_ =	swait.ge [sflag:s31], $0x1400  }
0x39: {  	[sflag:s31] =	ssyncset.done $0x0  }
0x3a: {  	s17 =	simm.s32 $0x2760;
	[sflag:s31] =	ssyncadd.s32 $0xFFFFEC00  }
0x3b: {  	[spmem:s3] =	stream.indirect.scatter.add.f32 [tilespmem:s16], [sflag:$0x8], $0x80, s17, s12, $0xb8;
	[tilespmem:$0x1F220] =	vst v63  }
0x3c: {  	_ =	swait.ge [sflag:s2], $0x1400  }
0x3d: {  	[sflag:s2] =	ssyncset.done $0x0  }
0x3e: {  	s17 =	simm.s32 $0x118;
	[sflag:s2] =	ssyncadd.s32 $0xFFFFEC00  }
0x3f: {  	[tilespmem:s16], [sflag:$0x3] =	stream.indirect.gather [hbm4b:s5+s12], $0x80, s17, s12, $0xb8;
	[tilespmem:$0x1F220] =	vst v63  }
0x40: {  	_ =	swait.ge [sflag:s15], $0x1400  }
0x41: {  	[sflag:s15] =	ssyncset.done $0x0  }
0x42: {  	s17 =	simm.s32 $0x2788;
	[sflag:s15] =	ssyncadd.s32 $0xFFFFEC00  }
0x43: {  	[spmem:s3] =	stream.indirect.scatter.add.f32 [tilespmem:s18], [sflag:$0x9], $0x80, s17, s12, $0xb8;
	[tilespmem:$0x1F220] =	vst v63  }
0x44: {  	_ =	swait.ge [sflag:s21], $0x1400  }
0x45: {  	[sflag:s21] =	ssyncset.done $0x0  }
0x46: {  	s17 =	simm.s32 $0x140;
	[sflag:s21] =	ssyncadd.s32 $0xFFFFEC00  }
0x47: {  	[tilespmem:s18], [sflag:$0x4] =	stream.indirect.gather [hbm4b:s5+s12], $0x80, s17, s12, $0xb8;
	[tilespmem:$0x1F220] =	vst v63  }
0x48: {  	_ =	swait.ge [sflag:s28], $0x1400  }
0x49: {  	[sflag:s28] =	ssyncset.done $0x0  }
0x4a: {  	s17 =	simm.s32 $0x27B0;
	[sflag:s28] =	ssyncadd.s32 $0xFFFFEC00  }
0x4b: {  	[spmem:s3] =	stream.indirect.scatter.add.f32 [tilespmem:s22], [sflag:$0xA], $0x80, s17, s12, $0xb8;
	[tilespmem:$0x1F220] =	vst v63  }
0x4c: {  	_ =	swait.ge [sflag:s0], $0x1400  }
0x4d: {  	[sflag:s0] =	ssyncset.done $0x0  }
0x4e: {  	s17 =	simm.s32 $0x168;
	[sflag:s0] =	ssyncadd.s32 $0xFFFFEC00  }
0x4f: {  	[tilespmem:s22], [sflag:$0x5] =	stream.indirect.gather [hbm4b:s5+s12], $0x80, s17, s12, $0xb8;
	[tilespmem:$0x1F220] =	vst v63  }
0x50: {  	_ =	swait.ge [sflag:s23], $0x1400  }
0x51: {  	[sflag:s23] =	ssyncset.done $0x0  }
0x52: {  	s17 =	simm.s32 $0x27D8;
	[sflag:s23] =	ssyncadd.s32 $0xFFFFEC00  }
0x53: {  	[spmem:s3] =	stream.indirect.scatter.add.f32 [tilespmem:s13], [sflag:$0x6], $0x80, s17, s12, $0xb8;
	[tilespmem:$0x1F220] =	vst v63  }
0x54: {  	_ =	swait.ge [sflag:s24], $0x1400  }
0x55: {  	[sflag:s24] =	ssyncset.done $0x0  }
0x56: {  	s17 =	simm.s32 $0x190;
	[sflag:s24] =	ssyncadd.s32 $0xFFFFEC00  }
0x57: {  	[tilespmem:s13], [sflag:$0x1] =	stream.indirect.gather [hbm4b:s5+s12], $0x80, s17, s12, $0xb8;
	[tilespmem:$0x1F220] =	vst v63  }
0x58: {  	_ =	swait.ge [sflag:s26], $0x1400  }
0x59: {  	[sflag:s26] =	ssyncset.done $0x0  }
0x5a: {  	s17 =	simm.s32 $0x2800;
	[sflag:s26] =	ssyncadd.s32 $0xFFFFEC00  }
0x5b: {  	[spmem:s3] =	stream.indirect.scatter.add.f32 [tilespmem:s14], [sflag:$0x7], $0x80, s17, s12, $0xb8;
	[tilespmem:$0x1F220] =	vst v63  }
0x5c: {  	_ =	swait.ge [sflag:s29], $0x1400  }
0x5d: {  	[sflag:s29] =	ssyncset.done $0x0  }
0x5e: {  	s17 =	simm.s32 $0x1B8;
	[sflag:s29] =	ssyncadd.s32 $0xFFFFEC00  }
0x5f: {  	[tilespmem:s14], [sflag:$0x2] =	stream.indirect.gather [hbm4b:s5+s12], $0x80, s17, s12, $0xb8;
	[tilespmem:$0x1F220] =	vst v63  }
0x60: {  	_ =	swait.ge [sflag:s31], $0x1400  }
0x61: {  	[sflag:s31] =	ssyncset.done $0x0  }
0x62: {  	s17 =	simm.s32 $0x2828;
	[sflag:s31] =	ssyncadd.s32 $0xFFFFEC00  }
0x63: {  	[spmem:s3] =	stream.indirect.scatter.add.f32 [tilespmem:s16], [sflag:$0x8], $0x80, s17, s12, $0xb8;
	[tilespmem:$0x1F220] =	vst v63  }
0x64: {  	_ =	swait.ge [sflag:s2], $0x1400  }
0x65: {  	[sflag:s2] =	ssyncset.done $0x0  }
0x66: {  	s17 =	simm.s32 $0x1E0;
	[sflag:s2] =	ssyncadd.s32 $0xFFFFEC00  }
0x67: {  	[tilespmem:s16], [sflag:$0x3] =	stream.indirect.gather [hbm4b:s5+s12], $0x80, s17, s12, $0xb8;
	[tilespmem:$0x1F220] =	vst v63  }
0x68: {  	_ =	swait.ge [sflag:s15], $0x1400  }
0x69: {  	[sflag:s15] =	ssyncset.done $0x0  }
0x6a: {  	s17 =	simm.s32 $0x2850;
	[sflag:s15] =	ssyncadd.s32 $0xFFFFEC00  }
0x6b: {  	[spmem:s3] =	stream.indirect.scatter.add.f32 [tilespmem:s18], [sflag:$0x9], $0x80, s17, s12, $0xb8;
	[tilespmem:$0x1F220] =	vst v63  }
0x6c: {  	_ =	swait.ge [sflag:s21], $0x1400  }
0x6d: {  	[sflag:s21] =	ssyncset.done $0x0  }
0x6e: {  	s17 =	simm.s32 $0x208;
	[sflag:s21] =	ssyncadd.s32 $0xFFFFEC00  }
0x6f: {  	[tilespmem:s18], [sflag:$0x4] =	stream.indirect.gather [hbm4b:s5+s12], $0x80, s17, s12, $0xb8;
	[tilespmem:$0x1F220] =	vst v63  }
0x70: {  	_ =	swait.ge [sflag:s28], $0x1400  }
0x71: {  	[sflag:s28] =	ssyncset.done $0x0  }
0x72: {  	s30 =	simm.s32 $0x320;
	s1 =	simm.s32 $0x2878;
	[sflag:s28] =	ssyncadd.s32 $0xFFFFEC00  }
.LBB2_2:
0x73: {  	[spmem:s3] =	stream.indirect.scatter.add.f32 [tilespmem:s22], [sflag:$0xA], $0x80, s1, s12, $0xb8;
	[tilespmem:$0x1F220] =	vst v63  }
0x74: {  	s1 =	smov.u32 s30;
	s30 =	sadd.s32 $0x320, s30;
	_ =	swait.ge [sflag:s0], $0x1400  }
0x75: {  	s1 =	sshra.s32 s1, $0x2;
	p0 =	sne.s32 s30, $0x9600;
	[sflag:s0] =	ssyncset.done $0x0  }
0x76: {  	s17 =	sadd.s32 $0x168, s1;
	[sflag:s0] =	ssyncadd.s32 $0xFFFFEC00  }
0x77: {  	[tilespmem:s22], [sflag:$0x5] =	stream.indirect.gather [hbm4b:s5+s12], $0x80, s17, s12, $0xb8;
	[tilespmem:$0x1F220] =	vst v63  }
0x78: {  	_ =	swait.ge [sflag:s23], $0x1400  }
0x79: {  	[sflag:s23] =	ssyncset.done $0x0  }
0x7a: {  	s17 =	sadd.s32 $0x27D8, s1;
	[sflag:s23] =	ssyncadd.s32 $0xFFFFEC00  }
0x7b: {  	[spmem:s3] =	stream.indirect.scatter.add.f32 [tilespmem:s13], [sflag:$0x6], $0x80, s17, s12, $0xb8;
	[tilespmem:$0x1F220] =	vst v63  }
0x7c: {  	_ =	swait.ge [sflag:s24], $0x1400  }
0x7d: {  	[sflag:s24] =	ssyncset.done $0x0  }
0x7e: {  	s17 =	sadd.s32 $0x190, s1;
	[sflag:s24] =	ssyncadd.s32 $0xFFFFEC00  }
0x7f: {  	[tilespmem:s13], [sflag:$0x1] =	stream.indirect.gather [hbm4b:s5+s12], $0x80, s17, s12, $0xb8;
	[tilespmem:$0x1F220] =	vst v63  }
0x80: {  	_ =	swait.ge [sflag:s26], $0x1400  }
0x81: {  	[sflag:s26] =	ssyncset.done $0x0  }
0x82: {  	s17 =	sadd.s32 $0x2800, s1;
	[sflag:s26] =	ssyncadd.s32 $0xFFFFEC00  }
0x83: {  	[spmem:s3] =	stream.indirect.scatter.add.f32 [tilespmem:s14], [sflag:$0x7], $0x80, s17, s12, $0xb8;
	[tilespmem:$0x1F220] =	vst v63  }
0x84: {  	_ =	swait.ge [sflag:s29], $0x1400  }
0x85: {  	[sflag:s29] =	ssyncset.done $0x0  }
0x86: {  	s17 =	sadd.s32 $0x1B8, s1;
	[sflag:s29] =	ssyncadd.s32 $0xFFFFEC00  }
0x87: {  	[tilespmem:s14], [sflag:$0x2] =	stream.indirect.gather [hbm4b:s5+s12], $0x80, s17, s12, $0xb8;
	[tilespmem:$0x1F220] =	vst v63  }
0x88: {  	_ =	swait.ge [sflag:s31], $0x1400  }
0x89: {  	[sflag:s31] =	ssyncset.done $0x0  }
0x8a: {  	s17 =	sadd.s32 $0x2828, s1;
	[sflag:s31] =	ssyncadd.s32 $0xFFFFEC00  }
0x8b: {  	[spmem:s3] =	stream.indirect.scatter.add.f32 [tilespmem:s16], [sflag:$0x8], $0x80, s17, s12, $0xb8;
	[tilespmem:$0x1F220] =	vst v63  }
0x8c: {  	_ =	swait.ge [sflag:s2], $0x1400  }
0x8d: {  	[sflag:s2] =	ssyncset.done $0x0  }
0x8e: {  	s17 =	sadd.s32 $0x1E0, s1;
	[sflag:s2] =	ssyncadd.s32 $0xFFFFEC00  }
0x8f: {  	[tilespmem:s16], [sflag:$0x3] =	stream.indirect.gather [hbm4b:s5+s12], $0x80, s17, s12, $0xb8;
	[tilespmem:$0x1F220] =	vst v63  }
0x90: {  	_ =	swait.ge [sflag:s15], $0x1400  }
0x91: {  	[sflag:s15] =	ssyncset.done $0x0  }
0x92: {  	s17 =	sadd.s32 $0x2850, s1;
	[sflag:s15] =	ssyncadd.s32 $0xFFFFEC00  }
0x93: {  	[spmem:s3] =	stream.indirect.scatter.add.f32 [tilespmem:s18], [sflag:$0x9], $0x80, s17, s12, $0xb8;
	[tilespmem:$0x1F220] =	vst v63  }
0x94: {  	_ =	swait.ge [sflag:s21], $0x1400  }
0x95: {  	[sflag:s21] =	ssyncset.done $0x0  }
.Ltmp0:
0x96: {  	s17 =	sadd.s32 $0x208, s1;
	[sflag:s21] =	ssyncadd.s32 $0xFFFFEC00;
	(pc) =	sbr.rel @p0 .LBB2_2-.Ltmp0, $4  }
0x97: {  	[tilespmem:s18], [sflag:$0x4] =	stream.indirect.gather [hbm4b:s5+s12], $0x80, s17, s12, $0xb8;
	[tilespmem:$0x1F220] =	vst v63  }
0x98: {  	_ =	swait.ge [sflag:s28], $0x1400  }
0x99: {  	[sflag:s28] =	ssyncset.done $0x0  }
0x9a: {  	s1 =	sadd.s32 $0x2878, s1;
	[sflag:s28] =	ssyncadd.s32 $0xFFFFEC00  }
0x9b: {  	[spmem:s3] =	stream.indirect.scatter.add.f32 [tilespmem:s22], [sflag:$0xA], $0x80, s1, s12, $0xb8;
	[tilespmem:$0x1F220] =	vst v63  }
0x9c: {  	_ =	swait.ge [sflag:s0], $0x1400  }
0x9d: {  	[sflag:s0] =	ssyncset.done $0x0  }
0x9e: {  	s17 =	simm.s32 $0x26E8;
	[sflag:s0] =	ssyncadd.s32 $0xFFFFEC00  }
0x9f: {  	[tilespmem:s22], [sflag:$0x5] =	stream.indirect.gather [hbm4b:s5+s12], $0x80, s17, s12, $0xb8;
	[tilespmem:$0x1F220] =	vst v63  }
0xa0: {  	_ =	swait.ge [sflag:s23], $0x1400  }
0xa1: {  	s1 =	sshra.s32 s30, $0x2;
	[sflag:s23] =	ssyncset.done $0x0  }
0xa2: {  	s17 =	sadd.s32 $0x27D8, s1;
	[sflag:s23] =	ssyncadd.s32 $0xFFFFEC00  }
0xa3: {  	[spmem:s3] =	stream.indirect.scatter.add.f32 [tilespmem:s13], [sflag:$0x6], $0x80, s17, s12, $0xb8;
	[tilespmem:$0x1F220] =	vst v63  }
0xa4: {  	_ =	swait.ge [sflag:s26], $0x1400  }
0xa5: {  	[sflag:s26] =	ssyncset.done $0x0  }
0xa6: {  	s30 =	sadd.s32 $0x2800, s1;
	[sflag:s26] =	ssyncadd.s32 $0xFFFFEC00  }
0xa7: {  	[spmem:s3] =	stream.indirect.scatter.add.f32 [tilespmem:s14], [sflag:$0x7], $0x80, s30, s12, $0xb8;
	[tilespmem:$0x1F220] =	vst v63  }
0xa8: {  	_ =	swait.ge [sflag:s31], $0x1400  }
0xa9: {  	[sflag:s31] =	ssyncset.done $0x0  }
0xaa: {  	s30 =	sadd.s32 $0x2828, s1;
	[sflag:s31] =	ssyncadd.s32 $0xFFFFEC00  }
0xab: {  	[spmem:s3] =	stream.indirect.scatter.add.f32 [tilespmem:s16], [sflag:$0x8], $0x80, s30, s12, $0xb8;
	[tilespmem:$0x1F220] =	vst v63  }
0xac: {  	_ =	swait.ge [sflag:s15], $0x1400  }
0xad: {  	[sflag:s15] =	ssyncset.done $0x0  }
0xae: {  	s1 =	sadd.s32 $0x2850, s1;
	[sflag:s15] =	ssyncadd.s32 $0xFFFFEC00  }
0xaf: {  	[spmem:s3] =	stream.indirect.scatter.add.f32 [tilespmem:s18], [sflag:$0x9], $0x80, s1, s12, $0xb8;
	[tilespmem:$0x1F220] =	vst v63  }
0xb0: {  	_ =	swait.ge [sflag:s28], $0x1400  }
0xb1: {  	[sflag:s28] =	ssyncset.done $0x0  }
0xb2: {  	s30 =	simm.s32 $0x4DF8;
	[sflag:s28] =	ssyncadd.s32 $0xFFFFEC00  }
0xb3: {  	[spmem:s3] =	stream.indirect.scatter.add.f32 [tilespmem:s22], [sflag:$0xA], $0x80, s30, s12, $0xb8;
	[tilespmem:$0x1F220] =	vst v63  }
0xb4: {  	_ =	swait.ge [sflag:s24], $0x1400  }
0xb5: {  	[sflag:s24] =	ssyncset.done $0x0  }
0xb6: {  	[sflag:s24] =	ssyncadd.s32 $0xFFFFEC00  }
0xb7: {  	_ =	swait.ge [sflag:s29], $0x1400  }
0xb8: {  	[sflag:s29] =	ssyncset.done $0x0  }
0xb9: {  	[sflag:s29] =	ssyncadd.s32 $0xFFFFEC00  }
0xba: {  	_ =	swait.ge [sflag:s2], $0x1400  }
0xbb: {  	[sflag:s2] =	ssyncset.done $0x0  }
0xbc: {  	[sflag:s2] =	ssyncadd.s32 $0xFFFFEC00  }
0xbd: {  	_ =	swait.ge [sflag:s21], $0x1400  }
0xbe: {  	[sflag:s21] =	ssyncset.done $0x0  }
0xbf: {  	[sflag:s21] =	ssyncadd.s32 $0xFFFFEC00  }
0xc0: {  	_ =	swait.ge [sflag:s0], $0x1400  }
0xc1: {  	s25 =	sadd.s32 $0x1, s25;
	[sflag:s0] =	ssyncset.done $0x0  }
0xc2: {  	p0 =	sne.s32 s25, s9;
	[sflag:s0] =	ssyncadd.s32 $0xFFFFEC00  }
.Ltmp1:
0xc3: {  	[bflag:$0x0] =	sbarrier.arrive $0xFFFF;
	(pc) =	sbr.rel @p0 .LBB2_1-.Ltmp1, $4  }
0xc4: {  	[hbm:s8], [sflag:s19] =	dma.local [spmem:s20], $0x2800  }
0xc5: {  	_ =	swait.ge [sflag:s10], $0x2800  }
0xc6: {  	[sflag:s10] =	ssyncset.done $0x0  }
0xc7: {  	[sflag:s10] =	ssyncadd.s32 $0xFFFFD800  }
0xc8: {  	_ =	sfence.sel $0x180000  }
0xc9: {  	[bflag:$0x0] =	sbarrier.arrive $0xFFFF  }
0xca: {  	_ =	strace $0x9000004A  }
0xcb: {  	s0 =	stileid.u32;
	[bflag:$0x2] =	sbarrier.arrive $0xFFFF  }
0xcc: {  	p0 =	sne.s32 s0, $0x0;
	s0 =	rddreg [dreg:$0x3]  }
0xcd: {  	s0 =	sadd.s32 @!p0 $0x100000, s0  }
0xce: {  	[sflag:s0] =	ssyncadd.tile.s32 @!p0 $0x1;
	_ =	shalt  }
.Lfunc_end2:
_tile_overlayer_lowered:
.L_overlay_start_2:
0xcf: {  	(tag) =	ssettag $0x2  }
0xd0: {  	s0 =	rddreg [dreg:$0x0];
	s2 =	stileid.u32  }
0xd1: {  	s1 =	rddreg [dreg:$0x1];
	p0 =	sne.s32 s2, $0x0  }
0xd2: {  	s3 =	rddreg [dreg:$0x2];
	[bflag:$0x3] =	sbarrier.arrive $0xFFFF;
	s2 =	simm.s32 @!p0 $0x1C0B  }
0xd3: {  	[timem:s3], [sflag:s2] =	dma.local @!p0 [hbm:s0], s1  }
0xd4: {  	s0 =	simm.s32 @!p0 $0xB  }
0xd5: {  	_ =	swait.ge @!p0 [sflag:s0], s1  }
0xd6: {  	s1 =	ssub.s32 @!p0 $0x0, s1;
	[sflag:s0] =	ssyncset.done @!p0 $0x0  }
0xd7: {  	[sflag:s0] =	ssyncadd.s32 @!p0 s1  }
0xd8: {  	[bflag:$0x3] =	sbarrier.arrive $0xFFFF  }
0xd9: {  	_ =	shalt  }

// kernel: kernel.16.cloned.1.call-start
scs
__scs_entry_jumppad:
0x0: {  	(pc) =	sbr.rel $0x88, $3  }
0x1: {  	(tag) =	ssettag $0x0;
	lr =	simm.s32 $0x1  }
0x2: {  	[smem:$0x3F95] =	sst lr;
	_ =	strace $0xD0000000  }
0x3: {  	_ = 	snop  }
0x4: {  	_ = 	snop  }
0x5: {  	_ = 	snop  }
0x6: {  	_ = 	snop  }
0x7: {  	_ = 	snop  }
__scs_overlays_trampoline_lowered:
0x8: {  	[smem:$0x3FA4] =	sst s0  }
0x9: {  	[smem:$0x3FA5] =	sst s1  }
0xa: {  	[smem:$0x3FA6] =	sst s2  }
0xb: {  	[smem:$0x3FA7] =	sst s3  }
0xc: {  	[smem:$0x3FA8] =	sst s4  }
0xd: {  	[smem:$0x3FA9] =	sst s5  }
0xe: {  	[smem:$0x3FAA] =	sst s6  }
0xf: {  	[smem:$0x3FAB] =	sst s7  }
0x10: {  	[smem:$0x3FAC] =	sst s8  }
0x11: {  	[smem:$0x3FAD] =	sst s9;
	s0 =	simm.s32 @!p0 $0x0  }
0x12: {  	s1 =	sld [smem:$0x3F93];
	s0 =	simm.s32 @p0 $0x1  }
0x13: {  	[smem:$0x3FAE] =	sst s0;
	s0 =	simm.s32 @!p1 $0x0  }
0x14: {  	s2 =	sld [smem:$0x3F92];
	s0 =	simm.s32 @p1 $0x1  }
0x15: {  	[smem:$0x3FAF] =	sst s0;
	s0 =	simm.s32 @!p2 $0x0  }
0x16: {  	s3 =	sld [smem:$0x3FDB];
	s0 =	simm.s32 @p2 $0x1  }
0x17: {  	s4 =	simm.s32 $0x1BF5;
	[smem:$0x3FB1] =	sst s0  }
0x18: {  	s0 =	sld [smem:$0x3F94];
	_ =	swait.ge [sflag:s4], $0x0  }
0x19: {  	s7 =	sld [smem:$0x3F95]  }
0x1a: {  	s8 =	sadd.s32 $0xFFFFE003, lr  }
0x1b: {  	s9 =	sadd.s32 $0xFFFFFEF7, lr;
	s5 =	simm.s32 $0xFFFFFFFF;
	p2 =	slt.u32 s8, $0xFFFFF086  }
0x1c: {  	p1 =	slt.u32 s9, $0xF7A;
	s5 =	simm.s32 @!p2 $0x0  }
0x1d: {  	s5 =	simm.s32 @p1 $0x1;
	p0 =	seq.s32 s7, s2  }
0x1e: {  	s7 =	smul.u32 @!p0 $0xF7A, s2;
	p2 =	seq.s32 @!p0 s5, $0x0  }
0x1f: {  	s9 =	smul.u32 $0xF7A, s1;
	s8 =	simm.s32 @!p0 $0x1BF5;
	p2 =	por !p2, p0  }
0x20: {  	[sflag:s8] =	ssyncset.s32 @!p0 $0xFFFFF086;
	s6 =	sadd.s32 @!p0 s3, s7;
	s7 =	simm.s32 @!p0 $0x108  }
0x21: {  	s3 =	sadd.s32 s3, s9;
	s6 =	sadd.s32 @!p0 $0x88, s6;
	s7 =	simm.s32 @p2 $0x1082  }
0x22: {  	[simem:s7], [sflag:s8] =	dma.local @!p0 [hbm:s6], $0xF7A  }
0x23: {  	s9 =	sor.u32 $0xD0000000, s2;
	s6 =	simm.s32 $0x108;
	_ =	swait.ge @!p0 [sflag:s8], $0x0  }
0x24: {  	s3 =	sadd.s32 $0x88, s3;
	s6 =	simm.s32 @!p1 $0x1082;
	[sflag:s4] =	ssyncset.s32 $0xFFFFF086  }
0x25: {  	[simem:s6], [sflag:s4] =	dma.local [hbm:s3], $0xF7A  }
0x26: {  	[smem:$0x3F95] =	sst s1;
	(tag) =	ssettag s2;
	_ =	strace s9  }
0x27: {  	s1 =	sld [smem:$0x3FA5]  }
0x28: {  	s2 =	sld [smem:$0x3FA6]  }
0x29: {  	s4 =	sld [smem:$0x3FA8]  }
0x2a: {  	p0 =	seq.s32 s5, $0x0;
	s5 =	sld [smem:$0x3FA9]  }
0x2b: {  	s6 =	sld [smem:$0x3FAA]  }
0x2c: {  	s7 =	sld [smem:$0x3FAB]  }
0x2d: {  	s3 =	simm.s32 $0x108;
	s8 =	sld [smem:$0x3FAC]  }
0x2e: {  	s3 =	simm.s32 @!p0 $0x1082;
	s9 =	sld [smem:$0x3FAD]  }
0x2f: {  	lr =	sadd.s32 s0, s3;
	s0 =	sld [smem:$0x3FA4]  }
0x30: {  	s3 =	sld [smem:$0x3FA7]  }
0x31: {  	[smem:$0x3FB0] =	sst s10  }
0x32: {  	s10 =	sld [smem:$0x3FAE];
	_ =	sdelay $0x3  }
0x33: {  	p0 =	seq.s32 s10, $0x1;
	s10 =	sld [smem:$0x3FB0];
	_ =	sdelay $0x3  }
0x34: {  	[smem:$0x3FB0] =	sst s10  }
0x35: {  	s10 =	sld [smem:$0x3FAF];
	_ =	sdelay $0x3  }
0x36: {  	p1 =	seq.s32 s10, $0x1;
	s10 =	sld [smem:$0x3FB0];
	_ =	sdelay $0x3  }
0x37: {  	[smem:$0x3FB0] =	sst s10  }
0x38: {  	s10 =	sld [smem:$0x3FB1]  }
0x39: {  	_ = 	snop;
	(pc) =	sbr.ind lr, $3  }
0x3a: {  	_ = 	snop  }
0x3b: {  	_ = 	snop  }
0x3c: {  	p2 =	seq.s32 s10, $0x1;
	s10 =	sld [smem:$0x3FB0]  }
0x3d: {  	_ =	shalt  }
0x3e: {  	_ =	shalt  }
0x3f: {  	_ =	shalt  }
0x40: {  	_ =	shalt  }
0x41: {  	_ =	shalt  }
0x42: {  	_ =	shalt  }
0x43: {  	_ =	shalt  }
0x44: {  	_ =	shalt  }
0x45: {  	_ =	shalt  }
0x46: {  	_ =	shalt  }
0x47: {  	_ =	shalt  }
0x48: {  	_ =	shalt  }
0x49: {  	_ =	shalt  }
0x4a: {  	_ =	shalt  }
0x4b: {  	_ =	shalt  }
0x4c: {  	_ =	shalt  }
0x4d: {  	_ =	shalt  }
0x4e: {  	_ =	shalt  }
0x4f: {  	_ =	shalt  }
0x50: {  	_ =	shalt  }
0x51: {  	_ =	shalt  }
0x52: {  	_ =	shalt  }
0x53: {  	_ =	shalt  }
0x54: {  	_ =	shalt  }
0x55: {  	_ =	shalt  }
0x56: {  	_ =	shalt  }
0x57: {  	_ =	shalt  }
0x58: {  	_ =	shalt  }
0x59: {  	_ =	shalt  }
0x5a: {  	_ =	shalt  }
0x5b: {  	_ =	shalt  }
0x5c: {  	_ =	shalt  }
0x5d: {  	_ =	shalt  }
0x5e: {  	_ =	shalt  }
0x5f: {  	_ =	shalt  }
0x60: {  	_ =	shalt  }
0x61: {  	_ =	shalt  }
0x62: {  	_ =	shalt  }
0x63: {  	_ =	shalt  }
0x64: {  	_ =	shalt  }
0x65: {  	_ =	shalt  }
0x66: {  	_ =	shalt  }
0x67: {  	_ =	shalt  }
0x68: {  	_ =	shalt  }
0x69: {  	_ =	shalt  }
0x6a: {  	_ =	shalt  }
0x6b: {  	_ =	shalt  }
0x6c: {  	_ =	shalt  }
0x6d: {  	_ =	shalt  }
0x6e: {  	_ =	shalt  }
0x6f: {  	_ =	shalt  }
0x70: {  	_ =	shalt  }
0x71: {  	_ =	shalt  }
0x72: {  	_ =	shalt  }
0x73: {  	_ =	shalt  }
0x74: {  	_ =	shalt  }
0x75: {  	_ =	shalt  }
0x76: {  	_ =	shalt  }
0x77: {  	_ =	shalt  }
0x78: {  	_ =	shalt  }
0x79: {  	_ =	shalt  }
0x7a: {  	_ =	shalt  }
0x7b: {  	_ =	shalt  }
0x7c: {  	_ =	shalt  }
0x7d: {  	_ =	shalt  }
0x7e: {  	_ =	shalt  }
0x7f: {  	_ =	shalt  }
0x80: {  	_ =	shalt  }
0x81: {  	_ =	shalt  }
0x82: {  	_ =	shalt  }
0x83: {  	_ =	shalt  }
0x84: {  	_ =	shalt  }
0x85: {  	_ =	shalt  }
0x86: {  	_ =	shalt  }
0x87: {  	_ =	shalt  }
.Lfunc_end0:
.L_simem_size_0:
called_computation.2_lowered:
.L_overlay_start_0:
0x88: {  	s2 =	sld [smem:$0x3FD9]  }
0x89: {  	s3 =	sld [smem:$0x3FFE];
	_ =	sdelay $0x1  }
0x8a: {  	s1 =	srdreg.scid  }
0x8b: {  	s0 =	sand.u32 $0x1, s1  }
0x8c: {  	s17 =	sshll.u32 s0, $0xA;
	s2 =	sadd.s32 s3, s2  }
0x8d: {  	s2 =	sadd.s32 s2, s17  }
0x8e: {  	[smem:$0x3FBC] =	sst s2  }
0x8f: {  	_ = 	snop  }
0x90: {  	s2 =	sld [smem:$0x3FD0];
	(tm) =	ssettm $0x1  }
0x91: {  	s18 =	sld [smem:$0x3FFB];
	_ =	sdelay $0x3  }
0x92: {  	_ =	strace s18  }
0x93: {  	s3 =	sld [smem:$0x3FFC];
	_ =	sdelay $0x3  }
0x94: {  	_ =	strace s3  }
0x95: {  	s3 =	sld [smem:$0x3FFD];
	_ =	sdelay $0x3  }
0x96: {  	_ =	strace s3  }
0x97: {  	_ =	strace $0x8FFFFFFF  }
0x98: {  	s19 =	sld [smem:$0x3FDB];
	_ =	sdelay $0x1  }
0x99: {  	s4 =	simm.s32 $_scs_section_size  }
0x9a: {  	s5 =	simm.s32 $_size__tile_overlayer_lowered;
	s6 =	simm.s32 $_tile_overlayer_lowered  }
0x9b: {  	s22 =	simm.s32 $0x1BFF;
	s21 =	sshll.u32 s6, $0x1;
	s3 =	sadd.s32 s4, s19  }
0x9c: {  	s7 =	simm.s32 $0x0;
	s20 =	sshll.u32 s5, $0x1;
	s5 =	sadd.s32 s21, s3  }
0x9d: {  	[timem:s7], [sflag:s22] =	dma.local [hbm:s5], s20  }
0x9e: {  	_ =	swait.ge [sflag:s22], s20  }
0x9f: {  	s4 =	ssub.s32 $0x0, s20;
	[sflag:s22] =	ssyncset.done $0x0  }
0xa0: {  	[sflag:s22] =	ssyncadd.s32 s4;
	_ =	sdelay $0x1  }
0xa1: {  	s23 =	simm.s32 $0x1B8B  }
0xa2: {  	_ =	swait.ge [sflag:s23], $0x1  }
0xa3: {  	[sflag:s23] =	ssyncset.done $0x0  }
0xa4: {  	s25 =	simm.s32 $0x1B8E;
	s24 =	sld [smem:$0x3FFE];
	[sflag:s23] =	ssyncadd.s32 $0xFFFFFFFF  }
0xa5: {  	s26 =	simm.s32 $execute0_lowered;
	[smem:$0x3FD2] =	sst s25  }
0xa6: {  	s5 =	sshll.u32 s26, $0x1;
	_ =	strace $0x8000004C;
	[dreg:$0x1] =	wrdreg $0xFFFFFFFF  }
0xa7: {  	s28 =	simm.s32 $_size_execute0_lowered;
	s3 =	sadd.s32 s3, s5;
	[dreg:$0x0] =	wrdreg $0x0  }
0xa8: {  	s5 =	sshll.u32 s28, $0x1;
	[dreg:$0x2] =	wrdreg s3  }
0xa9: {  	[dreg:$0x3] =	wrdreg s5  }
0xaa: {  	[dreg:$0x4] =	wrdreg $0xC0  }
0xab: {  	_ =	task [dreg:s7], $0x5FFFF  }
0xac: {  	[dreg:$0x1] =	wrdreg $0xFFFFFFFF  }
0xad: {  	[dreg:$0x0] =	wrdreg $0x60  }
0xae: {  	[dreg:$0x2] =	wrdreg s24  }
0xaf: {  	[dreg:$0x3] =	wrdreg s2  }
0xb0: {  	[dreg:$0x4] =	wrdreg $0xB2200  }
0xb1: {  	[dreg:$0x5] =	wrdreg $0x9  }
0xb2: {  	_ =	task.clear_ibuf [dreg:s7], $0x6FFFF;
	_ =	strace $0x9000004C  }
0xb3: {  	s29 =	simm.s32 $0x9;
	_ =	strace $0x8000004E  }
0xb4: {  	_ =	swait.ge [sflag:s29], $0x1  }
0xb5: {  	[sflag:s29] =	ssyncadd.s32 $0xFFFFFFFF  }
0xb6: {  	_ =	strace $0x9000004E  }
0xb7: {  	_ =	sfence  }
0xb8: {  	s30 =	sld [smem:$0x0];
	_ =	sdelay $0x2  }
0xb9: {  	s31 =	sshll.u32 s1, $0xD;
	s1 =	sshrl.u32 s1, $0x2  }
0xba: {  	s3 =	sand.u32 $0x4000, s31;
	s1 =	sadd.s32 s1, s30  }
0xbb: {  	s0 =	sor.u32 s3, s0;
	s1 =	sshll.u32 s1, $0x11  }
0xbc: {  	s0 =	sor.u32 s1, s0  }
0xbd: {  	s0 =	sadd.s32 $0x8F2B, s0  }
0xbe: {  	[sflag:s0] =	ssyncadd.remote.s32 $0x1  }
0xbf: {  	_ =	sfence.sel $0xFFFF  }
0xc0: {  	[dreg:$0x0] =	wrdreg $0xFFFFFFFF;
	(pc) =	sbr.abs _section_cstart, $3  }
0xc1: {  	[dreg:$0x1] =	wrdreg $0xFFFFFFFF  }
0xc2: {  	_ =	task.clear_ibuf [dreg:s7], $0x2FFFF;
	_ =	strace $0x9FFFFFFF  }
0xc3: {  	(tm) =	ssettm $0x7FFFFFFF  }
tec
execute0_lowered:
.L_overlay_start_1:
0x0: {  	(tag) =	ssettag $0x1  }
0x1: {  	s0 =	rddreg [dreg:$0x0]  }
0x2: {  	s3 =	rddreg [dreg:$0x2];
	s4 =	simm.s32 $0x0  }
0x3: {  	s1 =	srdreg.scid;
	s15 =	stileid.u32;
	s10 =	simm.s32 $0xB  }
0x4: {  	s11 =	simm.s32 $0x2710;
	s12 =	simm.s32 $0x28;
	s13 =	simm.s32 $0x4E20  }
0x5: {  	s14 =	simm.s32 $0x6220;
	s16 =	simm.s32 $0x7620;
	s18 =	simm.s32 $0x8A20  }
0x6: {  	s22 =	simm.s32 $0x9E20;
	s23 =	simm.s32 $0x1;
	s24 =	simm.s32 $0x6  }
0x7: {  	s29 =	simm.s32 $0x7;
	s31 =	simm.s32 $0x3;
	s21 =	simm.s32 $0x9  }
0x8: {  	s28 =	simm.s32 $0x5;
	s25 =	simm.s32 $0x0;
	s1 =	sand.u32 $0x1, s1  }
0x9: {  	s2 =	sshll.u32 s15, $0x1;
	s8 =	smul.u32 $0x14000, s15;
	[smem:$0x7FF] =	sst s4  }
0xa: {  	s5 =	sadd.s32 $0x22000, s0;
	s30 =	sshll.u32 s15, $0x6;
	s15 =	simm.s32 $0x4  }
0xb: {  	s2 =	sor.u32 s1, s2;
	s6 =	smul.u32 $0x140000, s1;
	_ =	strace $0x8000004D  }
0xc: {  	s1 =	ssub.s32 $0x2, s1;
	s19 =	sor.u32 $0x1C0B, s30;
	s2 =	smul.u32 $0x4E2, s2  }
0xd: {  	s7 =	sshrl.u32 s1, $0x1;
	s26 =	sadd.s32 s8, s3;
	s6 =	sadd.s32 s8, s6  }
0xe: {  	s1 =	ssub.s32 s1, s7;
	s20 =	sshrl.u32 s26, $0x3;
	s26 =	simm.s32 $0x2  }
0xf: {  	s2 =	sadd.s32 s2, s0;
	s6 =	sshrl.u32 s6, $0x3;
	s9 =	smax.u32 s1, $0x1  }
0x10: {  	s0 =	sadd.s32 s6, s0;
	s6 =	sadd.s32 $0x3E00, s2;
	s7 =	sadd.s32 $0xDC00, s2  }
0x11: {  	s2 =	simm.s32 $0x8;
	s8 =	sadd.s32 $0x49200, s0;
	s0 =	simm.s32 $0xA  }
.LBB2_1:
0x12: {  	[tilespmem:s4], [sflag:$0xB] =	stream.linear.gather [hbm4b:s6+s4], $0x2710, $0x38;
	[tilespmem:$0x1F220] =	vst v63  }
0x13: {  	_ =	swait.ge [sflag:s10], $0x2710  }
0x14: {  	[sflag:s10] =	ssyncset.done $0x0  }
0x15: {  	[sflag:s10] =	ssyncadd.s32 $0xFFFFD8F0  }
0x16: {  	[tilespmem:s11], [sflag:$0xB] =	stream.linear.gather [hbm4b:s7+s4], $0x2710, $0x38;
	[tilespmem:$0x1F220] =	vst v63  }
0x17: {  	_ =	swait.ge [sflag:s10], $0x2710  }
0x18: {  	[sflag:s10] =	ssyncset.done $0x0  }
0x19: {  	[sflag:s10] =	ssyncadd.s32 $0xFFFFD8F0  }
0x1a: {  	[tilespmem:s13], [sflag:$0x1] =	stream.indirect.gather [hbm4b:s5+s12], $0x80, s4, s12, $0xb8;
	[tilespmem:$0x1F220] =	vst v63  }
0x1b: {  	_ = 	snop  }
0x1c: {  	[tilespmem:s14], [sflag:$0x2] =	stream.indirect.gather [hbm4b:s5+s12], $0x80, s12, s12, $0xb8;
	[tilespmem:$0x1F220] =	vst v63  }
0x1d: {  	s1 =	simm.s32 $0x50  }
0x1e: {  	[tilespmem:s16], [sflag:$0x3] =	stream.indirect.gather [hbm4b:s5+s12], $0x80, s1, s12, $0xb8;
	[tilespmem:$0x1F220] =	vst v63  }
0x1f: {  	s17 =	simm.s32 $0x78  }
0x20: {  	[tilespmem:s18], [sflag:$0x4] =	stream.indirect.gather [hbm4b:s5+s12], $0x80, s17, s12, $0xb8;
	[tilespmem:$0x1F220] =	vst v63  }
0x21: {  	s17 =	rddreg [dreg:$0x1]  }
0x22: {  	[spmem:s20], [sflag:s19] =	dma.local [hbm:s17], $0x2800  }
0x23: {  	_ =	swait.ge [sflag:s10], $0x2800  }
0x24: {  	[sflag:s10] =	ssyncset.done $0x0  }
0x25: {  	[sflag:s10] =	ssyncadd.s32 $0xFFFFD800  }
0x26: {  	s17 =	simm.s32 $0xA0;
	[bflag:$0x0] =	sbarrier.arrive $0xFFFF  }
0x27: {  	[tilespmem:s22], [sflag:$0x5] =	stream.indirect.gather [hbm4b:s5+s12], $0x80, s17, s12, $0xb8;
	[tilespmem:$0x1F220] =	vst v63  }
0x28: {  	_ =	swait.ge [sflag:s23], $0x1400  }
0x29: {  	[sflag:s23] =	ssyncset.done $0x0  }
0x2a: {  	[sflag:s23] =	ssyncadd.s32 $0xFFFFEC00  }
0x2b: {  	[spmem:s3] =	stream.indirect.scatter.add.f32 [tilespmem:s13], [sflag:$0x6], $0x80, s11, s12, $0xb8;
	[tilespmem:$0x1F220] =	vst v63  }
0x2c: {  	_ =	swait.ge [sflag:s24], $0x1400  }
0x2d: {  	[sflag:s24] =	ssyncset.done $0x0  }
0x2e: {  	s17 =	simm.s32 $0xC8;
	[sflag:s24] =	ssyncadd.s32 $0xFFFFEC00  }
0x2f: {  	[tilespmem:s13], [sflag:$0x1] =	stream.indirect.gather [hbm4b:s5+s12], $0x80, s17, s12, $0xb8;
	[tilespmem:$0x1F220] =	vst v63  }
0x30: {  	_ =	swait.ge [sflag:s26], $0x1400  }
0x31: {  	[sflag:s26] =	ssyncset.done $0x0  }
0x32: {  	s17 =	simm.s32 $0x2738;
	[sflag:s26] =	ssyncadd.s32 $0xFFFFEC00  }
0x33: {  	[spmem:s3] =	stream.indirect.scatter.add.f32 [tilespmem:s14], [sflag:$0x7], $0x80, s17, s12, $0xb8;
	[tilespmem:$0x1F220] =	vst v63  }
0x34: {  	_ =	swait.ge [sflag:s29], $0x1400  }
0x35: {  	[sflag:s29] =	ssyncset.done $0x0  }
0x36: {  	s17 =	simm.s32 $0xF0;
	[sflag:s29] =	ssyncadd.s32 $0xFFFFEC00  }
0x37: {  	[tilespmem:s14], [sflag:$0x2] =	stream.indirect.gather [hbm4b:s5+s12], $0x80, s17, s12, $0xb8;
	[tilespmem:$0x1F220] =	vst v63  }
0x38: {  	_ =	swait.ge [sflag:s31], $0x1400  }
0x39: {  	[sflag:s31] =	ssyncset.done $0x0  }
0x3a: {  	s17 =	simm.s32 $0x2760;
	[sflag:s31] =	ssyncadd.s32 $0xFFFFEC00  }
0x3b: {  	[spmem:s3] =	stream.indirect.scatter.add.f32 [tilespmem:s16], [sflag:$0x8], $0x80, s17, s12, $0xb8;
	[tilespmem:$0x1F220] =	vst v63  }
0x3c: {  	_ =	swait.ge [sflag:s2], $0x1400  }
0x3d: {  	[sflag:s2] =	ssyncset.done $0x0  }
0x3e: {  	s17 =	simm.s32 $0x118;
	[sflag:s2] =	ssyncadd.s32 $0xFFFFEC00  }
0x3f: {  	[tilespmem:s16], [sflag:$0x3] =	stream.indirect.gather [hbm4b:s5+s12], $0x80, s17, s12, $0xb8;
	[tilespmem:$0x1F220] =	vst v63  }
0x40: {  	_ =	swait.ge [sflag:s15], $0x1400  }
0x41: {  	[sflag:s15] =	ssyncset.done $0x0  }
0x42: {  	s17 =	simm.s32 $0x2788;
	[sflag:s15] =	ssyncadd.s32 $0xFFFFEC00  }
0x43: {  	[spmem:s3] =	stream.indirect.scatter.add.f32 [tilespmem:s18], [sflag:$0x9], $0x80, s17, s12, $0xb8;
	[tilespmem:$0x1F220] =	vst v63  }
0x44: {  	_ =	swait.ge [sflag:s21], $0x1400  }
0x45: {  	[sflag:s21] =	ssyncset.done $0x0  }
0x46: {  	s17 =	simm.s32 $0x140;
	[sflag:s21] =	ssyncadd.s32 $0xFFFFEC00  }
0x47: {  	[tilespmem:s18], [sflag:$0x4] =	stream.indirect.gather [hbm4b:s5+s12], $0x80, s17, s12, $0xb8;
	[tilespmem:$0x1F220] =	vst v63  }
0x48: {  	_ =	swait.ge [sflag:s28], $0x1400  }
0x49: {  	[sflag:s28] =	ssyncset.done $0x0  }
0x4a: {  	s17 =	simm.s32 $0x27B0;
	[sflag:s28] =	ssyncadd.s32 $0xFFFFEC00  }
0x4b: {  	[spmem:s3] =	stream.indirect.scatter.add.f32 [tilespmem:s22], [sflag:$0xA], $0x80, s17, s12, $0xb8;
	[tilespmem:$0x1F220] =	vst v63  }
0x4c: {  	_ =	swait.ge [sflag:s0], $0x1400  }
0x4d: {  	[sflag:s0] =	ssyncset.done $0x0  }
0x4e: {  	s17 =	simm.s32 $0x168;
	[sflag:s0] =	ssyncadd.s32 $0xFFFFEC00  }
0x4f: {  	[tilespmem:s22], [sflag:$0x5] =	stream.indirect.gather [hbm4b:s5+s12], $0x80, s17, s12, $0xb8;
	[tilespmem:$0x1F220] =	vst v63  }
0x50: {  	_ =	swait.ge [sflag:s23], $0x1400  }
0x51: {  	[sflag:s23] =	ssyncset.done $0x0  }
0x52: {  	s17 =	simm.s32 $0x27D8;
	[sflag:s23] =	ssyncadd.s32 $0xFFFFEC00  }
0x53: {  	[spmem:s3] =	stream.indirect.scatter.add.f32 [tilespmem:s13], [sflag:$0x6], $0x80, s17, s12, $0xb8;
	[tilespmem:$0x1F220] =	vst v63  }
0x54: {  	_ =	swait.ge [sflag:s24], $0x1400  }
0x55: {  	[sflag:s24] =	ssyncset.done $0x0  }
0x56: {  	s17 =	simm.s32 $0x190;
	[sflag:s24] =	ssyncadd.s32 $0xFFFFEC00  }
0x57: {  	[tilespmem:s13], [sflag:$0x1] =	stream.indirect.gather [hbm4b:s5+s12], $0x80, s17, s12, $0xb8;
	[tilespmem:$0x1F220] =	vst v63  }
0x58: {  	_ =	swait.ge [sflag:s26], $0x1400  }
0x59: {  	[sflag:s26] =	ssyncset.done $0x0  }
0x5a: {  	s17 =	simm.s32 $0x2800;
	[sflag:s26] =	ssyncadd.s32 $0xFFFFEC00  }
0x5b: {  	[spmem:s3] =	stream.indirect.scatter.add.f32 [tilespmem:s14], [sflag:$0x7], $0x80, s17, s12, $0xb8;
	[tilespmem:$0x1F220] =	vst v63  }
0x5c: {  	_ =	swait.ge [sflag:s29], $0x1400  }
0x5d: {  	[sflag:s29] =	ssyncset.done $0x0  }
0x5e: {  	s17 =	simm.s32 $0x1B8;
	[sflag:s29] =	ssyncadd.s32 $0xFFFFEC00  }
0x5f: {  	[tilespmem:s14], [sflag:$0x2] =	stream.indirect.gather [hbm4b:s5+s12], $0x80, s17, s12, $0xb8;
	[tilespmem:$0x1F220] =	vst v63  }
0x60: {  	_ =	swait.ge [sflag:s31], $0x1400  }
0x61: {  	[sflag:s31] =	ssyncset.done $0x0  }
0x62: {  	s17 =	simm.s32 $0x2828;
	[sflag:s31] =	ssyncadd.s32 $0xFFFFEC00  }
0x63: {  	[spmem:s3] =	stream.indirect.scatter.add.f32 [tilespmem:s16], [sflag:$0x8], $0x80, s17, s12, $0xb8;
	[tilespmem:$0x1F220] =	vst v63  }
0x64: {  	_ =	swait.ge [sflag:s2], $0x1400  }
0x65: {  	[sflag:s2] =	ssyncset.done $0x0  }
0x66: {  	s17 =	simm.s32 $0x1E0;
	[sflag:s2] =	ssyncadd.s32 $0xFFFFEC00  }
0x67: {  	[tilespmem:s16], [sflag:$0x3] =	stream.indirect.gather [hbm4b:s5+s12], $0x80, s17, s12, $0xb8;
	[tilespmem:$0x1F220] =	vst v63  }
0x68: {  	_ =	swait.ge [sflag:s15], $0x1400  }
0x69: {  	[sflag:s15] =	ssyncset.done $0x0  }
0x6a: {  	s17 =	simm.s32 $0x2850;
	[sflag:s15] =	ssyncadd.s32 $0xFFFFEC00  }
0x6b: {  	[spmem:s3] =	stream.indirect.scatter.add.f32 [tilespmem:s18], [sflag:$0x9], $0x80, s17, s12, $0xb8;
	[tilespmem:$0x1F220] =	vst v63  }
0x6c: {  	_ =	swait.ge [sflag:s21], $0x1400  }
0x6d: {  	[sflag:s21] =	ssyncset.done $0x0  }
0x6e: {  	s17 =	simm.s32 $0x208;
	[sflag:s21] =	ssyncadd.s32 $0xFFFFEC00  }
0x6f: {  	[tilespmem:s18], [sflag:$0x4] =	stream.indirect.gather [hbm4b:s5+s12], $0x80, s17, s12, $0xb8;
	[tilespmem:$0x1F220] =	vst v63  }
0x70: {  	_ =	swait.ge [sflag:s28], $0x1400  }
0x71: {  	[sflag:s28] =	ssyncset.done $0x0  }
0x72: {  	s30 =	simm.s32 $0x320;
	s1 =	simm.s32 $0x2878;
	[sflag:s28] =	ssyncadd.s32 $0xFFFFEC00  }
.LBB2_2:
0x73: {  	[spmem:s3] =	stream.indirect.scatter.add.f32 [tilespmem:s22], [sflag:$0xA], $0x80, s1, s12, $0xb8;
	[tilespmem:$0x1F220] =	vst v63  }
0x74: {  	s1 =	smov.u32 s30;
	s30 =	sadd.s32 $0x320, s30;
	_ =	swait.ge [sflag:s0], $0x1400  }
0x75: {  	s1 =	sshra.s32 s1, $0x2;
	p0 =	sne.s32 s30, $0x9600;
	[sflag:s0] =	ssyncset.done $0x0  }
0x76: {  	s17 =	sadd.s32 $0x168, s1;
	[sflag:s0] =	ssyncadd.s32 $0xFFFFEC00  }
0x77: {  	[tilespmem:s22], [sflag:$0x5] =	stream.indirect.gather [hbm4b:s5+s12], $0x80, s17, s12, $0xb8;
	[tilespmem:$0x1F220] =	vst v63  }
0x78: {  	_ =	swait.ge [sflag:s23], $0x1400  }
0x79: {  	[sflag:s23] =	ssyncset.done $0x0  }
0x7a: {  	s17 =	sadd.s32 $0x27D8, s1;
	[sflag:s23] =	ssyncadd.s32 $0xFFFFEC00  }
0x7b: {  	[spmem:s3] =	stream.indirect.scatter.add.f32 [tilespmem:s13], [sflag:$0x6], $0x80, s17, s12, $0xb8;
	[tilespmem:$0x1F220] =	vst v63  }
0x7c: {  	_ =	swait.ge [sflag:s24], $0x1400  }
0x7d: {  	[sflag:s24] =	ssyncset.done $0x0  }
0x7e: {  	s17 =	sadd.s32 $0x190, s1;
	[sflag:s24] =	ssyncadd.s32 $0xFFFFEC00  }
0x7f: {  	[tilespmem:s13], [sflag:$0x1] =	stream.indirect.gather [hbm4b:s5+s12], $0x80, s17, s12, $0xb8;
	[tilespmem:$0x1F220] =	vst v63  }
0x80: {  	_ =	swait.ge [sflag:s26], $0x1400  }
0x81: {  	[sflag:s26] =	ssyncset.done $0x0  }
0x82: {  	s17 =	sadd.s32 $0x2800, s1;
	[sflag:s26] =	ssyncadd.s32 $0xFFFFEC00  }
0x83: {  	[spmem:s3] =	stream.indirect.scatter.add.f32 [tilespmem:s14], [sflag:$0x7], $0x80, s17, s12, $0xb8;
	[tilespmem:$0x1F220] =	vst v63  }
0x84: {  	_ =	swait.ge [sflag:s29], $0x1400  }
0x85: {  	[sflag:s29] =	ssyncset.done $0x0  }
0x86: {  	s17 =	sadd.s32 $0x1B8, s1;
	[sflag:s29] =	ssyncadd.s32 $0xFFFFEC00  }
0x87: {  	[tilespmem:s14], [sflag:$0x2] =	stream.indirect.gather [hbm4b:s5+s12], $0x80, s17, s12, $0xb8;
	[tilespmem:$0x1F220] =	vst v63  }
0x88: {  	_ =	swait.ge [sflag:s31], $0x1400  }
0x89: {  	[sflag:s31] =	ssyncset.done $0x0  }
0x8a: {  	s17 =	sadd.s32 $0x2828, s1;
	[sflag:s31] =	ssyncadd.s32 $0xFFFFEC00  }
0x8b: {  	[spmem:s3] =	stream.indirect.scatter.add.f32 [tilespmem:s16], [sflag:$0x8], $0x80, s17, s12, $0xb8;
	[tilespmem:$0x1F220] =	vst v63  }
0x8c: {  	_ =	swait.ge [sflag:s2], $0x1400  }
0x8d: {  	[sflag:s2] =	ssyncset.done $0x0  }
0x8e: {  	s17 =	sadd.s32 $0x1E0, s1;
	[sflag:s2] =	ssyncadd.s32 $0xFFFFEC00  }
0x8f: {  	[tilespmem:s16], [sflag:$0x3] =	stream.indirect.gather [hbm4b:s5+s12], $0x80, s17, s12, $0xb8;
	[tilespmem:$0x1F220] =	vst v63  }
0x90: {  	_ =	swait.ge [sflag:s15], $0x1400  }
0x91: {  	[sflag:s15] =	ssyncset.done $0x0  }
0x92: {  	s17 =	sadd.s32 $0x2850, s1;
	[sflag:s15] =	ssyncadd.s32 $0xFFFFEC00  }
0x93: {  	[spmem:s3] =	stream.indirect.scatter.add.f32 [tilespmem:s18], [sflag:$0x9], $0x80, s17, s12, $0xb8;
	[tilespmem:$0x1F220] =	vst v63  }
0x94: {  	_ =	swait.ge [sflag:s21], $0x1400  }
0x95: {  	[sflag:s21] =	ssyncset.done $0x0  }
.Ltmp0:
0x96: {  	s17 =	sadd.s32 $0x208, s1;
	[sflag:s21] =	ssyncadd.s32 $0xFFFFEC00;
	(pc) =	sbr.rel @p0 .LBB2_2-.Ltmp0, $4  }
0x97: {  	[tilespmem:s18], [sflag:$0x4] =	stream.indirect.gather [hbm4b:s5+s12], $0x80, s17, s12, $0xb8;
	[tilespmem:$0x1F220] =	vst v63  }
0x98: {  	_ =	swait.ge [sflag:s28], $0x1400  }
0x99: {  	[sflag:s28] =	ssyncset.done $0x0  }
0x9a: {  	s1 =	sadd.s32 $0x2878, s1;
	[sflag:s28] =	ssyncadd.s32 $0xFFFFEC00  }
0x9b: {  	[spmem:s3] =	stream.indirect.scatter.add.f32 [tilespmem:s22], [sflag:$0xA], $0x80, s1, s12, $0xb8;
	[tilespmem:$0x1F220] =	vst v63  }
0x9c: {  	_ =	swait.ge [sflag:s0], $0x1400  }
0x9d: {  	[sflag:s0] =	ssyncset.done $0x0  }
0x9e: {  	s17 =	simm.s32 $0x26E8;
	[sflag:s0] =	ssyncadd.s32 $0xFFFFEC00  }
0x9f: {  	[tilespmem:s22], [sflag:$0x5] =	stream.indirect.gather [hbm4b:s5+s12], $0x80, s17, s12, $0xb8;
	[tilespmem:$0x1F220] =	vst v63  }
0xa0: {  	_ =	swait.ge [sflag:s23], $0x1400  }
0xa1: {  	s1 =	sshra.s32 s30, $0x2;
	[sflag:s23] =	ssyncset.done $0x0  }
0xa2: {  	s17 =	sadd.s32 $0x27D8, s1;
	[sflag:s23] =	ssyncadd.s32 $0xFFFFEC00  }
0xa3: {  	[spmem:s3] =	stream.indirect.scatter.add.f32 [tilespmem:s13], [sflag:$0x6], $0x80, s17, s12, $0xb8;
	[tilespmem:$0x1F220] =	vst v63  }
0xa4: {  	_ =	swait.ge [sflag:s26], $0x1400  }
0xa5: {  	[sflag:s26] =	ssyncset.done $0x0  }
0xa6: {  	s30 =	sadd.s32 $0x2800, s1;
	[sflag:s26] =	ssyncadd.s32 $0xFFFFEC00  }
0xa7: {  	[spmem:s3] =	stream.indirect.scatter.add.f32 [tilespmem:s14], [sflag:$0x7], $0x80, s30, s12, $0xb8;
	[tilespmem:$0x1F220] =	vst v63  }
0xa8: {  	_ =	swait.ge [sflag:s31], $0x1400  }
0xa9: {  	[sflag:s31] =	ssyncset.done $0x0  }
0xaa: {  	s30 =	sadd.s32 $0x2828, s1;
	[sflag:s31] =	ssyncadd.s32 $0xFFFFEC00  }
0xab: {  	[spmem:s3] =	stream.indirect.scatter.add.f32 [tilespmem:s16], [sflag:$0x8], $0x80, s30, s12, $0xb8;
	[tilespmem:$0x1F220] =	vst v63  }
0xac: {  	_ =	swait.ge [sflag:s15], $0x1400  }
0xad: {  	[sflag:s15] =	ssyncset.done $0x0  }
0xae: {  	s1 =	sadd.s32 $0x2850, s1;
	[sflag:s15] =	ssyncadd.s32 $0xFFFFEC00  }
0xaf: {  	[spmem:s3] =	stream.indirect.scatter.add.f32 [tilespmem:s18], [sflag:$0x9], $0x80, s1, s12, $0xb8;
	[tilespmem:$0x1F220] =	vst v63  }
0xb0: {  	_ =	swait.ge [sflag:s28], $0x1400  }
0xb1: {  	[sflag:s28] =	ssyncset.done $0x0  }
0xb2: {  	s30 =	simm.s32 $0x4DF8;
	[sflag:s28] =	ssyncadd.s32 $0xFFFFEC00  }
0xb3: {  	[spmem:s3] =	stream.indirect.scatter.add.f32 [tilespmem:s22], [sflag:$0xA], $0x80, s30, s12, $0xb8;
	[tilespmem:$0x1F220] =	vst v63  }
0xb4: {  	_ =	swait.ge [sflag:s24], $0x1400  }
0xb5: {  	[sflag:s24] =	ssyncset.done $0x0  }
0xb6: {  	[sflag:s24] =	ssyncadd.s32 $0xFFFFEC00  }
0xb7: {  	_ =	swait.ge [sflag:s29], $0x1400  }
0xb8: {  	[sflag:s29] =	ssyncset.done $0x0  }
0xb9: {  	[sflag:s29] =	ssyncadd.s32 $0xFFFFEC00  }
0xba: {  	_ =	swait.ge [sflag:s2], $0x1400  }
0xbb: {  	[sflag:s2] =	ssyncset.done $0x0  }
0xbc: {  	[sflag:s2] =	ssyncadd.s32 $0xFFFFEC00  }
0xbd: {  	_ =	swait.ge [sflag:s21], $0x1400  }
0xbe: {  	[sflag:s21] =	ssyncset.done $0x0  }
0xbf: {  	[sflag:s21] =	ssyncadd.s32 $0xFFFFEC00  }
0xc0: {  	_ =	swait.ge [sflag:s0], $0x1400  }
0xc1: {  	s25 =	sadd.s32 $0x1, s25;
	[sflag:s0] =	ssyncset.done $0x0  }
0xc2: {  	p0 =	sne.s32 s25, s9;
	[sflag:s0] =	ssyncadd.s32 $0xFFFFEC00  }
.Ltmp1:
0xc3: {  	[bflag:$0x0] =	sbarrier.arrive $0xFFFF;
	(pc) =	sbr.rel @p0 .LBB2_1-.Ltmp1, $4  }
0xc4: {  	[hbm:s8], [sflag:s19] =	dma.local [spmem:s20], $0x2800  }
0xc5: {  	_ =	swait.ge [sflag:s10], $0x2800  }
0xc6: {  	[sflag:s10] =	ssyncset.done $0x0  }
0xc7: {  	[sflag:s10] =	ssyncadd.s32 $0xFFFFD800  }
0xc8: {  	_ =	sfence.sel $0x180000  }
0xc9: {  	[bflag:$0x0] =	sbarrier.arrive $0xFFFF  }
0xca: {  	_ =	strace $0x9000004D  }
0xcb: {  	s0 =	stileid.u32;
	[bflag:$0x2] =	sbarrier.arrive $0xFFFF  }
0xcc: {  	p0 =	sne.s32 s0, $0x0;
	s0 =	rddreg [dreg:$0x3]  }
0xcd: {  	s0 =	sadd.s32 @!p0 $0x100000, s0  }
0xce: {  	[sflag:s0] =	ssyncadd.tile.s32 @!p0 $0x1;
	_ =	shalt  }
.Lfunc_end2:
_tile_overlayer_lowered:
.L_overlay_start_2:
0xcf: {  	(tag) =	ssettag $0x2  }
0xd0: {  	s0 =	rddreg [dreg:$0x0];
	s2 =	stileid.u32  }
0xd1: {  	s1 =	rddreg [dreg:$0x1];
	p0 =	sne.s32 s2, $0x0  }
0xd2: {  	s3 =	rddreg [dreg:$0x2];
	[bflag:$0x3] =	sbarrier.arrive $0xFFFF;
	s2 =	simm.s32 @!p0 $0x1C0B  }
0xd3: {  	[timem:s3], [sflag:s2] =	dma.local @!p0 [hbm:s0], s1  }
0xd4: {  	s0 =	simm.s32 @!p0 $0xB  }
0xd5: {  	_ =	swait.ge @!p0 [sflag:s0], s1  }
0xd6: {  	s1 =	ssub.s32 @!p0 $0x0, s1;
	[sflag:s0] =	ssyncset.done @!p0 $0x0  }
0xd7: {  	[sflag:s0] =	ssyncadd.s32 @!p0 s1  }
0xd8: {  	[bflag:$0x3] =	sbarrier.arrive $0xFFFF  }
0xd9: {  	_ =	shalt  }

// kernel: kernel.19.cloned.1.call-start
scs
__scs_entry_jumppad:
0x0: {  	(pc) =	sbr.rel $0x88, $3  }
0x1: {  	(tag) =	ssettag $0x0;
	lr =	simm.s32 $0x1  }
0x2: {  	[smem:$0x3F95] =	sst lr;
	_ =	strace $0xD0000000  }
0x3: {  	_ = 	snop  }
0x4: {  	_ = 	snop  }
0x5: {  	_ = 	snop  }
0x6: {  	_ = 	snop  }
0x7: {  	_ = 	snop  }
__scs_overlays_trampoline_lowered:
0x8: {  	[smem:$0x3FA4] =	sst s0  }
0x9: {  	[smem:$0x3FA5] =	sst s1  }
0xa: {  	[smem:$0x3FA6] =	sst s2  }
0xb: {  	[smem:$0x3FA7] =	sst s3  }
0xc: {  	[smem:$0x3FA8] =	sst s4  }
0xd: {  	[smem:$0x3FA9] =	sst s5  }
0xe: {  	[smem:$0x3FAA] =	sst s6  }
0xf: {  	[smem:$0x3FAB] =	sst s7  }
0x10: {  	[smem:$0x3FAC] =	sst s8  }
0x11: {  	[smem:$0x3FAD] =	sst s9;
	s0 =	simm.s32 @!p0 $0x0  }
0x12: {  	s1 =	sld [smem:$0x3F93];
	s0 =	simm.s32 @p0 $0x1  }
0x13: {  	[smem:$0x3FAE] =	sst s0;
	s0 =	simm.s32 @!p1 $0x0  }
0x14: {  	s2 =	sld [smem:$0x3F92];
	s0 =	simm.s32 @p1 $0x1  }
0x15: {  	[smem:$0x3FAF] =	sst s0;
	s0 =	simm.s32 @!p2 $0x0  }
0x16: {  	s3 =	sld [smem:$0x3FDB];
	s0 =	simm.s32 @p2 $0x1  }
0x17: {  	s4 =	simm.s32 $0x1BF5;
	[smem:$0x3FB1] =	sst s0  }
0x18: {  	s0 =	sld [smem:$0x3F94];
	_ =	swait.ge [sflag:s4], $0x0  }
0x19: {  	s7 =	sld [smem:$0x3F95]  }
0x1a: {  	s8 =	sadd.s32 $0xFFFFE003, lr  }
0x1b: {  	s9 =	sadd.s32 $0xFFFFFEF7, lr;
	s5 =	simm.s32 $0xFFFFFFFF;
	p2 =	slt.u32 s8, $0xFFFFF086  }
0x1c: {  	p1 =	slt.u32 s9, $0xF7A;
	s5 =	simm.s32 @!p2 $0x0  }
0x1d: {  	s5 =	simm.s32 @p1 $0x1;
	p0 =	seq.s32 s7, s2  }
0x1e: {  	s7 =	smul.u32 @!p0 $0xF7A, s2;
	p2 =	seq.s32 @!p0 s5, $0x0  }
0x1f: {  	s9 =	smul.u32 $0xF7A, s1;
	s8 =	simm.s32 @!p0 $0x1BF5;
	p2 =	por !p2, p0  }
0x20: {  	[sflag:s8] =	ssyncset.s32 @!p0 $0xFFFFF086;
	s6 =	sadd.s32 @!p0 s3, s7;
	s7 =	simm.s32 @!p0 $0x108  }
0x21: {  	s3 =	sadd.s32 s3, s9;
	s6 =	sadd.s32 @!p0 $0x88, s6;
	s7 =	simm.s32 @p2 $0x1082  }
0x22: {  	[simem:s7], [sflag:s8] =	dma.local @!p0 [hbm:s6], $0xF7A  }
0x23: {  	s9 =	sor.u32 $0xD0000000, s2;
	s6 =	simm.s32 $0x108;
	_ =	swait.ge @!p0 [sflag:s8], $0x0  }
0x24: {  	s3 =	sadd.s32 $0x88, s3;
	s6 =	simm.s32 @!p1 $0x1082;
	[sflag:s4] =	ssyncset.s32 $0xFFFFF086  }
0x25: {  	[simem:s6], [sflag:s4] =	dma.local [hbm:s3], $0xF7A  }
0x26: {  	[smem:$0x3F95] =	sst s1;
	(tag) =	ssettag s2;
	_ =	strace s9  }
0x27: {  	s1 =	sld [smem:$0x3FA5]  }
0x28: {  	s2 =	sld [smem:$0x3FA6]  }
0x29: {  	s4 =	sld [smem:$0x3FA8]  }
0x2a: {  	p0 =	seq.s32 s5, $0x0;
	s5 =	sld [smem:$0x3FA9]  }
0x2b: {  	s6 =	sld [smem:$0x3FAA]  }
0x2c: {  	s7 =	sld [smem:$0x3FAB]  }
0x2d: {  	s3 =	simm.s32 $0x108;
	s8 =	sld [smem:$0x3FAC]  }
0x2e: {  	s3 =	simm.s32 @!p0 $0x1082;
	s9 =	sld [smem:$0x3FAD]  }
0x2f: {  	lr =	sadd.s32 s0, s3;
	s0 =	sld [smem:$0x3FA4]  }
0x30: {  	s3 =	sld [smem:$0x3FA7]  }
0x31: {  	[smem:$0x3FB0] =	sst s10  }
0x32: {  	s10 =	sld [smem:$0x3FAE];
	_ =	sdelay $0x3  }
0x33: {  	p0 =	seq.s32 s10, $0x1;
	s10 =	sld [smem:$0x3FB0];
	_ =	sdelay $0x3  }
0x34: {  	[smem:$0x3FB0] =	sst s10  }
0x35: {  	s10 =	sld [smem:$0x3FAF];
	_ =	sdelay $0x3  }
0x36: {  	p1 =	seq.s32 s10, $0x1;
	s10 =	sld [smem:$0x3FB0];
	_ =	sdelay $0x3  }
0x37: {  	[smem:$0x3FB0] =	sst s10  }
0x38: {  	s10 =	sld [smem:$0x3FB1]  }
0x39: {  	_ = 	snop;
	(pc) =	sbr.ind lr, $3  }
0x3a: {  	_ = 	snop  }
0x3b: {  	_ = 	snop  }
0x3c: {  	p2 =	seq.s32 s10, $0x1;
	s10 =	sld [smem:$0x3FB0]  }
0x3d: {  	_ =	shalt  }
0x3e: {  	_ =	shalt  }
0x3f: {  	_ =	shalt  }
0x40: {  	_ =	shalt  }
0x41: {  	_ =	shalt  }
0x42: {  	_ =	shalt  }
0x43: {  	_ =	shalt  }
0x44: {  	_ =	shalt  }
0x45: {  	_ =	shalt  }
0x46: {  	_ =	shalt  }
0x47: {  	_ =	shalt  }
0x48: {  	_ =	shalt  }
0x49: {  	_ =	shalt  }
0x4a: {  	_ =	shalt  }
0x4b: {  	_ =	shalt  }
0x4c: {  	_ =	shalt  }
0x4d: {  	_ =	shalt  }
0x4e: {  	_ =	shalt  }
0x4f: {  	_ =	shalt  }
0x50: {  	_ =	shalt  }
0x51: {  	_ =	shalt  }
0x52: {  	_ =	shalt  }
0x53: {  	_ =	shalt  }
0x54: {  	_ =	shalt  }
0x55: {  	_ =	shalt  }
0x56: {  	_ =	shalt  }
0x57: {  	_ =	shalt  }
0x58: {  	_ =	shalt  }
0x59: {  	_ =	shalt  }
0x5a: {  	_ =	shalt  }
0x5b: {  	_ =	shalt  }
0x5c: {  	_ =	shalt  }
0x5d: {  	_ =	shalt  }
0x5e: {  	_ =	shalt  }
0x5f: {  	_ =	shalt  }
0x60: {  	_ =	shalt  }
0x61: {  	_ =	shalt  }
0x62: {  	_ =	shalt  }
0x63: {  	_ =	shalt  }
0x64: {  	_ =	shalt  }
0x65: {  	_ =	shalt  }
0x66: {  	_ =	shalt  }
0x67: {  	_ =	shalt  }
0x68: {  	_ =	shalt  }
0x69: {  	_ =	shalt  }
0x6a: {  	_ =	shalt  }
0x6b: {  	_ =	shalt  }
0x6c: {  	_ =	shalt  }
0x6d: {  	_ =	shalt  }
0x6e: {  	_ =	shalt  }
0x6f: {  	_ =	shalt  }
0x70: {  	_ =	shalt  }
0x71: {  	_ =	shalt  }
0x72: {  	_ =	shalt  }
0x73: {  	_ =	shalt  }
0x74: {  	_ =	shalt  }
0x75: {  	_ =	shalt  }
0x76: {  	_ =	shalt  }
0x77: {  	_ =	shalt  }
0x78: {  	_ =	shalt  }
0x79: {  	_ =	shalt  }
0x7a: {  	_ =	shalt  }
0x7b: {  	_ =	shalt  }
0x7c: {  	_ =	shalt  }
0x7d: {  	_ =	shalt  }
0x7e: {  	_ =	shalt  }
0x7f: {  	_ =	shalt  }
0x80: {  	_ =	shalt  }
0x81: {  	_ =	shalt  }
0x82: {  	_ =	shalt  }
0x83: {  	_ =	shalt  }
0x84: {  	_ =	shalt  }
0x85: {  	_ =	shalt  }
0x86: {  	_ =	shalt  }
0x87: {  	_ =	shalt  }
.Lfunc_end0:
.L_simem_size_0:
called_computation.3_lowered:
.L_overlay_start_0:
0x88: {  	s2 =	sld [smem:$0x3FD9]  }
0x89: {  	s3 =	sld [smem:$0x3FFE];
	_ =	sdelay $0x1  }
0x8a: {  	s1 =	srdreg.scid  }
0x8b: {  	s0 =	sand.u32 $0x1, s1  }
0x8c: {  	s17 =	sshll.u32 s0, $0xA;
	s2 =	sadd.s32 s3, s2  }
0x8d: {  	s2 =	sadd.s32 s2, s17  }
0x8e: {  	[smem:$0x3FBC] =	sst s2  }
0x8f: {  	_ = 	snop  }
0x90: {  	s2 =	sld [smem:$0x3FD0];
	(tm) =	ssettm $0x1  }
0x91: {  	s18 =	sld [smem:$0x3FFB];
	_ =	sdelay $0x3  }
0x92: {  	_ =	strace s18  }
0x93: {  	s3 =	sld [smem:$0x3FFC];
	_ =	sdelay $0x3  }
0x94: {  	_ =	strace s3  }
0x95: {  	s3 =	sld [smem:$0x3FFD];
	_ =	sdelay $0x3  }
0x96: {  	_ =	strace s3  }
0x97: {  	_ =	strace $0x8FFFFFFF  }
0x98: {  	s19 =	sld [smem:$0x3FDB];
	_ =	sdelay $0x1  }
0x99: {  	s4 =	simm.s32 $_scs_section_size  }
0x9a: {  	s5 =	simm.s32 $_size__tile_overlayer_lowered;
	s6 =	simm.s32 $_tile_overlayer_lowered  }
0x9b: {  	s22 =	simm.s32 $0x1BFF;
	s21 =	sshll.u32 s6, $0x1;
	s3 =	sadd.s32 s4, s19  }
0x9c: {  	s7 =	simm.s32 $0x0;
	s20 =	sshll.u32 s5, $0x1;
	s5 =	sadd.s32 s21, s3  }
0x9d: {  	[timem:s7], [sflag:s22] =	dma.local [hbm:s5], s20  }
0x9e: {  	_ =	swait.ge [sflag:s22], s20  }
0x9f: {  	s4 =	ssub.s32 $0x0, s20;
	[sflag:s22] =	ssyncset.done $0x0  }
0xa0: {  	[sflag:s22] =	ssyncadd.s32 s4;
	_ =	sdelay $0x1  }
0xa1: {  	s23 =	simm.s32 $0x1B8B  }
0xa2: {  	_ =	swait.ge [sflag:s23], $0x1  }
0xa3: {  	[sflag:s23] =	ssyncset.done $0x0  }
0xa4: {  	s25 =	simm.s32 $0x1B8E;
	s24 =	sld [smem:$0x3FFE];
	[sflag:s23] =	ssyncadd.s32 $0xFFFFFFFF  }
0xa5: {  	s26 =	simm.s32 $execute0_lowered;
	[smem:$0x3FD2] =	sst s25  }
0xa6: {  	s5 =	sshll.u32 s26, $0x1;
	_ =	strace $0x8000004F;
	[dreg:$0x1] =	wrdreg $0xFFFFFFFF  }
0xa7: {  	s28 =	simm.s32 $_size_execute0_lowered;
	s3 =	sadd.s32 s3, s5;
	[dreg:$0x0] =	wrdreg $0x0  }
0xa8: {  	s5 =	sshll.u32 s28, $0x1;
	[dreg:$0x2] =	wrdreg s3  }
0xa9: {  	[dreg:$0x3] =	wrdreg s5  }
0xaa: {  	[dreg:$0x4] =	wrdreg $0xC0  }
0xab: {  	_ =	task [dreg:s7], $0x5FFFF  }
0xac: {  	[dreg:$0x1] =	wrdreg $0xFFFFFFFF  }
0xad: {  	[dreg:$0x0] =	wrdreg $0x60  }
0xae: {  	[dreg:$0x2] =	wrdreg s2  }
0xaf: {  	[dreg:$0x3] =	wrdreg s24  }
0xb0: {  	[dreg:$0x4] =	wrdreg $0x8E800  }
0xb1: {  	[dreg:$0x5] =	wrdreg $0x9  }
0xb2: {  	_ =	task.clear_ibuf [dreg:s7], $0x6FFFF;
	_ =	strace $0x9000004F  }
0xb3: {  	s29 =	simm.s32 $0x9;
	_ =	strace $0x80000051  }
0xb4: {  	_ =	swait.ge [sflag:s29], $0x1  }
0xb5: {  	[sflag:s29] =	ssyncadd.s32 $0xFFFFFFFF  }
0xb6: {  	_ =	strace $0x90000051  }
0xb7: {  	_ =	sfence  }
0xb8: {  	s30 =	sld [smem:$0x0];
	_ =	sdelay $0x2  }
0xb9: {  	s31 =	sshll.u32 s1, $0xD;
	s1 =	sshrl.u32 s1, $0x2  }
0xba: {  	s3 =	sand.u32 $0x4000, s31;
	s1 =	sadd.s32 s1, s30  }
0xbb: {  	s0 =	sor.u32 s3, s0;
	s1 =	sshll.u32 s1, $0x11  }
0xbc: {  	s0 =	sor.u32 s1, s0  }
0xbd: {  	s0 =	sadd.s32 $0x8F2B, s0  }
0xbe: {  	[sflag:s0] =	ssyncadd.remote.s32 $0x1  }
0xbf: {  	_ =	sfence.sel $0xFFFF  }
0xc0: {  	[dreg:$0x0] =	wrdreg $0xFFFFFFFF;
	(pc) =	sbr.abs _section_cstart, $3  }
0xc1: {  	[dreg:$0x1] =	wrdreg $0xFFFFFFFF  }
0xc2: {  	_ =	task.clear_ibuf [dreg:s7], $0x2FFFF;
	_ =	strace $0x9FFFFFFF  }
0xc3: {  	(tm) =	ssettm $0x7FFFFFFF  }
tec
execute0_lowered:
.L_overlay_start_1:
0x0: {  	(tag) =	ssettag $0x1  }
0x1: {  	s1 =	rddreg [dreg:$0x0]  }
0x2: {  	s0 =	rddreg [dreg:$0x1]  }
0x3: {  	s3 =	rddreg [dreg:$0x2]  }
0x4: {  	s2 =	srdreg.scid;
	s5 =	stileid.u32;
	s7 =	simm.s32 $0x0  }
0x5: {  	s13 =	simm.s32 $0x7D;
	s28 =	simm.s32 $0x86B0;
	s29 =	simm.s32 $0x1  }
0x6: {  	s30 =	simm.s32 $0x3;
	s31 =	simm.s32 $0x5;
	s12 =	simm.s32 $0x8  }
0x7: {  	s18 =	simm.s32 $0x5000;
	s22 =	simm.s32 $0x7EE0;
	s2 =	sand.u32 $0x1, s2  }
0x8: {  	s4 =	sshll.u32 s5, $0x1;
	s5 =	smul.u32 $0x2800, s5;
	[smem:$0x7FF] =	sst s7  }
0x9: {  	s8 =	sadd.s32 $0x21A00, s0;
	s4 =	sor.u32 s2, s4;
	s6 =	smul.u32 $0x28000, s2  }
0xa: {  	_ =	strace $0x80000050;
	s2 =	ssub.s32 $0x2, s2;
	[dreg:$0x4] =	wrdreg s8  }
0xb: {  	s4 =	smul.u32 $0x500, s4;
	s23 =	sshrl.u32 s2, $0x1;
	s25 =	sadd.s32 s5, s3  }
0xc: {  	s6 =	sadd.s32 s5, s6;
	s2 =	ssub.s32 s2, s23;
	[dreg:$0x7] =	wrdreg s25  }
0xd: {  	s5 =	simm.s32 $0x11;
	s4 =	sadd.s32 s4, s0;
	s26 =	smax.u32 s2, $0x1  }
0xe: {  	s6 =	sshrl.u32 s6, $0x3;
	s24 =	sadd.s32 $0x99200, s4;
	[dreg:$0x9] =	wrdreg s26  }
0xf: {  	s0 =	sadd.s32 s6, s0;
	s4 =	sadd.s32 $0x17A00, s4;
	[dreg:$0x5] =	wrdreg s24  }
0x10: {  	s26 =	simm.s32 $0x6F40;
	[dreg:$0x6] =	wrdreg s4;
	s0 =	sadd.s32 $0x3E00, s0  }
0x11: {  	s4 =	simm.s32 $0x0;
	[dreg:$0x8] =	wrdreg s0;
	s0 =	simm.s32 $0x7  }
.LBB2_1:
0x12: {  	[dreg:$0xa] =	wrdreg s4  }
0x13: {  	s2 =	simm.s32 $0x0;
	s16 =	rddreg [dreg:$0x5]  }
0x14: {  	[tilespmem:s2], [sflag:$0x11] =	stream.linear.gather [hbm4b:s16+s2], $0x2800, $0x38;
	[tilespmem:$0xB680] =	vst v63  }
0x15: {  	_ =	swait.ge [sflag:s5], $0x2800  }
0x16: {  	[sflag:s5] =	ssyncset.done $0x0  }
0x17: {  	s6 =	simm.s32 $0x2800;
	s17 =	rddreg [dreg:$0x6];
	[sflag:s5] =	ssyncadd.s32 $0xFFFFD800  }
0x18: {  	[tilespmem:s6], [sflag:$0x11] =	stream.linear.gather [hbm4b:s17+s2], $0x2800, $0x38;
	[tilespmem:$0xB680] =	vst v63  }
0x19: {  	_ =	swait.ge [sflag:s5], $0x2800  }
0x1a: {  	s8 =	simm.s32 $0x5000;
	[sflag:s5] =	ssyncset.done $0x0  }
0x1b: {  	s19 =	simm.s32 $0x80;
	s20 =	simm.s32 $0x57D0;
	[sflag:s5] =	ssyncadd.s32 $0xFFFFD800  }
0x1c: {  	[tilespmem:s8], [sflag:$0x1] =	stream.indirect.gather [hbm4b:s1+s13], $0x10, s2, s13, $0xb8;
	[tilespmem:$0xB680] =	vst v63  }
0x1d: {  	s21 =	simm.s32 $0x100;
	s9 =	simm.s32 $0x5FA0;
	s23 =	simm.s32 $0x180  }
0x1e: {  	[tilespmem:s20], [sflag:$0x2] =	stream.indirect.gather [hbm4b:s1+s13], $0x10, s19, s13, $0xb8;
	[tilespmem:$0xB680] =	vst v63  }
0x1f: {  	s24 =	simm.s32 $0x6770;
	s25 =	simm.s32 $0x200;
	s16 =	rddreg [dreg:$0x7]  }
0x20: {  	[tilespmem:s9], [sflag:$0x3] =	stream.indirect.gather [hbm4b:s1+s13], $0x10, s21, s13, $0xb8;
	[tilespmem:$0xB680] =	vst v63  }
0x21: {  	s10 =	simm.s32 $0x6F40;
	s14 =	stileid.u32;
	s17 =	sshrl.u32 s16, $0x3  }
0x22: {  	[tilespmem:s24], [sflag:$0x4] =	stream.indirect.gather [hbm4b:s1+s13], $0x10, s23, s13, $0xb8;
	[tilespmem:$0xB680] =	vst v63  }
0x23: {  	s4 =	simm.s32 $0x280;
	s2 =	sshll.u32 s14, $0x6;
	[dreg:$0xc] =	wrdreg s17  }
0x24: {  	[tilespmem:s10], [sflag:$0x5] =	stream.indirect.gather [hbm4b:s1+s13], $0x10, s25, s13, $0xb8;
	[tilespmem:$0xB680] =	vst v63  }
0x25: {  	s6 =	simm.s32 $0x7710;
	s15 =	sor.u32 $0x1C11, s2;
	s19 =	rddreg [dreg:$0x4]  }
0x26: {  	[tilespmem:s6], [sflag:$0x6] =	stream.indirect.gather [hbm4b:s1+s13], $0x10, s4, s13, $0xb8;
	[tilespmem:$0xB680] =	vst v63  }
0x27: {  	s7 =	simm.s32 $0x300;
	s11 =	simm.s32 $0x7EE0;
	[dreg:$0xb] =	wrdreg s15  }
0x28: {  	[tilespmem:s11], [sflag:$0x7] =	stream.indirect.gather [hbm4b:s1+s13], $0x10, s7, s13, $0xb8;
	[tilespmem:$0xB680] =	vst v63  }
0x29: {  	[spmem:s17], [sflag:s15] =	dma.local [hbm:s19], $0x500  }
0x2a: {  	_ =	swait.ge [sflag:s5], $0x500  }
0x2b: {  	[sflag:s5] =	ssyncset.done $0x0  }
0x2c: {  	p0 =	por $0x1, $0x1;
	[sflag:s5] =	ssyncadd.s32 $0xFFFFFB00  }
0x2d: {  	s4 =	simm.s32 @!p0 $0x10;
	[bflag:$0x0] =	sbarrier.arrive $0xFFFF  }
0x2e: {  	_ =	swait.ge @!p0 [sflag:s4], $0x7D0  }
0x2f: {  	[sflag:s4] =	ssyncset.done @!p0 $0x0  }
0x30: {  	s20 =	simm.s32 $0x380;
	[sflag:s4] =	ssyncadd.s32 @!p0 $0xFFFFF830  }
0x31: {  	[tilespmem:s28], [sflag:$0x8] =	stream.indirect.gather [hbm4b:s1+s13], $0x10, s20, s13, $0xb8;
	[tilespmem:$0xB680] =	vst v63  }
0x32: {  	_ =	swait.ge [sflag:s29], $0x7D0  }
0x33: {  	p0 =	por $0x0, $0x0;
	[sflag:s29] =	ssyncset.done $0x0  }
0x34: {  	s21 =	simm.s32 $0x2800;
	s7 =	simm.s32 @p0 $0x2;
	[sflag:s29] =	ssyncadd.s32 $0xFFFFF830  }
0x35: {  	[spmem:s3] =	stream.indirect.scatter.add.f32 [tilespmem:s8], [sflag:$0x9], $0x10, s21, s13, $0xb8;
	[tilespmem:$0xB680] =	vst v63  }
0x36: {  	_ =	swait.ge @p0 [sflag:s7], $0x7D0  }
0x37: {  	s4 =	simm.s32 @p0 $0x2880;
	s6 =	simm.s32 @p0 $0x7D;
	[sflag:s7] =	ssyncset.done @p0 $0x0  }
0x38: {  	s8 =	simm.s32 @p0 $0x57D0;
	[sflag:s7] =	ssyncadd.s32 @p0 $0xFFFFF830;
	s7 =	simm.s32 @!p0 $0x9  }
0x39: {  	[spmem:s3] =	stream.indirect.scatter.add.f32 @p0 [tilespmem:s8], [sflag:$0xA], $0x10, s4, s6, $0xb8;
	[tilespmem:$0xB680] =	vst v63  }
0x3a: {  	_ =	swait.ge @!p0 [sflag:s7], $0x7D0  }
0x3b: {  	s8 =	simm.s32 @!p0 $0x400;
	[sflag:s7] =	ssyncset.done @!p0 $0x0  }
0x3c: {  	s4 =	simm.s32 @!p0 $0x7D;
	[sflag:s7] =	ssyncadd.s32 @!p0 $0xFFFFF830;
	s7 =	simm.s32 @!p0 $0x5000  }
0x3d: {  	[tilespmem:s7], [sflag:$0x1] =	stream.indirect.gather @!p0 [hbm4b:s1+s4], $0x10, s8, s4, $0xb8;
	[tilespmem:$0xB680] =	vst v63  }
0x3e: {  	s7 =	simm.s32 @!p0 $0x2  }
0x3f: {  	_ =	swait.ge @!p0 [sflag:s7], $0x7D0  }
0x40: {  	[sflag:s7] =	ssyncset.done @!p0 $0x0  }
0x41: {  	s8 =	simm.s32 @!p0 $0x2880;
	[sflag:s7] =	ssyncadd.s32 @!p0 $0xFFFFF830;
	s7 =	simm.s32 @!p0 $0x57D0  }
0x42: {  	[spmem:s3] =	stream.indirect.scatter.add.f32 @!p0 [tilespmem:s7], [sflag:$0xA], $0x10, s8, s4, $0xb8;
	[tilespmem:$0xB680] =	vst v63  }
0x43: {  	s8 =	simm.s32 @!p0 $0xA  }
0x44: {  	_ =	swait.ge @!p0 [sflag:s8], $0x7D0  }
0x45: {  	[sflag:s8] =	ssyncset.done @!p0 $0x0  }
0x46: {  	[sflag:s8] =	ssyncadd.s32 @!p0 $0xFFFFF830;
	s8 =	simm.s32 @!p0 $0x480  }
0x47: {  	[tilespmem:s7], [sflag:$0x2] =	stream.indirect.gather @!p0 [hbm4b:s1+s4], $0x10, s8, s4, $0xb8;
	[tilespmem:$0xB680] =	vst v63  }
0x48: {  	_ =	swait.ge [sflag:s30], $0x7D0  }
0x49: {  	[sflag:s30] =	ssyncset.done $0x0  }
0x4a: {  	s23 =	simm.s32 $0x2900;
	s8 =	simm.s32 @p0 $0x4;
	[sflag:s30] =	ssyncadd.s32 $0xFFFFF830  }
0x4b: {  	[spmem:s3] =	stream.indirect.scatter.add.f32 [tilespmem:s9], [sflag:$0xB], $0x10, s23, s13, $0xb8;
	[tilespmem:$0xB680] =	vst v63  }
0x4c: {  	_ =	swait.ge @p0 [sflag:s8], $0x7D0  }
0x4d: {  	[sflag:s8] =	ssyncset.done @p0 $0x0  }
0x4e: {  	s7 =	simm.s32 @p0 $0x2980;
	[sflag:s8] =	ssyncadd.s32 @p0 $0xFFFFF830;
	s8 =	simm.s32 @p0 $0x6770  }
0x4f: {  	[spmem:s3] =	stream.indirect.scatter.add.f32 @p0 [tilespmem:s8], [sflag:$0xC], $0x10, s7, s6, $0xb8;
	[tilespmem:$0xB680] =	vst v63  }
0x50: {  	s7 =	simm.s32 @!p0 $0xB  }
0x51: {  	_ =	swait.ge @!p0 [sflag:s7], $0x7D0  }
0x52: {  	[sflag:s7] =	ssyncset.done @!p0 $0x0  }
0x53: {  	s8 =	simm.s32 @!p0 $0x500;
	[sflag:s7] =	ssyncadd.s32 @!p0 $0xFFFFF830;
	s7 =	simm.s32 @!p0 $0x5FA0  }
0x54: {  	[tilespmem:s7], [sflag:$0x3] =	stream.indirect.gather @!p0 [hbm4b:s1+s4], $0x10, s8, s4, $0xb8;
	[tilespmem:$0xB680] =	vst v63  }
0x55: {  	s7 =	simm.s32 @!p0 $0x4  }
0x56: {  	_ =	swait.ge @!p0 [sflag:s7], $0x7D0  }
0x57: {  	[sflag:s7] =	ssyncset.done @!p0 $0x0  }
0x58: {  	s8 =	simm.s32 @!p0 $0x2980;
	[sflag:s7] =	ssyncadd.s32 @!p0 $0xFFFFF830;
	s7 =	simm.s32 @!p0 $0x6770  }
0x59: {  	[spmem:s3] =	stream.indirect.scatter.add.f32 @!p0 [tilespmem:s7], [sflag:$0xC], $0x10, s8, s4, $0xb8;
	[tilespmem:$0xB680] =	vst v63  }
0x5a: {  	s8 =	simm.s32 @!p0 $0xC  }
0x5b: {  	_ =	swait.ge @!p0 [sflag:s8], $0x7D0  }
0x5c: {  	[sflag:s8] =	ssyncset.done @!p0 $0x0  }
0x5d: {  	[sflag:s8] =	ssyncadd.s32 @!p0 $0xFFFFF830;
	s8 =	simm.s32 @!p0 $0x580  }
0x5e: {  	[tilespmem:s7], [sflag:$0x4] =	stream.indirect.gather @!p0 [hbm4b:s1+s4], $0x10, s8, s4, $0xb8;
	[tilespmem:$0xB680] =	vst v63  }
0x5f: {  	_ =	swait.ge [sflag:s31], $0x7D0  }
0x60: {  	[sflag:s31] =	ssyncset.done $0x0  }
0x61: {  	s24 =	simm.s32 $0x2A00;
	s8 =	simm.s32 @p0 $0x6;
	[sflag:s31] =	ssyncadd.s32 $0xFFFFF830  }
0x62: {  	[spmem:s3] =	stream.indirect.scatter.add.f32 [tilespmem:s10], [sflag:$0xD], $0x10, s24, s13, $0xb8;
	[tilespmem:$0xB680] =	vst v63  }
0x63: {  	_ =	swait.ge @p0 [sflag:s8], $0x7D0  }
0x64: {  	[sflag:s8] =	ssyncset.done @p0 $0x0  }
0x65: {  	s7 =	simm.s32 @p0 $0x2A80;
	[sflag:s8] =	ssyncadd.s32 @p0 $0xFFFFF830;
	s8 =	simm.s32 @p0 $0x7710  }
0x66: {  	[spmem:s3] =	stream.indirect.scatter.add.f32 @p0 [tilespmem:s8], [sflag:$0xE], $0x10, s7, s6, $0xb8;
	[tilespmem:$0xB680] =	vst v63  }
0x67: {  	s6 =	simm.s32 @!p0 $0xD  }
0x68: {  	_ =	swait.ge @!p0 [sflag:s6], $0x7D0  }
0x69: {  	[sflag:s6] =	ssyncset.done @!p0 $0x0  }
0x6a: {  	s7 =	simm.s32 @!p0 $0x600;
	[sflag:s6] =	ssyncadd.s32 @!p0 $0xFFFFF830;
	s6 =	simm.s32 @!p0 $0x6F40  }
0x6b: {  	[tilespmem:s6], [sflag:$0x5] =	stream.indirect.gather @!p0 [hbm4b:s1+s4], $0x10, s7, s4, $0xb8;
	[tilespmem:$0xB680] =	vst v63  }
0x6c: {  	s6 =	simm.s32 @!p0 $0x6  }
0x6d: {  	_ =	swait.ge @!p0 [sflag:s6], $0x7D0  }
0x6e: {  	[sflag:s6] =	ssyncset.done @!p0 $0x0  }
0x6f: {  	s7 =	simm.s32 @!p0 $0x2A80;
	[sflag:s6] =	ssyncadd.s32 @!p0 $0xFFFFF830;
	s6 =	simm.s32 @!p0 $0x7710  }
0x70: {  	[spmem:s3] =	stream.indirect.scatter.add.f32 @!p0 [tilespmem:s6], [sflag:$0xE], $0x10, s7, s4, $0xb8;
	[tilespmem:$0xB680] =	vst v63  }
0x71: {  	s7 =	simm.s32 @!p0 $0xE  }
0x72: {  	_ =	swait.ge @!p0 [sflag:s7], $0x7D0  }
0x73: {  	[sflag:s7] =	ssyncset.done @!p0 $0x0  }
0x74: {  	[sflag:s7] =	ssyncadd.s32 @!p0 $0xFFFFF830;
	s7 =	simm.s32 @!p0 $0x680  }
0x75: {  	[tilespmem:s6], [sflag:$0x6] =	stream.indirect.gather @!p0 [hbm4b:s1+s4], $0x10, s7, s4, $0xb8;
	[tilespmem:$0xB680] =	vst v63  }
0x76: {  	_ =	swait.ge [sflag:s0], $0x7D0  }
0x77: {  	[sflag:s0] =	ssyncset.done $0x0  }
0x78: {  	s25 =	simm.s32 $0x2B00;
	s7 =	simm.s32 @!p0 $0xF;
	[sflag:s0] =	ssyncadd.s32 $0xFFFFF830  }
0x79: {  	[spmem:s3] =	stream.indirect.scatter.add.f32 [tilespmem:s11], [sflag:$0xF], $0x10, s25, s13, $0xb8;
	[tilespmem:$0xB680] =	vst v63  }
0x7a: {  	_ =	swait.ge @!p0 [sflag:s7], $0x7D0  }
0x7b: {  	p1 =	por $0x0, $0x0;
	s8 =	simm.s32 $0x1000;
	[sflag:s7] =	ssyncset.done @!p0 $0x0  }
0x7c: {  	s6 =	simm.s32 @!p0 $0x700;
	[sflag:s7] =	ssyncadd.s32 @!p0 $0xFFFFF830;
	s7 =	simm.s32 @!p0 $0x7EE0  }
0x7d: {  	[tilespmem:s7], [sflag:$0x7] =	stream.indirect.gather @!p0 [hbm4b:s1+s4], $0x10, s6, s4, $0xb8;
	[tilespmem:$0xB680] =	vst v63  }
0x7e: {  	s6 =	simm.s32 $0x2000;
	s7 =	simm.s32 $0x2B80;
	_ =	swait.ge [sflag:s12], $0x7D0  }
.LBB2_2:
0x7f: {  	s4 =	simm.s32 @!p1 $0x10  }
0x80: {  	[sflag:s12] =	ssyncset.done $0x0;
	s21 =	smov.u32 s6;
	s6 =	sadd.s32 $0x1000, s6  }
0x81: {  	p0 =	sne.s32 s6, $0xA000;
	[sflag:s12] =	ssyncadd.s32 $0xFFFFF830  }
0x82: {  	[spmem:s3] =	stream.indirect.scatter.add.f32 [tilespmem:s28], [sflag:$0x10], $0x10, s7, s13, $0xb8;
	[tilespmem:$0xB680] =	vst v63  }
0x83: {  	s9 =	sshra.s32 s8, $0x2;
	_ =	swait.ge @!p1 [sflag:s4], $0x7D0  }
0x84: {  	s10 =	sadd.s32 $0x380, s9;
	s7 =	sadd.s32 $0x2B80, s9;
	[sflag:s4] =	ssyncset.done @!p1 $0x0  }
0x85: {  	[sflag:s4] =	ssyncadd.s32 @!p1 $0xFFFFF830  }
0x86: {  	[tilespmem:s28], [sflag:$0x8] =	stream.indirect.gather [hbm4b:s1+s13], $0x10, s10, s13, $0xb8;
	[tilespmem:$0xB680] =	vst v63  }
0x87: {  	_ =	swait.ge [sflag:s29], $0x7D0  }
0x88: {  	s4 =	sadd.s32 $0x2800, s9;
	p1 =	seq.s32 s8, $0x9000;
	[sflag:s29] =	ssyncset.done $0x0  }
0x89: {  	s10 =	simm.s32 @p1 $0x2;
	s16 =	sshra.s32 @p1 s8, $0x2;
	[sflag:s29] =	ssyncadd.s32 $0xFFFFF830  }
0x8a: {  	[spmem:s3] =	stream.indirect.scatter.add.f32 [tilespmem:s18], [sflag:$0x9], $0x10, s4, s13, $0xb8;
	[tilespmem:$0xB680] =	vst v63  }
0x8b: {  	s8 =	sshra.s32 @!p1 s8, $0x2;
	s4 =	sadd.s32 @p1 $0x2880, s16;
	_ =	swait.ge @p1 [sflag:s10], $0x7D0  }
0x8c: {  	s15 =	simm.s32 @p1 $0x7D;
	s17 =	simm.s32 @p1 $0x57D0;
	[sflag:s10] =	ssyncset.done @p1 $0x0  }
0x8d: {  	s19 =	simm.s32 @!p1 $0x9;
	s20 =	sadd.s32 @!p1 $0x400, s8;
	[sflag:s10] =	ssyncadd.s32 @p1 $0xFFFFF830  }
0x8e: {  	[spmem:s3] =	stream.indirect.scatter.add.f32 @p1 [tilespmem:s17], [sflag:$0xA], $0x10, s4, s15, $0xb8;
	[tilespmem:$0xB680] =	vst v63  }
0x8f: {  	s2 =	sadd.s32 @!p1 $0x480, s8;
	s4 =	sadd.s32 @!p1 $0x2880, s8;
	_ =	swait.ge @!p1 [sflag:s19], $0x7D0  }
0x90: {  	s10 =	simm.s32 @!p1 $0x7D;
	s17 =	simm.s32 @!p1 $0x5000;
	[sflag:s19] =	ssyncset.done @!p1 $0x0  }
0x91: {  	s5 =	sadd.s32 @p1 $0x2980, s16;
	[sflag:s19] =	ssyncadd.s32 @!p1 $0xFFFFF830;
	s19 =	simm.s32 @!p1 $0x2  }
0x92: {  	[tilespmem:s17], [sflag:$0x1] =	stream.indirect.gather @!p1 [hbm4b:s1+s10], $0x10, s20, s10, $0xb8;
	[tilespmem:$0xB680] =	vst v63  }
0x93: {  	s11 =	sadd.s32 @!p1 $0x500, s8;
	s24 =	sadd.s32 @!p1 $0x2980, s8;
	_ =	swait.ge @!p1 [sflag:s19], $0x7D0  }
0x94: {  	s25 =	simm.s32 @!p1 $0x57D0;
	s23 =	sadd.s32 @!p1 $0x580, s8;
	[sflag:s19] =	ssyncset.done @!p1 $0x0  }
0x95: {  	s14 =	simm.s32 @!p1 $0xA;
	s20 =	sadd.s32 @p1 $0x2A80, s16;
	[sflag:s19] =	ssyncadd.s32 @!p1 $0xFFFFF830  }
0x96: {  	[spmem:s3] =	stream.indirect.scatter.add.f32 @!p1 [tilespmem:s25], [sflag:$0xA], $0x10, s4, s10, $0xb8;
	[tilespmem:$0xB680] =	vst v63  }
0x97: {  	s17 =	sadd.s32 @!p1 $0x2A80, s8;
	s19 =	sadd.s32 @!p1 $0x600, s8;
	_ =	swait.ge @!p1 [sflag:s14], $0x7D0  }
0x98: {  	s16 =	sadd.s32 @!p1 $0x680, s8;
	s4 =	sadd.s32 @!p1 $0x700, s8;
	[sflag:s14] =	ssyncset.done @!p1 $0x0  }
0x99: {  	s8 =	smov.u32 s21;
	[sflag:s14] =	ssyncadd.s32 @!p1 $0xFFFFF830  }
0x9a: {  	[tilespmem:s25], [sflag:$0x2] =	stream.indirect.gather @!p1 [hbm4b:s1+s10], $0x10, s2, s10, $0xb8;
	[tilespmem:$0xB680] =	vst v63  }
0x9b: {  	_ =	swait.ge [sflag:s30], $0x7D0  }
0x9c: {  	s2 =	sadd.s32 $0x2900, s9;
	[sflag:s30] =	ssyncset.done $0x0  }
0x9d: {  	s21 =	simm.s32 $0x5FA0;
	s14 =	simm.s32 @p1 $0x4;
	[sflag:s30] =	ssyncadd.s32 $0xFFFFF830  }
0x9e: {  	[spmem:s3] =	stream.indirect.scatter.add.f32 [tilespmem:s21], [sflag:$0xB], $0x10, s2, s13, $0xb8;
	[tilespmem:$0xB680] =	vst v63  }
0x9f: {  	_ =	swait.ge @p1 [sflag:s14], $0x7D0  }
0xa0: {  	s2 =	simm.s32 @p1 $0x6770;
	[sflag:s14] =	ssyncset.done @p1 $0x0  }
0xa1: {  	[sflag:s14] =	ssyncadd.s32 @p1 $0xFFFFF830;
	s14 =	simm.s32 @!p1 $0xB  }
0xa2: {  	[spmem:s3] =	stream.indirect.scatter.add.f32 @p1 [tilespmem:s2], [sflag:$0xC], $0x10, s5, s15, $0xb8;
	[tilespmem:$0xB680] =	vst v63  }
0xa3: {  	_ =	swait.ge @!p1 [sflag:s14], $0x7D0  }
0xa4: {  	s2 =	simm.s32 @!p1 $0x5FA0;
	[sflag:s14] =	ssyncset.done @!p1 $0x0  }
0xa5: {  	s5 =	simm.s32 @!p1 $0x4;
	[sflag:s14] =	ssyncadd.s32 @!p1 $0xFFFFF830  }
0xa6: {  	[tilespmem:s2], [sflag:$0x3] =	stream.indirect.gather @!p1 [hbm4b:s1+s10], $0x10, s11, s10, $0xb8;
	[tilespmem:$0xB680] =	vst v63  }
0xa7: {  	_ =	swait.ge @!p1 [sflag:s5], $0x7D0  }
0xa8: {  	s2 =	simm.s32 @!p1 $0x6770;
	[sflag:s5] =	ssyncset.done @!p1 $0x0  }
0xa9: {  	[sflag:s5] =	ssyncadd.s32 @!p1 $0xFFFFF830;
	s5 =	simm.s32 @!p1 $0xC  }
0xaa: {  	[spmem:s3] =	stream.indirect.scatter.add.f32 @!p1 [tilespmem:s2], [sflag:$0xC], $0x10, s24, s10, $0xb8;
	[tilespmem:$0xB680] =	vst v63  }
0xab: {  	_ =	swait.ge @!p1 [sflag:s5], $0x7D0  }
0xac: {  	[sflag:s5] =	ssyncset.done @!p1 $0x0  }
0xad: {  	[sflag:s5] =	ssyncadd.s32 @!p1 $0xFFFFF830  }
0xae: {  	[tilespmem:s2], [sflag:$0x4] =	stream.indirect.gather @!p1 [hbm4b:s1+s10], $0x10, s23, s10, $0xb8;
	[tilespmem:$0xB680] =	vst v63  }
0xaf: {  	_ =	swait.ge [sflag:s31], $0x7D0  }
0xb0: {  	s2 =	sadd.s32 $0x2A00, s9;
	[sflag:s31] =	ssyncset.done $0x0  }
0xb1: {  	s5 =	simm.s32 @p1 $0x6;
	[sflag:s31] =	ssyncadd.s32 $0xFFFFF830  }
0xb2: {  	[spmem:s3] =	stream.indirect.scatter.add.f32 [tilespmem:s26], [sflag:$0xD], $0x10, s2, s13, $0xb8;
	[tilespmem:$0xB680] =	vst v63  }
0xb3: {  	_ =	swait.ge @p1 [sflag:s5], $0x7D0  }
0xb4: {  	s2 =	simm.s32 @p1 $0x7710;
	[sflag:s5] =	ssyncset.done @p1 $0x0  }
0xb5: {  	[sflag:s5] =	ssyncadd.s32 @p1 $0xFFFFF830;
	s5 =	simm.s32 @!p1 $0xD  }
0xb6: {  	[spmem:s3] =	stream.indirect.scatter.add.f32 @p1 [tilespmem:s2], [sflag:$0xE], $0x10, s20, s15, $0xb8;
	[tilespmem:$0xB680] =	vst v63  }
0xb7: {  	_ =	swait.ge @!p1 [sflag:s5], $0x7D0  }
0xb8: {  	s2 =	simm.s32 @!p1 $0x6F40;
	[sflag:s5] =	ssyncset.done @!p1 $0x0  }
0xb9: {  	[sflag:s5] =	ssyncadd.s32 @!p1 $0xFFFFF830;
	s5 =	simm.s32 @!p1 $0x6  }
0xba: {  	[tilespmem:s2], [sflag:$0x5] =	stream.indirect.gather @!p1 [hbm4b:s1+s10], $0x10, s19, s10, $0xb8;
	[tilespmem:$0xB680] =	vst v63  }
0xbb: {  	_ =	swait.ge @!p1 [sflag:s5], $0x7D0  }
0xbc: {  	s2 =	simm.s32 @!p1 $0x7710;
	[sflag:s5] =	ssyncset.done @!p1 $0x0  }
0xbd: {  	[sflag:s5] =	ssyncadd.s32 @!p1 $0xFFFFF830;
	s5 =	simm.s32 @!p1 $0xE  }
0xbe: {  	[spmem:s3] =	stream.indirect.scatter.add.f32 @!p1 [tilespmem:s2], [sflag:$0xE], $0x10, s17, s10, $0xb8;
	[tilespmem:$0xB680] =	vst v63  }
0xbf: {  	_ =	swait.ge @!p1 [sflag:s5], $0x7D0  }
0xc0: {  	[sflag:s5] =	ssyncset.done @!p1 $0x0  }
0xc1: {  	[sflag:s5] =	ssyncadd.s32 @!p1 $0xFFFFF830  }
0xc2: {  	[tilespmem:s2], [sflag:$0x6] =	stream.indirect.gather @!p1 [hbm4b:s1+s10], $0x10, s16, s10, $0xb8;
	[tilespmem:$0xB680] =	vst v63  }
0xc3: {  	_ =	swait.ge [sflag:s0], $0x7D0  }
0xc4: {  	s2 =	sadd.s32 $0x2B00, s9;
	[sflag:s0] =	ssyncset.done $0x0  }
0xc5: {  	s5 =	simm.s32 @!p1 $0xF;
	[sflag:s0] =	ssyncadd.s32 $0xFFFFF830  }
0xc6: {  	[spmem:s3] =	stream.indirect.scatter.add.f32 [tilespmem:s22], [sflag:$0xF], $0x10, s2, s13, $0xb8;
	[tilespmem:$0xB680] =	vst v63  }
.Ltmp0:
0xc7: {  	_ =	swait.ge @!p1 [sflag:s5], $0x7D0;
	(pc) =	sbr.rel @p0 .LBB2_2-.Ltmp0, $4  }
0xc8: {  	s2 =	simm.s32 @!p1 $0x7EE0;
	[sflag:s5] =	ssyncset.done @!p1 $0x0  }
0xc9: {  	[sflag:s5] =	ssyncadd.s32 @!p1 $0xFFFFF830  }
0xca: {  	[tilespmem:s2], [sflag:$0x7] =	stream.indirect.gather @!p1 [hbm4b:s1+s10], $0x10, s4, s10, $0xb8;
	[tilespmem:$0xB680] =	vst v63  }
0xcb: {  	p1 =	seq.s32 s8, $0x0;
	_ =	swait.ge [sflag:s12], $0x7D0  }
0xcc: {  	[sflag:s12] =	ssyncset.done $0x0  }
0xcd: {  	s2 =	simm.s32 @!p1 $0x10;
	[sflag:s12] =	ssyncadd.s32 $0xFFFFF830  }
0xce: {  	[spmem:s3] =	stream.indirect.scatter.add.f32 [tilespmem:s28], [sflag:$0x10], $0x10, s7, s13, $0xb8;
	[tilespmem:$0xB680] =	vst v63  }
0xcf: {  	_ =	swait.ge @!p1 [sflag:s2], $0x7D0  }
0xd0: {  	s4 =	sshra.s32 s8, $0x2;
	[sflag:s2] =	ssyncset.done @!p1 $0x0  }
0xd1: {  	s5 =	sadd.s32 $0x380, s4;
	[sflag:s2] =	ssyncadd.s32 @!p1 $0xFFFFF830  }
0xd2: {  	[tilespmem:s28], [sflag:$0x8] =	stream.indirect.gather [hbm4b:s1+s13], $0x10, s5, s13, $0xb8;
	[tilespmem:$0xB680] =	vst v63  }
0xd3: {  	_ =	swait.ge [sflag:s29], $0x7D0  }
0xd4: {  	p0 =	seq.s32 s8, $0x9000;
	[sflag:s29] =	ssyncset.done $0x0  }
0xd5: {  	s21 =	sadd.s32 $0x2800, s4;
	s5 =	simm.s32 @p0 $0x2;
	[sflag:s29] =	ssyncadd.s32 $0xFFFFF830  }
0xd6: {  	[spmem:s3] =	stream.indirect.scatter.add.f32 [tilespmem:s18], [sflag:$0x9], $0x10, s21, s13, $0xb8;
	[tilespmem:$0xB680] =	vst v63  }
0xd7: {  	s9 =	sshra.s32 @p0 s8, $0x2;
	_ =	swait.ge @p0 [sflag:s5], $0x7D0  }
0xd8: {  	s10 =	simm.s32 @p0 $0x7D;
	s6 =	simm.s32 @p0 $0x57D0;
	[sflag:s5] =	ssyncset.done @p0 $0x0  }
0xd9: {  	s2 =	sadd.s32 @p0 $0x2880, s9;
	[sflag:s5] =	ssyncadd.s32 @p0 $0xFFFFF830;
	s5 =	simm.s32 @!p0 $0x9  }
0xda: {  	[spmem:s3] =	stream.indirect.scatter.add.f32 @p0 [tilespmem:s6], [sflag:$0xA], $0x10, s2, s10, $0xb8;
	[tilespmem:$0xB680] =	vst v63  }
0xdb: {  	_ =	swait.ge @!p0 [sflag:s5], $0x7D0  }
0xdc: {  	s7 =	simm.s32 @!p0 $0x7D;
	s6 =	sshra.s32 @!p0 s8, $0x2;
	[sflag:s5] =	ssyncset.done @!p0 $0x0  }
0xdd: {  	s2 =	sadd.s32 @!p0 $0x400, s6;
	[sflag:s5] =	ssyncadd.s32 @!p0 $0xFFFFF830;
	s5 =	simm.s32 @!p0 $0x5000  }
0xde: {  	[tilespmem:s5], [sflag:$0x1] =	stream.indirect.gather @!p0 [hbm4b:s1+s7], $0x10, s2, s7, $0xb8;
	[tilespmem:$0xB680] =	vst v63  }
0xdf: {  	s2 =	simm.s32 @!p0 $0x2  }
0xe0: {  	_ =	swait.ge @!p0 [sflag:s2], $0x7D0  }
0xe1: {  	[sflag:s2] =	ssyncset.done @!p0 $0x0  }
0xe2: {  	s5 =	sadd.s32 @!p0 $0x2880, s6;
	[sflag:s2] =	ssyncadd.s32 @!p0 $0xFFFFF830;
	s2 =	simm.s32 @!p0 $0x57D0  }
0xe3: {  	[spmem:s3] =	stream.indirect.scatter.add.f32 @!p0 [tilespmem:s2], [sflag:$0xA], $0x10, s5, s7, $0xb8;
	[tilespmem:$0xB680] =	vst v63  }
0xe4: {  	s5 =	simm.s32 @!p0 $0xA  }
0xe5: {  	_ =	swait.ge @!p0 [sflag:s5], $0x7D0  }
0xe6: {  	[sflag:s5] =	ssyncset.done @!p0 $0x0  }
0xe7: {  	[sflag:s5] =	ssyncadd.s32 @!p0 $0xFFFFF830;
	s5 =	sadd.s32 @!p0 $0x480, s6  }
0xe8: {  	[tilespmem:s2], [sflag:$0x2] =	stream.indirect.gather @!p0 [hbm4b:s1+s7], $0x10, s5, s7, $0xb8;
	[tilespmem:$0xB680] =	vst v63  }
0xe9: {  	_ =	swait.ge [sflag:s30], $0x7D0  }
0xea: {  	s24 =	simm.s32 $0x5FA0;
	[sflag:s30] =	ssyncset.done $0x0  }
0xeb: {  	s23 =	sadd.s32 $0x2900, s4;
	s5 =	simm.s32 @p0 $0x4;
	[sflag:s30] =	ssyncadd.s32 $0xFFFFF830  }
0xec: {  	[spmem:s3] =	stream.indirect.scatter.add.f32 [tilespmem:s24], [sflag:$0xB], $0x10, s23, s13, $0xb8;
	[tilespmem:$0xB680] =	vst v63  }
0xed: {  	_ =	swait.ge @p0 [sflag:s5], $0x7D0  }
0xee: {  	[sflag:s5] =	ssyncset.done @p0 $0x0  }
0xef: {  	s2 =	sadd.s32 @p0 $0x2980, s9;
	[sflag:s5] =	ssyncadd.s32 @p0 $0xFFFFF830;
	s5 =	simm.s32 @p0 $0x6770  }
0xf0: {  	[spmem:s3] =	stream.indirect.scatter.add.f32 @p0 [tilespmem:s5], [sflag:$0xC], $0x10, s2, s10, $0xb8;
	[tilespmem:$0xB680] =	vst v63  }
0xf1: {  	s2 =	simm.s32 @!p0 $0xB  }
0xf2: {  	_ =	swait.ge @!p0 [sflag:s2], $0x7D0  }
0xf3: {  	[sflag:s2] =	ssyncset.done @!p0 $0x0  }
0xf4: {  	s5 =	sadd.s32 @!p0 $0x500, s6;
	[sflag:s2] =	ssyncadd.s32 @!p0 $0xFFFFF830;
	s2 =	simm.s32 @!p0 $0x5FA0  }
0xf5: {  	[tilespmem:s2], [sflag:$0x3] =	stream.indirect.gather @!p0 [hbm4b:s1+s7], $0x10, s5, s7, $0xb8;
	[tilespmem:$0xB680] =	vst v63  }
0xf6: {  	s2 =	simm.s32 @!p0 $0x4  }
0xf7: {  	_ =	swait.ge @!p0 [sflag:s2], $0x7D0  }
0xf8: {  	[sflag:s2] =	ssyncset.done @!p0 $0x0  }
0xf9: {  	s5 =	sadd.s32 @!p0 $0x2980, s6;
	[sflag:s2] =	ssyncadd.s32 @!p0 $0xFFFFF830;
	s2 =	simm.s32 @!p0 $0x6770  }
0xfa: {  	[spmem:s3] =	stream.indirect.scatter.add.f32 @!p0 [tilespmem:s2], [sflag:$0xC], $0x10, s5, s7, $0xb8;
	[tilespmem:$0xB680] =	vst v63  }
0xfb: {  	s5 =	simm.s32 @!p0 $0xC  }
0xfc: {  	_ =	swait.ge @!p0 [sflag:s5], $0x7D0  }
0xfd: {  	[sflag:s5] =	ssyncset.done @!p0 $0x0  }
0xfe: {  	[sflag:s5] =	ssyncadd.s32 @!p0 $0xFFFFF830;
	s5 =	sadd.s32 @!p0 $0x580, s6  }
0xff: {  	[tilespmem:s2], [sflag:$0x4] =	stream.indirect.gather @!p0 [hbm4b:s1+s7], $0x10, s5, s7, $0xb8;
	[tilespmem:$0xB680] =	vst v63  }
0x100: {  	_ =	swait.ge [sflag:s31], $0x7D0  }
0x101: {  	[sflag:s31] =	ssyncset.done $0x0  }
0x102: {  	s25 =	sadd.s32 $0x2A00, s4;
	s2 =	simm.s32 @p0 $0x6;
	[sflag:s31] =	ssyncadd.s32 $0xFFFFF830  }
0x103: {  	[spmem:s3] =	stream.indirect.scatter.add.f32 [tilespmem:s26], [sflag:$0xD], $0x10, s25, s13, $0xb8;
	[tilespmem:$0xB680] =	vst v63  }
0x104: {  	_ =	swait.ge @p0 [sflag:s2], $0x7D0  }
0x105: {  	[sflag:s2] =	ssyncset.done @p0 $0x0  }
0x106: {  	s5 =	sadd.s32 @p0 $0x2A80, s9;
	[sflag:s2] =	ssyncadd.s32 @p0 $0xFFFFF830;
	s2 =	simm.s32 @p0 $0x7710  }
0x107: {  	[spmem:s3] =	stream.indirect.scatter.add.f32 @p0 [tilespmem:s2], [sflag:$0xE], $0x10, s5, s10, $0xb8;
	[tilespmem:$0xB680] =	vst v63  }
0x108: {  	s2 =	simm.s32 @!p0 $0xD  }
0x109: {  	_ =	swait.ge @!p0 [sflag:s2], $0x7D0  }
0x10a: {  	[sflag:s2] =	ssyncset.done @!p0 $0x0  }
0x10b: {  	s5 =	sadd.s32 @!p0 $0x600, s6;
	[sflag:s2] =	ssyncadd.s32 @!p0 $0xFFFFF830;
	s2 =	simm.s32 @!p0 $0x6F40  }
0x10c: {  	[tilespmem:s2], [sflag:$0x5] =	stream.indirect.gather @!p0 [hbm4b:s1+s7], $0x10, s5, s7, $0xb8;
	[tilespmem:$0xB680] =	vst v63  }
0x10d: {  	s2 =	simm.s32 @!p0 $0x6  }
0x10e: {  	_ =	swait.ge @!p0 [sflag:s2], $0x7D0  }
0x10f: {  	[sflag:s2] =	ssyncset.done @!p0 $0x0  }
0x110: {  	s5 =	sadd.s32 @!p0 $0x2A80, s6;
	[sflag:s2] =	ssyncadd.s32 @!p0 $0xFFFFF830;
	s2 =	simm.s32 @!p0 $0x7710  }
0x111: {  	[spmem:s3] =	stream.indirect.scatter.add.f32 @!p0 [tilespmem:s2], [sflag:$0xE], $0x10, s5, s7, $0xb8;
	[tilespmem:$0xB680] =	vst v63  }
0x112: {  	s5 =	simm.s32 @!p0 $0xE  }
0x113: {  	_ =	swait.ge @!p0 [sflag:s5], $0x7D0  }
0x114: {  	[sflag:s5] =	ssyncset.done @!p0 $0x0  }
0x115: {  	[sflag:s5] =	ssyncadd.s32 @!p0 $0xFFFFF830;
	s5 =	sadd.s32 @!p0 $0x680, s6  }
0x116: {  	[tilespmem:s2], [sflag:$0x6] =	stream.indirect.gather @!p0 [hbm4b:s1+s7], $0x10, s5, s7, $0xb8;
	[tilespmem:$0xB680] =	vst v63  }
0x117: {  	_ =	swait.ge [sflag:s0], $0x7D0  }
0x118: {  	[sflag:s0] =	ssyncset.done $0x0  }
0x119: {  	s5 =	sadd.s32 $0x2B00, s4;
	s2 =	simm.s32 @!p0 $0xF;
	[sflag:s0] =	ssyncadd.s32 $0xFFFFF830  }
0x11a: {  	[spmem:s3] =	stream.indirect.scatter.add.f32 [tilespmem:s22], [sflag:$0xF], $0x10, s5, s13, $0xb8;
	[tilespmem:$0xB680] =	vst v63  }
0x11b: {  	_ =	swait.ge @!p0 [sflag:s2], $0x7D0  }
0x11c: {  	[sflag:s2] =	ssyncset.done @!p0 $0x0  }
0x11d: {  	s5 =	sadd.s32 @!p0 $0x700, s6;
	[sflag:s2] =	ssyncadd.s32 @!p0 $0xFFFFF830;
	s2 =	simm.s32 @!p0 $0x7EE0  }
0x11e: {  	[tilespmem:s2], [sflag:$0x7] =	stream.indirect.gather @!p0 [hbm4b:s1+s7], $0x10, s5, s7, $0xb8;
	[tilespmem:$0xB680] =	vst v63  }
0x11f: {  	_ =	swait.ge [sflag:s12], $0x7D0  }
0x120: {  	[sflag:s12] =	ssyncset.done $0x0  }
0x121: {  	s8 =	sadd.s32 $0x2B80, s4;
	s9 =	simm.s32 $0x9;
	[sflag:s12] =	ssyncadd.s32 $0xFFFFF830  }
0x122: {  	[spmem:s3] =	stream.indirect.scatter.add.f32 [tilespmem:s28], [sflag:$0x10], $0x10, s8, s13, $0xb8;
	[tilespmem:$0xB680] =	vst v63  }
0x123: {  	_ =	swait.ge [sflag:s9], $0x7D0  }
0x124: {  	[sflag:s9] =	ssyncset.done $0x0  }
0x125: {  	s10 =	simm.s32 $0xA;
	[sflag:s9] =	ssyncadd.s32 $0xFFFFF830  }
0x126: {  	_ =	swait.ge [sflag:s10], $0x7D0  }
0x127: {  	[sflag:s10] =	ssyncset.done $0x0  }
0x128: {  	s11 =	simm.s32 $0xB;
	[sflag:s10] =	ssyncadd.s32 $0xFFFFF830  }
0x129: {  	_ =	swait.ge [sflag:s11], $0x7D0  }
0x12a: {  	[sflag:s11] =	ssyncset.done $0x0  }
0x12b: {  	s14 =	simm.s32 $0xC;
	[sflag:s11] =	ssyncadd.s32 $0xFFFFF830  }
0x12c: {  	_ =	swait.ge [sflag:s14], $0x7D0  }
0x12d: {  	[sflag:s14] =	ssyncset.done $0x0  }
0x12e: {  	s15 =	simm.s32 $0xD;
	[sflag:s14] =	ssyncadd.s32 $0xFFFFF830  }
0x12f: {  	_ =	swait.ge [sflag:s15], $0x7D0  }
0x130: {  	[sflag:s15] =	ssyncset.done $0x0  }
0x131: {  	s16 =	simm.s32 $0xE;
	[sflag:s15] =	ssyncadd.s32 $0xFFFFF830  }
0x132: {  	_ =	swait.ge [sflag:s16], $0x7D0  }
0x133: {  	[sflag:s16] =	ssyncset.done $0x0  }
0x134: {  	s17 =	simm.s32 $0xF;
	[sflag:s16] =	ssyncadd.s32 $0xFFFFF830  }
0x135: {  	_ =	swait.ge [sflag:s17], $0x7D0  }
0x136: {  	[sflag:s17] =	ssyncset.done $0x0  }
0x137: {  	s19 =	simm.s32 $0x10;
	[sflag:s17] =	ssyncadd.s32 $0xFFFFF830  }
0x138: {  	_ =	swait.ge [sflag:s19], $0x7D0  }
0x139: {  	[sflag:s19] =	ssyncset.done $0x0  }
0x13a: {  	[sflag:s19] =	ssyncadd.s32 $0xFFFFF830  }
0x13b: {  	[bflag:$0x0] =	sbarrier.arrive $0xFFFF  }
0x13c: {  	s20 =	rddreg [dreg:$0x8]  }
0x13d: {  	s21 =	rddreg [dreg:$0xb]  }
0x13e: {  	s5 =	simm.s32 $0x11;
	s23 =	rddreg [dreg:$0xc]  }
0x13f: {  	[hbm:s20], [sflag:s21] =	dma.local [spmem:s23], $0x500  }
0x140: {  	_ =	swait.ge [sflag:s5], $0x500  }
0x141: {  	s24 =	rddreg [dreg:$0xa]  }
0x142: {  	s25 =	rddreg [dreg:$0x9];
	s4 =	sadd.s32 $0x1, s24  }
0x143: {  	p0 =	sne.s32 s4, s25  }
.Ltmp1:
0x144: {  	_ = 	snop;
	(pc) =	sbr.rel @p0 .LBB2_1-.Ltmp1, $3  }
0x145: {  	_ =	sdelay $0x1  }
0x146: {  	[sflag:s5] =	ssyncset.done $0x0  }
0x147: {  	[sflag:s5] =	ssyncadd.s32 $0xFFFFFB00  }
0x148: {  	_ =	sfence.sel $0x180000  }
0x149: {  	[bflag:$0x0] =	sbarrier.arrive $0xFFFF  }
0x14a: {  	_ =	strace $0x90000050  }
0x14b: {  	s0 =	stileid.u32;
	[bflag:$0x2] =	sbarrier.arrive $0xFFFF  }
0x14c: {  	p0 =	sne.s32 s0, $0x0;
	s0 =	rddreg [dreg:$0x3]  }
0x14d: {  	s0 =	sadd.s32 @!p0 $0x100000, s0  }
0x14e: {  	[sflag:s0] =	ssyncadd.tile.s32 @!p0 $0x1;
	_ =	shalt  }
.Lfunc_end2:
_tile_overlayer_lowered:
.L_overlay_start_2:
0x14f: {  	(tag) =	ssettag $0x2  }
0x150: {  	s0 =	rddreg [dreg:$0x0];
	s2 =	stileid.u32  }
0x151: {  	s1 =	rddreg [dreg:$0x1];
	p0 =	sne.s32 s2, $0x0  }
0x152: {  	s3 =	rddreg [dreg:$0x2];
	[bflag:$0x3] =	sbarrier.arrive $0xFFFF;
	s2 =	simm.s32 @!p0 $0x1C11  }
0x153: {  	[timem:s3], [sflag:s2] =	dma.local @!p0 [hbm:s0], s1  }
0x154: {  	s0 =	simm.s32 @!p0 $0x11  }
0x155: {  	_ =	swait.ge @!p0 [sflag:s0], s1  }
0x156: {  	s1 =	ssub.s32 @!p0 $0x0, s1;
	[sflag:s0] =	ssyncset.done @!p0 $0x0  }
0x157: {  	[sflag:s0] =	ssyncadd.s32 @!p0 s1  }
0x158: {  	[bflag:$0x3] =	sbarrier.arrive $0xFFFF  }
0x159: {  	_ =	shalt  }

</sc_bundles>
